<compile_context>
chip_gen: v7x
topology: tpu7x:2x2x1
jax: 0.10.2.dev20260603
libtpu: 0.0.44.dev20260713+nightly
codegen_flags: <defaults>
</compile_context>

<pallas_src>
import functools

import jax
import jax.numpy as jnp
from jax import lax
from jax.experimental import pallas as pl
from jax.experimental.pallas import tpu as pltpu
from jax.experimental.pallas import tpu_sc as plsc

D = 256
B = 160000
NC, NS = 2, 16
NW = NC * NS
EDGES_PER_W = B // NW
CHUNK = 40
GROWS = 2 * CHUNK
NCHUNK = EDGES_PER_W // CHUNK
NBUF = 5
PRE = 3
LAG = NBUF - PRE
GROUPS = NCHUNK // NBUF

_mesh = plsc.VectorSubcoreMesh(core_axis_name="c", subcore_axis_name="s")


@functools.partial(
    pl.kernel,
    mesh=_mesh,
    out_type=jax.ShapeDtypeStruct((B, 2 * D), jnp.float32),
    scratch_types=[
        pltpu.VMEM((NCHUNK, GROWS), jnp.int32),
        pltpu.VMEM((NBUF, GROWS, D), jnp.float32),
    ]
    + [pltpu.SemaphoreType.DMA] * (3 * NBUF),
)
def _gather(z_hbm, idx_hbm, out_hbm, idx_v, rows, *sems):
    gsem = sems[:NBUF]
    wsem = (sems[NBUF : 2 * NBUF], sems[2 * NBUF :])
    wid = lax.axis_index("s") * NC + lax.axis_index("c")
    pltpu.sync_copy(idx_hbm.at[wid], idx_v)
    row0 = wid * EDGES_PER_W

    def fire_gather(c, b):
        pltpu.async_copy(z_hbm.at[idx_v.at[c]], rows.at[b], gsem[b])

    def wait_gather(c, b):
        pltpu.make_async_copy(z_hbm.at[idx_v.at[c]], rows.at[b], gsem[b]).wait()

    def copy_write(c, b, h):
        return pltpu.make_async_copy(
            rows.at[b, pl.ds(h * CHUNK, CHUNK)],
            out_hbm.at[pl.ds(row0 + c * CHUNK, CHUNK), pl.ds(h * D, D)],
            wsem[h][b],
        )

    def fire_write(c, b):
        copy_write(c, b, 0).start()
        copy_write(c, b, 1).start()

    def wait_write(c, b):
        copy_write(c, b, 0).wait()
        copy_write(c, b, 1).wait()

    def step(c, b):
        wait_gather(c, b)
        fire_write(c, b)
        f = c + PRE
        if f < NCHUNK:
            bf = (b + PRE) % NBUF
            if c >= LAG:
                wait_write(c - LAG, bf)
            fire_gather(f, bf)

    for c in range(PRE):
        fire_gather(c, c)
    for b in range(NBUF):
        step(b, b)

    def mid_group(g, carry):
        for b in range(NBUF):
            c = g * NBUF + b
            wait_gather(c, b)
            fire_write(c, b)
            bf = (b + PRE) % NBUF
            wait_write(c - LAG, bf)
            fire_gather(c + PRE, bf)
        return carry

    lax.fori_loop(1, GROUPS - 1, mid_group, 0, unroll=False)

    for b in range(NBUF):
        step((GROUPS - 1) * NBUF + b, b)
    for b in range(NBUF):
        wait_write((GROUPS - 1) * NBUF + b, b)


def kernel(z, edge_label_index):
    idx = edge_label_index.astype(jnp.int32).reshape(2, NW, NCHUNK, CHUNK)
    idx = idx.transpose(1, 2, 0, 3).reshape(NW, NCHUNK, GROWS)
    return _gather(z, idx)

# --- scband reference (transcript-rebuilt; emitter-appended) ---
"""Pipeline reference for scband-edge-encoder-1-82652350644588 (READ-ONLY COPY).

The authoritative reference and input builder live on the scoring server;
editing this copy changes nothing except your own understanding.
"""

import jax, jax.numpy as jnp
import numpy as np


def setup_inputs(seed: int = 0) -> dict:
    key = jax.random.key(seed)
    k1, k2 = jax.random.split(key)
    z = jax.random.normal(k1, (10000, 256), dtype=jnp.float32)
    edge_label_index = jax.random.randint(k2, (2, 160000), 0, 10000, dtype=jnp.int64 if jax.config.jax_enable_x64 else jnp.int32)
    return {"z": z, "edge_label_index": edge_label_index}


def reference(z, edge_label_index):
    src = jnp.take(z, edge_label_index[0], axis=0)
    dst = jnp.take(z, edge_label_index[1], axis=0)
    x = jnp.concatenate([src, dst], axis=1)
    return x

if __name__ == "__main__":
    import jax
    _d = setup_inputs()
    print(jax.jit(kernel)(*tuple(_d.values())))

</pallas_src>

<mosaic_0001>
#map = affine_map<(d0, d1) -> (0, 0)>
#map1 = affine_map<(d0, d1) -> (0, 0, 0)>
module attributes {stable_mosaic.version = 14 : i64} {
  func.func @_gather(%arg0: i32, %arg1: i32, %arg2: memref<10000x256xf32, #tpu.memory_space<hbm>>, %arg3: memref<32x125x80xi32, #tpu.memory_space<hbm>>, %arg4: memref<160000x512xf32, #tpu.memory_space<hbm>>, %arg5: memref<125x80xi32, #tpu.memory_space<vmem>>, %arg6: memref<5x80x256xf32, #tpu.memory_space<vmem>>, %arg7: memref<!tpu.dma_semaphore, #tpu.memory_space<semaphore_mem>>, %arg8: memref<!tpu.dma_semaphore, #tpu.memory_space<semaphore_mem>>, %arg9: memref<!tpu.dma_semaphore, #tpu.memory_space<semaphore_mem>>, %arg10: memref<!tpu.dma_semaphore, #tpu.memory_space<semaphore_mem>>, %arg11: memref<!tpu.dma_semaphore, #tpu.memory_space<semaphore_mem>>, %arg12: memref<!tpu.dma_semaphore, #tpu.memory_space<semaphore_mem>>, %arg13: memref<!tpu.dma_semaphore, #tpu.memory_space<semaphore_mem>>, %arg14: memref<!tpu.dma_semaphore, #tpu.memory_space<semaphore_mem>>, %arg15: memref<!tpu.dma_semaphore, #tpu.memory_space<semaphore_mem>>, %arg16: memref<!tpu.dma_semaphore, #tpu.memory_space<semaphore_mem>>, %arg17: memref<!tpu.dma_semaphore, #tpu.memory_space<semaphore_mem>>, %arg18: memref<!tpu.dma_semaphore, #tpu.memory_space<semaphore_mem>>, %arg19: memref<!tpu.dma_semaphore, #tpu.memory_space<semaphore_mem>>, %arg20: memref<!tpu.dma_semaphore, #tpu.memory_space<semaphore_mem>>, %arg21: memref<!tpu.dma_semaphore, #tpu.memory_space<semaphore_mem>>) attributes {dimension_semantics = [#tpu.dimension_semantics<core_parallel>, #tpu.dimension_semantics<subcore_parallel>], iteration_bounds = array<i64: 2, 16>, scalar_prefetch = 0 : i64, scratch_operands = 17 : i64, tpu.core_type = #tpu.core_type<sc_vector_subcore>, window_params = [{transform_indices = #map}, {transform_indices = #map1}, {transform_indices = #map}]} {
    %mul3A = arith.constant 2 : i32
    %mul3A_0 = arith.muli %arg1, %mul3A : i32
    %add3A = arith.addi %mul3A_0, %arg0 : i32
    "tpu.region"() ({
      %run_scoped3A = tpu.sem_alloc : memref<!tpu.dma_semaphore, #tpu.memory_space<semaphore_mem>>
      %dma_start3A_846 = arith.constant 0 : i32
      %dma_start3A_847 = arith.constant 0 : i32
      %dma_start3A_848 = tpu.memref_slice %arg3[%add3A, %dma_start3A_846, %dma_start3A_847] : memref<32x125x80xi32, #tpu.memory_space<hbm>> -> memref<1x125x80xi32, #tpu.memory_space<hbm>>
      %dma_start3A_849 = tpu.memref_squeeze %dma_start3A_848 : memref<1x125x80xi32, #tpu.memory_space<hbm>> -> memref<125x80xi32, #tpu.memory_space<hbm>>
      %dma_start3A_850 = arith.constant 0 : i32
      %dma_start3A_851 = arith.constant 0 : i32
      %dma_start3A_852 = tpu.memref_slice %arg3[%add3A, %dma_start3A_850, %dma_start3A_851] : memref<32x125x80xi32, #tpu.memory_space<hbm>> -> memref<1x125x80xi32, #tpu.memory_space<hbm>>
      %dma_start3A_853 = tpu.memref_squeeze %dma_start3A_852 : memref<1x125x80xi32, #tpu.memory_space<hbm>> -> memref<125x80xi32, #tpu.memory_space<hbm>>
      tpu.enqueue_dma source(%dma_start3A_853 : memref<125x80xi32, #tpu.memory_space<hbm>>) target(%arg5 : memref<125x80xi32, #tpu.memory_space<vmem>>) target_semaphore(%run_scoped3A : memref<!tpu.dma_semaphore, #tpu.memory_space<semaphore_mem>>)
      %dma_wait3A_854 = arith.constant 0 : i32
      %dma_wait3A_855 = arith.constant 0 : i32
      %dma_wait3A_856 = tpu.memref_slice %arg3[%add3A, %dma_wait3A_854, %dma_wait3A_855] : memref<32x125x80xi32, #tpu.memory_space<hbm>> -> memref<1x125x80xi32, #tpu.memory_space<hbm>>
      %dma_wait3A_857 = tpu.memref_squeeze %dma_wait3A_856 : memref<1x125x80xi32, #tpu.memory_space<hbm>> -> memref<125x80xi32, #tpu.memory_space<hbm>>
      %dma_wait3A_858 = arith.constant 0 : i32
      %dma_wait3A_859 = arith.constant 0 : i32
      %dma_wait3A_860 = tpu.memref_slice %arg3[%add3A, %dma_wait3A_858, %dma_wait3A_859] : memref<32x125x80xi32, #tpu.memory_space<hbm>> -> memref<1x125x80xi32, #tpu.memory_space<hbm>>
      %dma_wait3A_861 = tpu.memref_squeeze %dma_wait3A_860 : memref<1x125x80xi32, #tpu.memory_space<hbm>> -> memref<125x80xi32, #tpu.memory_space<hbm>>
      tpu.wait_dma2 semaphore(%run_scoped3A : memref<!tpu.dma_semaphore, #tpu.memory_space<semaphore_mem>>) src(%dma_wait3A_861 : memref<125x80xi32, #tpu.memory_space<hbm>>) dst(%arg5 : memref<125x80xi32, #tpu.memory_space<vmem>>)
      tpu.yield
    }) : () -> ()
    %mul3A_1 = arith.constant 5000 : i32
    %mul3A_2 = arith.muli %add3A, %mul3A_1 : i32
    %dma_start3A = arith.constant 0 : i32
    %dma_start3A_3 = arith.constant 0 : i32
    %dma_start3A_4 = arith.constant 0 : i32
    %dma_start3A_5 = arith.constant 0 : i32
    %dma_start3A_6 = tpu.memref_slice %arg6[%dma_start3A_3, %dma_start3A_4, %dma_start3A_5] : memref<5x80x256xf32, #tpu.memory_space<vmem>> -> memref<1x80x256xf32, #tpu.memory_space<vmem>>
    %dma_start3A_7 = tpu.memref_squeeze %dma_start3A_6 : memref<1x80x256xf32, #tpu.memory_space<vmem>> -> memref<80x256xf32, #tpu.memory_space<vmem>>
    %dma_start3A_8 = arith.constant 0 : i32
    %dma_start3A_9 = tpu.memref_slice %arg5[%dma_start3A, %dma_start3A_8] : memref<125x80xi32, #tpu.memory_space<vmem>> -> memref<1x80xi32, #tpu.memory_space<vmem>>
    %dma_start3A_10 = tpu.memref_squeeze %dma_start3A_9 : memref<1x80xi32, #tpu.memory_space<vmem>> -> memref<80xi32, #tpu.memory_space<vmem>>
    %dma_start3A_11 = arith.constant 0 : i32
    %dma_start3A_12 = arith.constant 0 : i32
    %dma_start3A_13 = tpu.memref_slice %arg2[%dma_start3A_11, %dma_start3A_12] : memref<10000x256xf32, #tpu.memory_space<hbm>> -> memref<10000x256xf32, #tpu.memory_space<hbm>>
    tpu.enqueue_indirect_dma source(%dma_start3A_13 : memref<10000x256xf32, #tpu.memory_space<hbm>>) target(%dma_start3A_7 : memref<80x256xf32, #tpu.memory_space<vmem>>) offsets(%dma_start3A_10 : memref<80xi32, #tpu.memory_space<vmem>>) semaphore(%arg7 : memref<!tpu.dma_semaphore, #tpu.memory_space<semaphore_mem>>)
    %dma_start3A_14 = arith.constant 1 : i32
    %dma_start3A_15 = arith.constant 1 : i32
    %dma_start3A_16 = arith.constant 0 : i32
    %dma_start3A_17 = arith.constant 0 : i32
    %dma_start3A_18 = tpu.memref_slice %arg6[%dma_start3A_15, %dma_start3A_16, %dma_start3A_17] : memref<5x80x256xf32, #tpu.memory_space<vmem>> -> memref<1x80x256xf32, #tpu.memory_space<vmem>>
    %dma_start3A_19 = tpu.memref_squeeze %dma_start3A_18 : memref<1x80x256xf32, #tpu.memory_space<vmem>> -> memref<80x256xf32, #tpu.memory_space<vmem>>
    %dma_start3A_20 = arith.constant 0 : i32
    %dma_start3A_21 = tpu.memref_slice %arg5[%dma_start3A_14, %dma_start3A_20] : memref<125x80xi32, #tpu.memory_space<vmem>> -> memref<1x80xi32, #tpu.memory_space<vmem>>
    %dma_start3A_22 = tpu.memref_squeeze %dma_start3A_21 : memref<1x80xi32, #tpu.memory_space<vmem>> -> memref<80xi32, #tpu.memory_space<vmem>>
    %dma_start3A_23 = arith.constant 0 : i32
    %dma_start3A_24 = arith.constant 0 : i32
    %dma_start3A_25 = tpu.memref_slice %arg2[%dma_start3A_23, %dma_start3A_24] : memref<10000x256xf32, #tpu.memory_space<hbm>> -> memref<10000x256xf32, #tpu.memory_space<hbm>>
    tpu.enqueue_indirect_dma source(%dma_start3A_25 : memref<10000x256xf32, #tpu.memory_space<hbm>>) target(%dma_start3A_19 : memref<80x256xf32, #tpu.memory_space<vmem>>) offsets(%dma_start3A_22 : memref<80xi32, #tpu.memory_space<vmem>>) semaphore(%arg8 : memref<!tpu.dma_semaphore, #tpu.memory_space<semaphore_mem>>)
    %dma_start3A_26 = arith.constant 2 : i32
    %dma_start3A_27 = arith.constant 2 : i32
    %dma_start3A_28 = arith.constant 0 : i32
    %dma_start3A_29 = arith.constant 0 : i32
    %dma_start3A_30 = tpu.memref_slice %arg6[%dma_start3A_27, %dma_start3A_28, %dma_start3A_29] : memref<5x80x256xf32, #tpu.memory_space<vmem>> -> memref<1x80x256xf32, #tpu.memory_space<vmem>>
    %dma_start3A_31 = tpu.memref_squeeze %dma_start3A_30 : memref<1x80x256xf32, #tpu.memory_space<vmem>> -> memref<80x256xf32, #tpu.memory_space<vmem>>
    %dma_start3A_32 = arith.constant 0 : i32
    %dma_start3A_33 = tpu.memref_slice %arg5[%dma_start3A_26, %dma_start3A_32] : memref<125x80xi32, #tpu.memory_space<vmem>> -> memref<1x80xi32, #tpu.memory_space<vmem>>
    %dma_start3A_34 = tpu.memref_squeeze %dma_start3A_33 : memref<1x80xi32, #tpu.memory_space<vmem>> -> memref<80xi32, #tpu.memory_space<vmem>>
    %dma_start3A_35 = arith.constant 0 : i32
    %dma_start3A_36 = arith.constant 0 : i32
    %dma_start3A_37 = tpu.memref_slice %arg2[%dma_start3A_35, %dma_start3A_36] : memref<10000x256xf32, #tpu.memory_space<hbm>> -> memref<10000x256xf32, #tpu.memory_space<hbm>>
    tpu.enqueue_indirect_dma source(%dma_start3A_37 : memref<10000x256xf32, #tpu.memory_space<hbm>>) target(%dma_start3A_31 : memref<80x256xf32, #tpu.memory_space<vmem>>) offsets(%dma_start3A_34 : memref<80xi32, #tpu.memory_space<vmem>>) semaphore(%arg9 : memref<!tpu.dma_semaphore, #tpu.memory_space<semaphore_mem>>)
    %dma_wait3A = arith.constant 0 : i32
    %dma_wait3A_38 = arith.constant 0 : i32
    %dma_wait3A_39 = arith.constant 0 : i32
    %dma_wait3A_40 = arith.constant 0 : i32
    %dma_wait3A_41 = tpu.memref_slice %arg6[%dma_wait3A_38, %dma_wait3A_39, %dma_wait3A_40] : memref<5x80x256xf32, #tpu.memory_space<vmem>> -> memref<1x80x256xf32, #tpu.memory_space<vmem>>
    %dma_wait3A_42 = tpu.memref_squeeze %dma_wait3A_41 : memref<1x80x256xf32, #tpu.memory_space<vmem>> -> memref<80x256xf32, #tpu.memory_space<vmem>>
    %dma_wait3A_43 = arith.constant 0 : i32
    %dma_wait3A_44 = tpu.memref_slice %arg5[%dma_wait3A, %dma_wait3A_43] : memref<125x80xi32, #tpu.memory_space<vmem>> -> memref<1x80xi32, #tpu.memory_space<vmem>>
    %dma_wait3A_45 = tpu.memref_squeeze %dma_wait3A_44 : memref<1x80xi32, #tpu.memory_space<vmem>> -> memref<80xi32, #tpu.memory_space<vmem>>
    %dma_wait3A_46 = arith.constant 0 : i32
    %dma_wait3A_47 = arith.constant 0 : i32
    %dma_wait3A_48 = tpu.memref_slice %arg2[%dma_wait3A_46, %dma_wait3A_47] : memref<10000x256xf32, #tpu.memory_space<hbm>> -> memref<10000x256xf32, #tpu.memory_space<hbm>>
    tpu.wait_indirect_dma semaphore(%arg7 : memref<!tpu.dma_semaphore, #tpu.memory_space<semaphore_mem>>) src(%dma_wait3A_48 : memref<10000x256xf32, #tpu.memory_space<hbm>>) dst(%dma_wait3A_42 : memref<80x256xf32, #tpu.memory_space<vmem>>)
    %add3A_49 = arith.constant 0 : i32
    %add3A_50 = arith.addi %mul3A_2, %add3A_49 : i32
    %dma_start3A_51 = arith.constant 0 : i32
    %dma_start3A_52 = arith.constant 0 : i32
    %dma_start3A_53 = arith.constant 0 : i32
    %dma_start3A_54 = tpu.memref_slice %arg6[%dma_start3A_51, %dma_start3A_52, %dma_start3A_53] : memref<5x80x256xf32, #tpu.memory_space<vmem>> -> memref<1x40x256xf32, #tpu.memory_space<vmem>>
    %dma_start3A_55 = tpu.memref_squeeze %dma_start3A_54 : memref<1x40x256xf32, #tpu.memory_space<vmem>> -> memref<40x256xf32, #tpu.memory_space<vmem>>
    %dma_start3A_56 = arith.constant 0 : i32
    %dma_start3A_57 = tpu.memref_slice %arg4[%add3A_50, %dma_start3A_56] : memref<160000x512xf32, #tpu.memory_space<hbm>> -> memref<40x256xf32, #tpu.memory_space<hbm>>
    %dma_start3A_58 = arith.constant 0 : i32
    %dma_start3A_59 = tpu.memref_slice %arg4[%add3A_50, %dma_start3A_58] : memref<160000x512xf32, #tpu.memory_space<hbm>> -> memref<40x256xf32, #tpu.memory_space<hbm>>
    %dma_start3A_60 = arith.constant 0 : i32
    %dma_start3A_61 = arith.constant 0 : i32
    %dma_start3A_62 = tpu.memref_slice %arg6[%dma_start3A_51, %dma_start3A_60, %dma_start3A_61] : memref<5x80x256xf32, #tpu.memory_space<vmem>> -> memref<1x40x256xf32, #tpu.memory_space<vmem>>
    %dma_start3A_63 = tpu.memref_squeeze %dma_start3A_62 : memref<1x40x256xf32, #tpu.memory_space<vmem>> -> memref<40x256xf32, #tpu.memory_space<vmem>>
    tpu.enqueue_dma source(%dma_start3A_63 : memref<40x256xf32, #tpu.memory_space<vmem>>) target(%dma_start3A_59 : memref<40x256xf32, #tpu.memory_space<hbm>>) target_semaphore(%arg12 : memref<!tpu.dma_semaphore, #tpu.memory_space<semaphore_mem>>)
    %add3A_64 = arith.constant 0 : i32
    %add3A_65 = arith.addi %mul3A_2, %add3A_64 : i32
    %dma_start3A_66 = arith.constant 0 : i32
    %dma_start3A_67 = arith.constant 40 : i32
    %dma_start3A_68 = arith.constant 0 : i32
    %dma_start3A_69 = tpu.memref_slice %arg6[%dma_start3A_66, %dma_start3A_67, %dma_start3A_68] : memref<5x80x256xf32, #tpu.memory_space<vmem>> -> memref<1x40x256xf32, #tpu.memory_space<vmem>>
    %dma_start3A_70 = tpu.memref_squeeze %dma_start3A_69 : memref<1x40x256xf32, #tpu.memory_space<vmem>> -> memref<40x256xf32, #tpu.memory_space<vmem>>
    %dma_start3A_71 = arith.constant 256 : i32
    %dma_start3A_72 = tpu.memref_slice %arg4[%add3A_65, %dma_start3A_71] : memref<160000x512xf32, #tpu.memory_space<hbm>> -> memref<40x256xf32, #tpu.memory_space<hbm>>
    %dma_start3A_73 = arith.constant 256 : i32
    %dma_start3A_74 = tpu.memref_slice %arg4[%add3A_65, %dma_start3A_73] : memref<160000x512xf32, #tpu.memory_space<hbm>> -> memref<40x256xf32, #tpu.memory_space<hbm>>
    %dma_start3A_75 = arith.constant 40 : i32
    %dma_start3A_76 = arith.constant 0 : i32
    %dma_start3A_77 = tpu.memref_slice %arg6[%dma_start3A_66, %dma_start3A_75, %dma_start3A_76] : memref<5x80x256xf32, #tpu.memory_space<vmem>> -> memref<1x40x256xf32, #tpu.memory_space<vmem>>
    %dma_start3A_78 = tpu.memref_squeeze %dma_start3A_77 : memref<1x40x256xf32, #tpu.memory_space<vmem>> -> memref<40x256xf32, #tpu.memory_space<vmem>>
    tpu.enqueue_dma source(%dma_start3A_78 : memref<40x256xf32, #tpu.memory_space<vmem>>) target(%dma_start3A_74 : memref<40x256xf32, #tpu.memory_space<hbm>>) target_semaphore(%arg17 : memref<!tpu.dma_semaphore, #tpu.memory_space<semaphore_mem>>)
    %dma_start3A_79 = arith.constant 3 : i32
    %dma_start3A_80 = arith.constant 3 : i32
    %dma_start3A_81 = arith.constant 0 : i32
    %dma_start3A_82 = arith.constant 0 : i32
    %dma_start3A_83 = tpu.memref_slice %arg6[%dma_start3A_80, %dma_start3A_81, %dma_start3A_82] : memref<5x80x256xf32, #tpu.memory_space<vmem>> -> memref<1x80x256xf32, #tpu.memory_space<vmem>>
    %dma_start3A_84 = tpu.memref_squeeze %dma_start3A_83 : memref<1x80x256xf32, #tpu.memory_space<vmem>> -> memref<80x256xf32, #tpu.memory_space<vmem>>
    %dma_start3A_85 = arith.constant 0 : i32
    %dma_start3A_86 = tpu.memref_slice %arg5[%dma_start3A_79, %dma_start3A_85] : memref<125x80xi32, #tpu.memory_space<vmem>> -> memref<1x80xi32, #tpu.memory_space<vmem>>
    %dma_start3A_87 = tpu.memref_squeeze %dma_start3A_86 : memref<1x80xi32, #tpu.memory_space<vmem>> -> memref<80xi32, #tpu.memory_space<vmem>>
    %dma_start3A_88 = arith.constant 0 : i32
    %dma_start3A_89 = arith.constant 0 : i32
    %dma_start3A_90 = tpu.memref_slice %arg2[%dma_start3A_88, %dma_start3A_89] : memref<10000x256xf32, #tpu.memory_space<hbm>> -> memref<10000x256xf32, #tpu.memory_space<hbm>>
    tpu.enqueue_indirect_dma source(%dma_start3A_90 : memref<10000x256xf32, #tpu.memory_space<hbm>>) target(%dma_start3A_84 : memref<80x256xf32, #tpu.memory_space<vmem>>) offsets(%dma_start3A_87 : memref<80xi32, #tpu.memory_space<vmem>>) semaphore(%arg10 : memref<!tpu.dma_semaphore, #tpu.memory_space<semaphore_mem>>)
    %dma_wait3A_91 = arith.constant 1 : i32
    %dma_wait3A_92 = arith.constant 1 : i32
    %dma_wait3A_93 = arith.constant 0 : i32
    %dma_wait3A_94 = arith.constant 0 : i32
    %dma_wait3A_95 = tpu.memref_slice %arg6[%dma_wait3A_92, %dma_wait3A_93, %dma_wait3A_94] : memref<5x80x256xf32, #tpu.memory_space<vmem>> -> memref<1x80x256xf32, #tpu.memory_space<vmem>>
    %dma_wait3A_96 = tpu.memref_squeeze %dma_wait3A_95 : memref<1x80x256xf32, #tpu.memory_space<vmem>> -> memref<80x256xf32, #tpu.memory_space<vmem>>
    %dma_wait3A_97 = arith.constant 0 : i32
    %dma_wait3A_98 = tpu.memref_slice %arg5[%dma_wait3A_91, %dma_wait3A_97] : memref<125x80xi32, #tpu.memory_space<vmem>> -> memref<1x80xi32, #tpu.memory_space<vmem>>
    %dma_wait3A_99 = tpu.memref_squeeze %dma_wait3A_98 : memref<1x80xi32, #tpu.memory_space<vmem>> -> memref<80xi32, #tpu.memory_space<vmem>>
    %dma_wait3A_100 = arith.constant 0 : i32
    %dma_wait3A_101 = arith.constant 0 : i32
    %dma_wait3A_102 = tpu.memref_slice %arg2[%dma_wait3A_100, %dma_wait3A_101] : memref<10000x256xf32, #tpu.memory_space<hbm>> -> memref<10000x256xf32, #tpu.memory_space<hbm>>
    tpu.wait_indirect_dma semaphore(%arg8 : memref<!tpu.dma_semaphore, #tpu.memory_space<semaphore_mem>>) src(%dma_wait3A_102 : memref<10000x256xf32, #tpu.memory_space<hbm>>) dst(%dma_wait3A_96 : memref<80x256xf32, #tpu.memory_space<vmem>>)
    %add3A_103 = arith.constant 40 : i32
    %add3A_104 = arith.addi %mul3A_2, %add3A_103 : i32
    %dma_start3A_105 = arith.constant 1 : i32
    %dma_start3A_106 = arith.constant 0 : i32
    %dma_start3A_107 = arith.constant 0 : i32
    %dma_start3A_108 = tpu.memref_slice %arg6[%dma_start3A_105, %dma_start3A_106, %dma_start3A_107] : memref<5x80x256xf32, #tpu.memory_space<vmem>> -> memref<1x40x256xf32, #tpu.memory_space<vmem>>
    %dma_start3A_109 = tpu.memref_squeeze %dma_start3A_108 : memref<1x40x256xf32, #tpu.memory_space<vmem>> -> memref<40x256xf32, #tpu.memory_space<vmem>>
    %dma_start3A_110 = arith.constant 0 : i32
    %dma_start3A_111 = tpu.memref_slice %arg4[%add3A_104, %dma_start3A_110] : memref<160000x512xf32, #tpu.memory_space<hbm>> -> memref<40x256xf32, #tpu.memory_space<hbm>>
    %dma_start3A_112 = arith.constant 0 : i32
    %dma_start3A_113 = tpu.memref_slice %arg4[%add3A_104, %dma_start3A_112] : memref<160000x512xf32, #tpu.memory_space<hbm>> -> memref<40x256xf32, #tpu.memory_space<hbm>>
    %dma_start3A_114 = arith.constant 0 : i32
    %dma_start3A_115 = arith.constant 0 : i32
    %dma_start3A_116 = tpu.memref_slice %arg6[%dma_start3A_105, %dma_start3A_114, %dma_start3A_115] : memref<5x80x256xf32, #tpu.memory_space<vmem>> -> memref<1x40x256xf32, #tpu.memory_space<vmem>>
    %dma_start3A_117 = tpu.memref_squeeze %dma_start3A_116 : memref<1x40x256xf32, #tpu.memory_space<vmem>> -> memref<40x256xf32, #tpu.memory_space<vmem>>
    tpu.enqueue_dma source(%dma_start3A_117 : memref<40x256xf32, #tpu.memory_space<vmem>>) target(%dma_start3A_113 : memref<40x256xf32, #tpu.memory_space<hbm>>) target_semaphore(%arg13 : memref<!tpu.dma_semaphore, #tpu.memory_space<semaphore_mem>>)
    %add3A_118 = arith.constant 40 : i32
    %add3A_119 = arith.addi %mul3A_2, %add3A_118 : i32
    %dma_start3A_120 = arith.constant 1 : i32
    %dma_start3A_121 = arith.constant 40 : i32
    %dma_start3A_122 = arith.constant 0 : i32
    %dma_start3A_123 = tpu.memref_slice %arg6[%dma_start3A_120, %dma_start3A_121, %dma_start3A_122] : memref<5x80x256xf32, #tpu.memory_space<vmem>> -> memref<1x40x256xf32, #tpu.memory_space<vmem>>
    %dma_start3A_124 = tpu.memref_squeeze %dma_start3A_123 : memref<1x40x256xf32, #tpu.memory_space<vmem>> -> memref<40x256xf32, #tpu.memory_space<vmem>>
    %dma_start3A_125 = arith.constant 256 : i32
    %dma_start3A_126 = tpu.memref_slice %arg4[%add3A_119, %dma_start3A_125] : memref<160000x512xf32, #tpu.memory_space<hbm>> -> memref<40x256xf32, #tpu.memory_space<hbm>>
    %dma_start3A_127 = arith.constant 256 : i32
    %dma_start3A_128 = tpu.memref_slice %arg4[%add3A_119, %dma_start3A_127] : memref<160000x512xf32, #tpu.memory_space<hbm>> -> memref<40x256xf32, #tpu.memory_space<hbm>>
    %dma_start3A_129 = arith.constant 40 : i32
    %dma_start3A_130 = arith.constant 0 : i32
    %dma_start3A_131 = tpu.memref_slice %arg6[%dma_start3A_120, %dma_start3A_129, %dma_start3A_130] : memref<5x80x256xf32, #tpu.memory_space<vmem>> -> memref<1x40x256xf32, #tpu.memory_space<vmem>>
    %dma_start3A_132 = tpu.memref_squeeze %dma_start3A_131 : memref<1x40x256xf32, #tpu.memory_space<vmem>> -> memref<40x256xf32, #tpu.memory_space<vmem>>
    tpu.enqueue_dma source(%dma_start3A_132 : memref<40x256xf32, #tpu.memory_space<vmem>>) target(%dma_start3A_128 : memref<40x256xf32, #tpu.memory_space<hbm>>) target_semaphore(%arg18 : memref<!tpu.dma_semaphore, #tpu.memory_space<semaphore_mem>>)
    %dma_start3A_133 = arith.constant 4 : i32
    %dma_start3A_134 = arith.constant 4 : i32
    %dma_start3A_135 = arith.constant 0 : i32
    %dma_start3A_136 = arith.constant 0 : i32
    %dma_start3A_137 = tpu.memref_slice %arg6[%dma_start3A_134, %dma_start3A_135, %dma_start3A_136] : memref<5x80x256xf32, #tpu.memory_space<vmem>> -> memref<1x80x256xf32, #tpu.memory_space<vmem>>
    %dma_start3A_138 = tpu.memref_squeeze %dma_start3A_137 : memref<1x80x256xf32, #tpu.memory_space<vmem>> -> memref<80x256xf32, #tpu.memory_space<vmem>>
    %dma_start3A_139 = arith.constant 0 : i32
    %dma_start3A_140 = tpu.memref_slice %arg5[%dma_start3A_133, %dma_start3A_139] : memref<125x80xi32, #tpu.memory_space<vmem>> -> memref<1x80xi32, #tpu.memory_space<vmem>>
    %dma_start3A_141 = tpu.memref_squeeze %dma_start3A_140 : memref<1x80xi32, #tpu.memory_space<vmem>> -> memref<80xi32, #tpu.memory_space<vmem>>
    %dma_start3A_142 = arith.constant 0 : i32
    %dma_start3A_143 = arith.constant 0 : i32
    %dma_start3A_144 = tpu.memref_slice %arg2[%dma_start3A_142, %dma_start3A_143] : memref<10000x256xf32, #tpu.memory_space<hbm>> -> memref<10000x256xf32, #tpu.memory_space<hbm>>
    tpu.enqueue_indirect_dma source(%dma_start3A_144 : memref<10000x256xf32, #tpu.memory_space<hbm>>) target(%dma_start3A_138 : memref<80x256xf32, #tpu.memory_space<vmem>>) offsets(%dma_start3A_141 : memref<80xi32, #tpu.memory_space<vmem>>) semaphore(%arg11 : memref<!tpu.dma_semaphore, #tpu.memory_space<semaphore_mem>>)
    %dma_wait3A_145 = arith.constant 2 : i32
    %dma_wait3A_146 = arith.constant 2 : i32
    %dma_wait3A_147 = arith.constant 0 : i32
    %dma_wait3A_148 = arith.constant 0 : i32
    %dma_wait3A_149 = tpu.memref_slice %arg6[%dma_wait3A_146, %dma_wait3A_147, %dma_wait3A_148] : memref<5x80x256xf32, #tpu.memory_space<vmem>> -> memref<1x80x256xf32, #tpu.memory_space<vmem>>
    %dma_wait3A_150 = tpu.memref_squeeze %dma_wait3A_149 : memref<1x80x256xf32, #tpu.memory_space<vmem>> -> memref<80x256xf32, #tpu.memory_space<vmem>>
    %dma_wait3A_151 = arith.constant 0 : i32
    %dma_wait3A_152 = tpu.memref_slice %arg5[%dma_wait3A_145, %dma_wait3A_151] : memref<125x80xi32, #tpu.memory_space<vmem>> -> memref<1x80xi32, #tpu.memory_space<vmem>>
    %dma_wait3A_153 = tpu.memref_squeeze %dma_wait3A_152 : memref<1x80xi32, #tpu.memory_space<vmem>> -> memref<80xi32, #tpu.memory_space<vmem>>
    %dma_wait3A_154 = arith.constant 0 : i32
    %dma_wait3A_155 = arith.constant 0 : i32
    %dma_wait3A_156 = tpu.memref_slice %arg2[%dma_wait3A_154, %dma_wait3A_155] : memref<10000x256xf32, #tpu.memory_space<hbm>> -> memref<10000x256xf32, #tpu.memory_space<hbm>>
    tpu.wait_indirect_dma semaphore(%arg9 : memref<!tpu.dma_semaphore, #tpu.memory_space<semaphore_mem>>) src(%dma_wait3A_156 : memref<10000x256xf32, #tpu.memory_space<hbm>>) dst(%dma_wait3A_150 : memref<80x256xf32, #tpu.memory_space<vmem>>)
    %add3A_157 = arith.constant 80 : i32
    %add3A_158 = arith.addi %mul3A_2, %add3A_157 : i32
    %dma_start3A_159 = arith.constant 2 : i32
    %dma_start3A_160 = arith.constant 0 : i32
    %dma_start3A_161 = arith.constant 0 : i32
    %dma_start3A_162 = tpu.memref_slice %arg6[%dma_start3A_159, %dma_start3A_160, %dma_start3A_161] : memref<5x80x256xf32, #tpu.memory_space<vmem>> -> memref<1x40x256xf32, #tpu.memory_space<vmem>>
    %dma_start3A_163 = tpu.memref_squeeze %dma_start3A_162 : memref<1x40x256xf32, #tpu.memory_space<vmem>> -> memref<40x256xf32, #tpu.memory_space<vmem>>
    %dma_start3A_164 = arith.constant 0 : i32
    %dma_start3A_165 = tpu.memref_slice %arg4[%add3A_158, %dma_start3A_164] : memref<160000x512xf32, #tpu.memory_space<hbm>> -> memref<40x256xf32, #tpu.memory_space<hbm>>
    %dma_start3A_166 = arith.constant 0 : i32
    %dma_start3A_167 = tpu.memref_slice %arg4[%add3A_158, %dma_start3A_166] : memref<160000x512xf32, #tpu.memory_space<hbm>> -> memref<40x256xf32, #tpu.memory_space<hbm>>
    %dma_start3A_168 = arith.constant 0 : i32
    %dma_start3A_169 = arith.constant 0 : i32
    %dma_start3A_170 = tpu.memref_slice %arg6[%dma_start3A_159, %dma_start3A_168, %dma_start3A_169] : memref<5x80x256xf32, #tpu.memory_space<vmem>> -> memref<1x40x256xf32, #tpu.memory_space<vmem>>
    %dma_start3A_171 = tpu.memref_squeeze %dma_start3A_170 : memref<1x40x256xf32, #tpu.memory_space<vmem>> -> memref<40x256xf32, #tpu.memory_space<vmem>>
    tpu.enqueue_dma source(%dma_start3A_171 : memref<40x256xf32, #tpu.memory_space<vmem>>) target(%dma_start3A_167 : memref<40x256xf32, #tpu.memory_space<hbm>>) target_semaphore(%arg14 : memref<!tpu.dma_semaphore, #tpu.memory_space<semaphore_mem>>)
    %add3A_172 = arith.constant 80 : i32
    %add3A_173 = arith.addi %mul3A_2, %add3A_172 : i32
    %dma_start3A_174 = arith.constant 2 : i32
    %dma_start3A_175 = arith.constant 40 : i32
    %dma_start3A_176 = arith.constant 0 : i32
    %dma_start3A_177 = tpu.memref_slice %arg6[%dma_start3A_174, %dma_start3A_175, %dma_start3A_176] : memref<5x80x256xf32, #tpu.memory_space<vmem>> -> memref<1x40x256xf32, #tpu.memory_space<vmem>>
    %dma_start3A_178 = tpu.memref_squeeze %dma_start3A_177 : memref<1x40x256xf32, #tpu.memory_space<vmem>> -> memref<40x256xf32, #tpu.memory_space<vmem>>
    %dma_start3A_179 = arith.constant 256 : i32
    %dma_start3A_180 = tpu.memref_slice %arg4[%add3A_173, %dma_start3A_179] : memref<160000x512xf32, #tpu.memory_space<hbm>> -> memref<40x256xf32, #tpu.memory_space<hbm>>
    %dma_start3A_181 = arith.constant 256 : i32
    %dma_start3A_182 = tpu.memref_slice %arg4[%add3A_173, %dma_start3A_181] : memref<160000x512xf32, #tpu.memory_space<hbm>> -> memref<40x256xf32, #tpu.memory_space<hbm>>
    %dma_start3A_183 = arith.constant 40 : i32
    %dma_start3A_184 = arith.constant 0 : i32
    %dma_start3A_185 = tpu.memref_slice %arg6[%dma_start3A_174, %dma_start3A_183, %dma_start3A_184] : memref<5x80x256xf32, #tpu.memory_space<vmem>> -> memref<1x40x256xf32, #tpu.memory_space<vmem>>
    %dma_start3A_186 = tpu.memref_squeeze %dma_start3A_185 : memref<1x40x256xf32, #tpu.memory_space<vmem>> -> memref<40x256xf32, #tpu.memory_space<vmem>>
    tpu.enqueue_dma source(%dma_start3A_186 : memref<40x256xf32, #tpu.memory_space<vmem>>) target(%dma_start3A_182 : memref<40x256xf32, #tpu.memory_space<hbm>>) target_semaphore(%arg19 : memref<!tpu.dma_semaphore, #tpu.memory_space<semaphore_mem>>)
    %add3A_187 = arith.constant 0 : i32
    %add3A_188 = arith.addi %mul3A_2, %add3A_187 : i32
    %dma_wait3A_189 = arith.constant 0 : i32
    %dma_wait3A_190 = arith.constant 0 : i32
    %dma_wait3A_191 = arith.constant 0 : i32
    %dma_wait3A_192 = tpu.memref_slice %arg6[%dma_wait3A_189, %dma_wait3A_190, %dma_wait3A_191] : memref<5x80x256xf32, #tpu.memory_space<vmem>> -> memref<1x40x256xf32, #tpu.memory_space<vmem>>
    %dma_wait3A_193 = tpu.memref_squeeze %dma_wait3A_192 : memref<1x40x256xf32, #tpu.memory_space<vmem>> -> memref<40x256xf32, #tpu.memory_space<vmem>>
    %dma_wait3A_194 = arith.constant 0 : i32
    %dma_wait3A_195 = tpu.memref_slice %arg4[%add3A_188, %dma_wait3A_194] : memref<160000x512xf32, #tpu.memory_space<hbm>> -> memref<40x256xf32, #tpu.memory_space<hbm>>
    %dma_wait3A_196 = arith.constant 0 : i32
    %dma_wait3A_197 = tpu.memref_slice %arg4[%add3A_188, %dma_wait3A_196] : memref<160000x512xf32, #tpu.memory_space<hbm>> -> memref<40x256xf32, #tpu.memory_space<hbm>>
    %dma_wait3A_198 = arith.constant 0 : i32
    %dma_wait3A_199 = arith.constant 0 : i32
    %dma_wait3A_200 = tpu.memref_slice %arg6[%dma_wait3A_189, %dma_wait3A_198, %dma_wait3A_199] : memref<5x80x256xf32, #tpu.memory_space<vmem>> -> memref<1x40x256xf32, #tpu.memory_space<vmem>>
    %dma_wait3A_201 = tpu.memref_squeeze %dma_wait3A_200 : memref<1x40x256xf32, #tpu.memory_space<vmem>> -> memref<40x256xf32, #tpu.memory_space<vmem>>
    tpu.wait_dma2 semaphore(%arg12 : memref<!tpu.dma_semaphore, #tpu.memory_space<semaphore_mem>>) src(%dma_wait3A_201 : memref<40x256xf32, #tpu.memory_space<vmem>>) dst(%dma_wait3A_197 : memref<40x256xf32, #tpu.memory_space<hbm>>)
    %add3A_202 = arith.constant 0 : i32
    %add3A_203 = arith.addi %mul3A_2, %add3A_202 : i32
    %dma_wait3A_204 = arith.constant 0 : i32
    %dma_wait3A_205 = arith.constant 40 : i32
    %dma_wait3A_206 = arith.constant 0 : i32
    %dma_wait3A_207 = tpu.memref_slice %arg6[%dma_wait3A_204, %dma_wait3A_205, %dma_wait3A_206] : memref<5x80x256xf32, #tpu.memory_space<vmem>> -> memref<1x40x256xf32, #tpu.memory_space<vmem>>
    %dma_wait3A_208 = tpu.memref_squeeze %dma_wait3A_207 : memref<1x40x256xf32, #tpu.memory_space<vmem>> -> memref<40x256xf32, #tpu.memory_space<vmem>>
    %dma_wait3A_209 = arith.constant 256 : i32
    %dma_wait3A_210 = tpu.memref_slice %arg4[%add3A_203, %dma_wait3A_209] : memref<160000x512xf32, #tpu.memory_space<hbm>> -> memref<40x256xf32, #tpu.memory_space<hbm>>
    %dma_wait3A_211 = arith.constant 256 : i32
    %dma_wait3A_212 = tpu.memref_slice %arg4[%add3A_203, %dma_wait3A_211] : memref<160000x512xf32, #tpu.memory_space<hbm>> -> memref<40x256xf32, #tpu.memory_space<hbm>>
    %dma_wait3A_213 = arith.constant 40 : i32
    %dma_wait3A_214 = arith.constant 0 : i32
    %dma_wait3A_215 = tpu.memref_slice %arg6[%dma_wait3A_204, %dma_wait3A_213, %dma_wait3A_214] : memref<5x80x256xf32, #tpu.memory_space<vmem>> -> memref<1x40x256xf32, #tpu.memory_space<vmem>>
    %dma_wait3A_216 = tpu.memref_squeeze %dma_wait3A_215 : memref<1x40x256xf32, #tpu.memory_space<vmem>> -> memref<40x256xf32, #tpu.memory_space<vmem>>
    tpu.wait_dma2 semaphore(%arg17 : memref<!tpu.dma_semaphore, #tpu.memory_space<semaphore_mem>>) src(%dma_wait3A_216 : memref<40x256xf32, #tpu.memory_space<vmem>>) dst(%dma_wait3A_212 : memref<40x256xf32, #tpu.memory_space<hbm>>)
    %dma_start3A_217 = arith.constant 5 : i32
    %dma_start3A_218 = arith.constant 0 : i32
    %dma_start3A_219 = arith.constant 0 : i32
    %dma_start3A_220 = arith.constant 0 : i32
    %dma_start3A_221 = tpu.memref_slice %arg6[%dma_start3A_218, %dma_start3A_219, %dma_start3A_220] : memref<5x80x256xf32, #tpu.memory_space<vmem>> -> memref<1x80x256xf32, #tpu.memory_space<vmem>>
    %dma_start3A_222 = tpu.memref_squeeze %dma_start3A_221 : memref<1x80x256xf32, #tpu.memory_space<vmem>> -> memref<80x256xf32, #tpu.memory_space<vmem>>
    %dma_start3A_223 = arith.constant 0 : i32
    %dma_start3A_224 = tpu.memref_slice %arg5[%dma_start3A_217, %dma_start3A_223] : memref<125x80xi32, #tpu.memory_space<vmem>> -> memref<1x80xi32, #tpu.memory_space<vmem>>
    %dma_start3A_225 = tpu.memref_squeeze %dma_start3A_224 : memref<1x80xi32, #tpu.memory_space<vmem>> -> memref<80xi32, #tpu.memory_space<vmem>>
    %dma_start3A_226 = arith.constant 0 : i32
    %dma_start3A_227 = arith.constant 0 : i32
    %dma_start3A_228 = tpu.memref_slice %arg2[%dma_start3A_226, %dma_start3A_227] : memref<10000x256xf32, #tpu.memory_space<hbm>> -> memref<10000x256xf32, #tpu.memory_space<hbm>>
    tpu.enqueue_indirect_dma source(%dma_start3A_228 : memref<10000x256xf32, #tpu.memory_space<hbm>>) target(%dma_start3A_222 : memref<80x256xf32, #tpu.memory_space<vmem>>) offsets(%dma_start3A_225 : memref<80xi32, #tpu.memory_space<vmem>>) semaphore(%arg7 : memref<!tpu.dma_semaphore, #tpu.memory_space<semaphore_mem>>)
    %dma_wait3A_229 = arith.constant 3 : i32
    %dma_wait3A_230 = arith.constant 3 : i32
    %dma_wait3A_231 = arith.constant 0 : i32
    %dma_wait3A_232 = arith.constant 0 : i32
    %dma_wait3A_233 = tpu.memref_slice %arg6[%dma_wait3A_230, %dma_wait3A_231, %dma_wait3A_232] : memref<5x80x256xf32, #tpu.memory_space<vmem>> -> memref<1x80x256xf32, #tpu.memory_space<vmem>>
    %dma_wait3A_234 = tpu.memref_squeeze %dma_wait3A_233 : memref<1x80x256xf32, #tpu.memory_space<vmem>> -> memref<80x256xf32, #tpu.memory_space<vmem>>
    %dma_wait3A_235 = arith.constant 0 : i32
    %dma_wait3A_236 = tpu.memref_slice %arg5[%dma_wait3A_229, %dma_wait3A_235] : memref<125x80xi32, #tpu.memory_space<vmem>> -> memref<1x80xi32, #tpu.memory_space<vmem>>
    %dma_wait3A_237 = tpu.memref_squeeze %dma_wait3A_236 : memref<1x80xi32, #tpu.memory_space<vmem>> -> memref<80xi32, #tpu.memory_space<vmem>>
    %dma_wait3A_238 = arith.constant 0 : i32
    %dma_wait3A_239 = arith.constant 0 : i32
    %dma_wait3A_240 = tpu.memref_slice %arg2[%dma_wait3A_238, %dma_wait3A_239] : memref<10000x256xf32, #tpu.memory_space<hbm>> -> memref<10000x256xf32, #tpu.memory_space<hbm>>
    tpu.wait_indirect_dma semaphore(%arg10 : memref<!tpu.dma_semaphore, #tpu.memory_space<semaphore_mem>>) src(%dma_wait3A_240 : memref<10000x256xf32, #tpu.memory_space<hbm>>) dst(%dma_wait3A_234 : memref<80x256xf32, #tpu.memory_space<vmem>>)
    %add3A_241 = arith.constant 120 : i32
    %add3A_242 = arith.addi %mul3A_2, %add3A_241 : i32
    %dma_start3A_243 = arith.constant 3 : i32
    %dma_start3A_244 = arith.constant 0 : i32
    %dma_start3A_245 = arith.constant 0 : i32
    %dma_start3A_246 = tpu.memref_slice %arg6[%dma_start3A_243, %dma_start3A_244, %dma_start3A_245] : memref<5x80x256xf32, #tpu.memory_space<vmem>> -> memref<1x40x256xf32, #tpu.memory_space<vmem>>
    %dma_start3A_247 = tpu.memref_squeeze %dma_start3A_246 : memref<1x40x256xf32, #tpu.memory_space<vmem>> -> memref<40x256xf32, #tpu.memory_space<vmem>>
    %dma_start3A_248 = arith.constant 0 : i32
    %dma_start3A_249 = tpu.memref_slice %arg4[%add3A_242, %dma_start3A_248] : memref<160000x512xf32, #tpu.memory_space<hbm>> -> memref<40x256xf32, #tpu.memory_space<hbm>>
    %dma_start3A_250 = arith.constant 0 : i32
    %dma_start3A_251 = tpu.memref_slice %arg4[%add3A_242, %dma_start3A_250] : memref<160000x512xf32, #tpu.memory_space<hbm>> -> memref<40x256xf32, #tpu.memory_space<hbm>>
    %dma_start3A_252 = arith.constant 0 : i32
    %dma_start3A_253 = arith.constant 0 : i32
    %dma_start3A_254 = tpu.memref_slice %arg6[%dma_start3A_243, %dma_start3A_252, %dma_start3A_253] : memref<5x80x256xf32, #tpu.memory_space<vmem>> -> memref<1x40x256xf32, #tpu.memory_space<vmem>>
    %dma_start3A_255 = tpu.memref_squeeze %dma_start3A_254 : memref<1x40x256xf32, #tpu.memory_space<vmem>> -> memref<40x256xf32, #tpu.memory_space<vmem>>
    tpu.enqueue_dma source(%dma_start3A_255 : memref<40x256xf32, #tpu.memory_space<vmem>>) target(%dma_start3A_251 : memref<40x256xf32, #tpu.memory_space<hbm>>) target_semaphore(%arg15 : memref<!tpu.dma_semaphore, #tpu.memory_space<semaphore_mem>>)
    %add3A_256 = arith.constant 120 : i32
    %add3A_257 = arith.addi %mul3A_2, %add3A_256 : i32
    %dma_start3A_258 = arith.constant 3 : i32
    %dma_start3A_259 = arith.constant 40 : i32
    %dma_start3A_260 = arith.constant 0 : i32
    %dma_start3A_261 = tpu.memref_slice %arg6[%dma_start3A_258, %dma_start3A_259, %dma_start3A_260] : memref<5x80x256xf32, #tpu.memory_space<vmem>> -> memref<1x40x256xf32, #tpu.memory_space<vmem>>
    %dma_start3A_262 = tpu.memref_squeeze %dma_start3A_261 : memref<1x40x256xf32, #tpu.memory_space<vmem>> -> memref<40x256xf32, #tpu.memory_space<vmem>>
    %dma_start3A_263 = arith.constant 256 : i32
    %dma_start3A_264 = tpu.memref_slice %arg4[%add3A_257, %dma_start3A_263] : memref<160000x512xf32, #tpu.memory_space<hbm>> -> memref<40x256xf32, #tpu.memory_space<hbm>>
    %dma_start3A_265 = arith.constant 256 : i32
    %dma_start3A_266 = tpu.memref_slice %arg4[%add3A_257, %dma_start3A_265] : memref<160000x512xf32, #tpu.memory_space<hbm>> -> memref<40x256xf32, #tpu.memory_space<hbm>>
    %dma_start3A_267 = arith.constant 40 : i32
    %dma_start3A_268 = arith.constant 0 : i32
    %dma_start3A_269 = tpu.memref_slice %arg6[%dma_start3A_258, %dma_start3A_267, %dma_start3A_268] : memref<5x80x256xf32, #tpu.memory_space<vmem>> -> memref<1x40x256xf32, #tpu.memory_space<vmem>>
    %dma_start3A_270 = tpu.memref_squeeze %dma_start3A_269 : memref<1x40x256xf32, #tpu.memory_space<vmem>> -> memref<40x256xf32, #tpu.memory_space<vmem>>
    tpu.enqueue_dma source(%dma_start3A_270 : memref<40x256xf32, #tpu.memory_space<vmem>>) target(%dma_start3A_266 : memref<40x256xf32, #tpu.memory_space<hbm>>) target_semaphore(%arg20 : memref<!tpu.dma_semaphore, #tpu.memory_space<semaphore_mem>>)
    %add3A_271 = arith.constant 40 : i32
    %add3A_272 = arith.addi %mul3A_2, %add3A_271 : i32
    %dma_wait3A_273 = arith.constant 1 : i32
    %dma_wait3A_274 = arith.constant 0 : i32
    %dma_wait3A_275 = arith.constant 0 : i32
    %dma_wait3A_276 = tpu.memref_slice %arg6[%dma_wait3A_273, %dma_wait3A_274, %dma_wait3A_275] : memref<5x80x256xf32, #tpu.memory_space<vmem>> -> memref<1x40x256xf32, #tpu.memory_space<vmem>>
    %dma_wait3A_277 = tpu.memref_squeeze %dma_wait3A_276 : memref<1x40x256xf32, #tpu.memory_space<vmem>> -> memref<40x256xf32, #tpu.memory_space<vmem>>
    %dma_wait3A_278 = arith.constant 0 : i32
    %dma_wait3A_279 = tpu.memref_slice %arg4[%add3A_272, %dma_wait3A_278] : memref<160000x512xf32, #tpu.memory_space<hbm>> -> memref<40x256xf32, #tpu.memory_space<hbm>>
    %dma_wait3A_280 = arith.constant 0 : i32
    %dma_wait3A_281 = tpu.memref_slice %arg4[%add3A_272, %dma_wait3A_280] : memref<160000x512xf32, #tpu.memory_space<hbm>> -> memref<40x256xf32, #tpu.memory_space<hbm>>
    %dma_wait3A_282 = arith.constant 0 : i32
    %dma_wait3A_283 = arith.constant 0 : i32
    %dma_wait3A_284 = tpu.memref_slice %arg6[%dma_wait3A_273, %dma_wait3A_282, %dma_wait3A_283] : memref<5x80x256xf32, #tpu.memory_space<vmem>> -> memref<1x40x256xf32, #tpu.memory_space<vmem>>
    %dma_wait3A_285 = tpu.memref_squeeze %dma_wait3A_284 : memref<1x40x256xf32, #tpu.memory_space<vmem>> -> memref<40x256xf32, #tpu.memory_space<vmem>>
    tpu.wait_dma2 semaphore(%arg13 : memref<!tpu.dma_semaphore, #tpu.memory_space<semaphore_mem>>) src(%dma_wait3A_285 : memref<40x256xf32, #tpu.memory_space<vmem>>) dst(%dma_wait3A_281 : memref<40x256xf32, #tpu.memory_space<hbm>>)
    %add3A_286 = arith.constant 40 : i32
    %add3A_287 = arith.addi %mul3A_2, %add3A_286 : i32
    %dma_wait3A_288 = arith.constant 1 : i32
    %dma_wait3A_289 = arith.constant 40 : i32
    %dma_wait3A_290 = arith.constant 0 : i32
    %dma_wait3A_291 = tpu.memref_slice %arg6[%dma_wait3A_288, %dma_wait3A_289, %dma_wait3A_290] : memref<5x80x256xf32, #tpu.memory_space<vmem>> -> memref<1x40x256xf32, #tpu.memory_space<vmem>>
    %dma_wait3A_292 = tpu.memref_squeeze %dma_wait3A_291 : memref<1x40x256xf32, #tpu.memory_space<vmem>> -> memref<40x256xf32, #tpu.memory_space<vmem>>
    %dma_wait3A_293 = arith.constant 256 : i32
    %dma_wait3A_294 = tpu.memref_slice %arg4[%add3A_287, %dma_wait3A_293] : memref<160000x512xf32, #tpu.memory_space<hbm>> -> memref<40x256xf32, #tpu.memory_space<hbm>>
    %dma_wait3A_295 = arith.constant 256 : i32
    %dma_wait3A_296 = tpu.memref_slice %arg4[%add3A_287, %dma_wait3A_295] : memref<160000x512xf32, #tpu.memory_space<hbm>> -> memref<40x256xf32, #tpu.memory_space<hbm>>
    %dma_wait3A_297 = arith.constant 40 : i32
    %dma_wait3A_298 = arith.constant 0 : i32
    %dma_wait3A_299 = tpu.memref_slice %arg6[%dma_wait3A_288, %dma_wait3A_297, %dma_wait3A_298] : memref<5x80x256xf32, #tpu.memory_space<vmem>> -> memref<1x40x256xf32, #tpu.memory_space<vmem>>
    %dma_wait3A_300 = tpu.memref_squeeze %dma_wait3A_299 : memref<1x40x256xf32, #tpu.memory_space<vmem>> -> memref<40x256xf32, #tpu.memory_space<vmem>>
    tpu.wait_dma2 semaphore(%arg18 : memref<!tpu.dma_semaphore, #tpu.memory_space<semaphore_mem>>) src(%dma_wait3A_300 : memref<40x256xf32, #tpu.memory_space<vmem>>) dst(%dma_wait3A_296 : memref<40x256xf32, #tpu.memory_space<hbm>>)
    %dma_start3A_301 = arith.constant 6 : i32
    %dma_start3A_302 = arith.constant 1 : i32
    %dma_start3A_303 = arith.constant 0 : i32
    %dma_start3A_304 = arith.constant 0 : i32
    %dma_start3A_305 = tpu.memref_slice %arg6[%dma_start3A_302, %dma_start3A_303, %dma_start3A_304] : memref<5x80x256xf32, #tpu.memory_space<vmem>> -> memref<1x80x256xf32, #tpu.memory_space<vmem>>
    %dma_start3A_306 = tpu.memref_squeeze %dma_start3A_305 : memref<1x80x256xf32, #tpu.memory_space<vmem>> -> memref<80x256xf32, #tpu.memory_space<vmem>>
    %dma_start3A_307 = arith.constant 0 : i32
    %dma_start3A_308 = tpu.memref_slice %arg5[%dma_start3A_301, %dma_start3A_307] : memref<125x80xi32, #tpu.memory_space<vmem>> -> memref<1x80xi32, #tpu.memory_space<vmem>>
    %dma_start3A_309 = tpu.memref_squeeze %dma_start3A_308 : memref<1x80xi32, #tpu.memory_space<vmem>> -> memref<80xi32, #tpu.memory_space<vmem>>
    %dma_start3A_310 = arith.constant 0 : i32
    %dma_start3A_311 = arith.constant 0 : i32
    %dma_start3A_312 = tpu.memref_slice %arg2[%dma_start3A_310, %dma_start3A_311] : memref<10000x256xf32, #tpu.memory_space<hbm>> -> memref<10000x256xf32, #tpu.memory_space<hbm>>
    tpu.enqueue_indirect_dma source(%dma_start3A_312 : memref<10000x256xf32, #tpu.memory_space<hbm>>) target(%dma_start3A_306 : memref<80x256xf32, #tpu.memory_space<vmem>>) offsets(%dma_start3A_309 : memref<80xi32, #tpu.memory_space<vmem>>) semaphore(%arg8 : memref<!tpu.dma_semaphore, #tpu.memory_space<semaphore_mem>>)
    %dma_wait3A_313 = arith.constant 4 : i32
    %dma_wait3A_314 = arith.constant 4 : i32
    %dma_wait3A_315 = arith.constant 0 : i32
    %dma_wait3A_316 = arith.constant 0 : i32
    %dma_wait3A_317 = tpu.memref_slice %arg6[%dma_wait3A_314, %dma_wait3A_315, %dma_wait3A_316] : memref<5x80x256xf32, #tpu.memory_space<vmem>> -> memref<1x80x256xf32, #tpu.memory_space<vmem>>
    %dma_wait3A_318 = tpu.memref_squeeze %dma_wait3A_317 : memref<1x80x256xf32, #tpu.memory_space<vmem>> -> memref<80x256xf32, #tpu.memory_space<vmem>>
    %dma_wait3A_319 = arith.constant 0 : i32
    %dma_wait3A_320 = tpu.memref_slice %arg5[%dma_wait3A_313, %dma_wait3A_319] : memref<125x80xi32, #tpu.memory_space<vmem>> -> memref<1x80xi32, #tpu.memory_space<vmem>>
    %dma_wait3A_321 = tpu.memref_squeeze %dma_wait3A_320 : memref<1x80xi32, #tpu.memory_space<vmem>> -> memref<80xi32, #tpu.memory_space<vmem>>
    %dma_wait3A_322 = arith.constant 0 : i32
    %dma_wait3A_323 = arith.constant 0 : i32
    %dma_wait3A_324 = tpu.memref_slice %arg2[%dma_wait3A_322, %dma_wait3A_323] : memref<10000x256xf32, #tpu.memory_space<hbm>> -> memref<10000x256xf32, #tpu.memory_space<hbm>>
    tpu.wait_indirect_dma semaphore(%arg11 : memref<!tpu.dma_semaphore, #tpu.memory_space<semaphore_mem>>) src(%dma_wait3A_324 : memref<10000x256xf32, #tpu.memory_space<hbm>>) dst(%dma_wait3A_318 : memref<80x256xf32, #tpu.memory_space<vmem>>)
    %add3A_325 = arith.constant 160 : i32
    %add3A_326 = arith.addi %mul3A_2, %add3A_325 : i32
    %dma_start3A_327 = arith.constant 4 : i32
    %dma_start3A_328 = arith.constant 0 : i32
    %dma_start3A_329 = arith.constant 0 : i32
    %dma_start3A_330 = tpu.memref_slice %arg6[%dma_start3A_327, %dma_start3A_328, %dma_start3A_329] : memref<5x80x256xf32, #tpu.memory_space<vmem>> -> memref<1x40x256xf32, #tpu.memory_space<vmem>>
    %dma_start3A_331 = tpu.memref_squeeze %dma_start3A_330 : memref<1x40x256xf32, #tpu.memory_space<vmem>> -> memref<40x256xf32, #tpu.memory_space<vmem>>
    %dma_start3A_332 = arith.constant 0 : i32
    %dma_start3A_333 = tpu.memref_slice %arg4[%add3A_326, %dma_start3A_332] : memref<160000x512xf32, #tpu.memory_space<hbm>> -> memref<40x256xf32, #tpu.memory_space<hbm>>
    %dma_start3A_334 = arith.constant 0 : i32
    %dma_start3A_335 = tpu.memref_slice %arg4[%add3A_326, %dma_start3A_334] : memref<160000x512xf32, #tpu.memory_space<hbm>> -> memref<40x256xf32, #tpu.memory_space<hbm>>
    %dma_start3A_336 = arith.constant 0 : i32
    %dma_start3A_337 = arith.constant 0 : i32
    %dma_start3A_338 = tpu.memref_slice %arg6[%dma_start3A_327, %dma_start3A_336, %dma_start3A_337] : memref<5x80x256xf32, #tpu.memory_space<vmem>> -> memref<1x40x256xf32, #tpu.memory_space<vmem>>
    %dma_start3A_339 = tpu.memref_squeeze %dma_start3A_338 : memref<1x40x256xf32, #tpu.memory_space<vmem>> -> memref<40x256xf32, #tpu.memory_space<vmem>>
    tpu.enqueue_dma source(%dma_start3A_339 : memref<40x256xf32, #tpu.memory_space<vmem>>) target(%dma_start3A_335 : memref<40x256xf32, #tpu.memory_space<hbm>>) target_semaphore(%arg16 : memref<!tpu.dma_semaphore, #tpu.memory_space<semaphore_mem>>)
    %add3A_340 = arith.constant 160 : i32
    %add3A_341 = arith.addi %mul3A_2, %add3A_340 : i32
    %dma_start3A_342 = arith.constant 4 : i32
    %dma_start3A_343 = arith.constant 40 : i32
    %dma_start3A_344 = arith.constant 0 : i32
    %dma_start3A_345 = tpu.memref_slice %arg6[%dma_start3A_342, %dma_start3A_343, %dma_start3A_344] : memref<5x80x256xf32, #tpu.memory_space<vmem>> -> memref<1x40x256xf32, #tpu.memory_space<vmem>>
    %dma_start3A_346 = tpu.memref_squeeze %dma_start3A_345 : memref<1x40x256xf32, #tpu.memory_space<vmem>> -> memref<40x256xf32, #tpu.memory_space<vmem>>
    %dma_start3A_347 = arith.constant 256 : i32
    %dma_start3A_348 = tpu.memref_slice %arg4[%add3A_341, %dma_start3A_347] : memref<160000x512xf32, #tpu.memory_space<hbm>> -> memref<40x256xf32, #tpu.memory_space<hbm>>
    %dma_start3A_349 = arith.constant 256 : i32
    %dma_start3A_350 = tpu.memref_slice %arg4[%add3A_341, %dma_start3A_349] : memref<160000x512xf32, #tpu.memory_space<hbm>> -> memref<40x256xf32, #tpu.memory_space<hbm>>
    %dma_start3A_351 = arith.constant 40 : i32
    %dma_start3A_352 = arith.constant 0 : i32
    %dma_start3A_353 = tpu.memref_slice %arg6[%dma_start3A_342, %dma_start3A_351, %dma_start3A_352] : memref<5x80x256xf32, #tpu.memory_space<vmem>> -> memref<1x40x256xf32, #tpu.memory_space<vmem>>
    %dma_start3A_354 = tpu.memref_squeeze %dma_start3A_353 : memref<1x40x256xf32, #tpu.memory_space<vmem>> -> memref<40x256xf32, #tpu.memory_space<vmem>>
    tpu.enqueue_dma source(%dma_start3A_354 : memref<40x256xf32, #tpu.memory_space<vmem>>) target(%dma_start3A_350 : memref<40x256xf32, #tpu.memory_space<hbm>>) target_semaphore(%arg21 : memref<!tpu.dma_semaphore, #tpu.memory_space<semaphore_mem>>)
    %add3A_355 = arith.constant 80 : i32
    %add3A_356 = arith.addi %mul3A_2, %add3A_355 : i32
    %dma_wait3A_357 = arith.constant 2 : i32
    %dma_wait3A_358 = arith.constant 0 : i32
    %dma_wait3A_359 = arith.constant 0 : i32
    %dma_wait3A_360 = tpu.memref_slice %arg6[%dma_wait3A_357, %dma_wait3A_358, %dma_wait3A_359] : memref<5x80x256xf32, #tpu.memory_space<vmem>> -> memref<1x40x256xf32, #tpu.memory_space<vmem>>
    %dma_wait3A_361 = tpu.memref_squeeze %dma_wait3A_360 : memref<1x40x256xf32, #tpu.memory_space<vmem>> -> memref<40x256xf32, #tpu.memory_space<vmem>>
    %dma_wait3A_362 = arith.constant 0 : i32
    %dma_wait3A_363 = tpu.memref_slice %arg4[%add3A_356, %dma_wait3A_362] : memref<160000x512xf32, #tpu.memory_space<hbm>> -> memref<40x256xf32, #tpu.memory_space<hbm>>
    %dma_wait3A_364 = arith.constant 0 : i32
    %dma_wait3A_365 = tpu.memref_slice %arg4[%add3A_356, %dma_wait3A_364] : memref<160000x512xf32, #tpu.memory_space<hbm>> -> memref<40x256xf32, #tpu.memory_space<hbm>>
    %dma_wait3A_366 = arith.constant 0 : i32
    %dma_wait3A_367 = arith.constant 0 : i32
    %dma_wait3A_368 = tpu.memref_slice %arg6[%dma_wait3A_357, %dma_wait3A_366, %dma_wait3A_367] : memref<5x80x256xf32, #tpu.memory_space<vmem>> -> memref<1x40x256xf32, #tpu.memory_space<vmem>>
    %dma_wait3A_369 = tpu.memref_squeeze %dma_wait3A_368 : memref<1x40x256xf32, #tpu.memory_space<vmem>> -> memref<40x256xf32, #tpu.memory_space<vmem>>
    tpu.wait_dma2 semaphore(%arg14 : memref<!tpu.dma_semaphore, #tpu.memory_space<semaphore_mem>>) src(%dma_wait3A_369 : memref<40x256xf32, #tpu.memory_space<vmem>>) dst(%dma_wait3A_365 : memref<40x256xf32, #tpu.memory_space<hbm>>)
    %add3A_370 = arith.constant 80 : i32
    %add3A_371 = arith.addi %mul3A_2, %add3A_370 : i32
    %dma_wait3A_372 = arith.constant 2 : i32
    %dma_wait3A_373 = arith.constant 40 : i32
    %dma_wait3A_374 = arith.constant 0 : i32
    %dma_wait3A_375 = tpu.memref_slice %arg6[%dma_wait3A_372, %dma_wait3A_373, %dma_wait3A_374] : memref<5x80x256xf32, #tpu.memory_space<vmem>> -> memref<1x40x256xf32, #tpu.memory_space<vmem>>
    %dma_wait3A_376 = tpu.memref_squeeze %dma_wait3A_375 : memref<1x40x256xf32, #tpu.memory_space<vmem>> -> memref<40x256xf32, #tpu.memory_space<vmem>>
    %dma_wait3A_377 = arith.constant 256 : i32
    %dma_wait3A_378 = tpu.memref_slice %arg4[%add3A_371, %dma_wait3A_377] : memref<160000x512xf32, #tpu.memory_space<hbm>> -> memref<40x256xf32, #tpu.memory_space<hbm>>
    %dma_wait3A_379 = arith.constant 256 : i32
    %dma_wait3A_380 = tpu.memref_slice %arg4[%add3A_371, %dma_wait3A_379] : memref<160000x512xf32, #tpu.memory_space<hbm>> -> memref<40x256xf32, #tpu.memory_space<hbm>>
    %dma_wait3A_381 = arith.constant 40 : i32
    %dma_wait3A_382 = arith.constant 0 : i32
    %dma_wait3A_383 = tpu.memref_slice %arg6[%dma_wait3A_372, %dma_wait3A_381, %dma_wait3A_382] : memref<5x80x256xf32, #tpu.memory_space<vmem>> -> memref<1x40x256xf32, #tpu.memory_space<vmem>>
    %dma_wait3A_384 = tpu.memref_squeeze %dma_wait3A_383 : memref<1x40x256xf32, #tpu.memory_space<vmem>> -> memref<40x256xf32, #tpu.memory_space<vmem>>
    tpu.wait_dma2 semaphore(%arg19 : memref<!tpu.dma_semaphore, #tpu.memory_space<semaphore_mem>>) src(%dma_wait3A_384 : memref<40x256xf32, #tpu.memory_space<vmem>>) dst(%dma_wait3A_380 : memref<40x256xf32, #tpu.memory_space<hbm>>)
    %dma_start3A_385 = arith.constant 7 : i32
    %dma_start3A_386 = arith.constant 2 : i32
    %dma_start3A_387 = arith.constant 0 : i32
    %dma_start3A_388 = arith.constant 0 : i32
    %dma_start3A_389 = tpu.memref_slice %arg6[%dma_start3A_386, %dma_start3A_387, %dma_start3A_388] : memref<5x80x256xf32, #tpu.memory_space<vmem>> -> memref<1x80x256xf32, #tpu.memory_space<vmem>>
    %dma_start3A_390 = tpu.memref_squeeze %dma_start3A_389 : memref<1x80x256xf32, #tpu.memory_space<vmem>> -> memref<80x256xf32, #tpu.memory_space<vmem>>
    %dma_start3A_391 = arith.constant 0 : i32
    %dma_start3A_392 = tpu.memref_slice %arg5[%dma_start3A_385, %dma_start3A_391] : memref<125x80xi32, #tpu.memory_space<vmem>> -> memref<1x80xi32, #tpu.memory_space<vmem>>
    %dma_start3A_393 = tpu.memref_squeeze %dma_start3A_392 : memref<1x80xi32, #tpu.memory_space<vmem>> -> memref<80xi32, #tpu.memory_space<vmem>>
    %dma_start3A_394 = arith.constant 0 : i32
    %dma_start3A_395 = arith.constant 0 : i32
    %dma_start3A_396 = tpu.memref_slice %arg2[%dma_start3A_394, %dma_start3A_395] : memref<10000x256xf32, #tpu.memory_space<hbm>> -> memref<10000x256xf32, #tpu.memory_space<hbm>>
    tpu.enqueue_indirect_dma source(%dma_start3A_396 : memref<10000x256xf32, #tpu.memory_space<hbm>>) target(%dma_start3A_390 : memref<80x256xf32, #tpu.memory_space<vmem>>) offsets(%dma_start3A_393 : memref<80xi32, #tpu.memory_space<vmem>>) semaphore(%arg9 : memref<!tpu.dma_semaphore, #tpu.memory_space<semaphore_mem>>)
    %scan3A = arith.constant 0 : i32
    %scan3A_397 = arith.constant 1 : i32
    %scan3A_398 = arith.constant 23 : i32
    %scan3A_399 = arith.addi %scan3A_397, %scan3A_398 : i32
    %scan3A_400 = arith.constant 1 : i32
    scf.for %scan3A_846 = %scan3A_397 to %scan3A_399 step %scan3A_400  : i32 {
      %mul3A_847 = arith.constant 5 : i32
      %mul3A_848 = arith.muli %scan3A_846, %mul3A_847 : i32
      %add3A_849 = arith.constant 0 : i32
      %add3A_850 = arith.addi %mul3A_848, %add3A_849 : i32
      %dma_wait3A_851 = arith.constant 0 : i32
      %dma_wait3A_852 = arith.constant 0 : i32
      %dma_wait3A_853 = arith.constant 0 : i32
      %dma_wait3A_854 = tpu.memref_slice %arg6[%dma_wait3A_851, %dma_wait3A_852, %dma_wait3A_853] : memref<5x80x256xf32, #tpu.memory_space<vmem>> -> memref<1x80x256xf32, #tpu.memory_space<vmem>>
      %dma_wait3A_855 = tpu.memref_squeeze %dma_wait3A_854 : memref<1x80x256xf32, #tpu.memory_space<vmem>> -> memref<80x256xf32, #tpu.memory_space<vmem>>
      %dma_wait3A_856 = arith.constant 0 : i32
      %dma_wait3A_857 = tpu.memref_slice %arg5[%add3A_850, %dma_wait3A_856] : memref<125x80xi32, #tpu.memory_space<vmem>> -> memref<1x80xi32, #tpu.memory_space<vmem>>
      %dma_wait3A_858 = tpu.memref_squeeze %dma_wait3A_857 : memref<1x80xi32, #tpu.memory_space<vmem>> -> memref<80xi32, #tpu.memory_space<vmem>>
      %dma_wait3A_859 = arith.constant 0 : i32
      %dma_wait3A_860 = arith.constant 0 : i32
      %dma_wait3A_861 = tpu.memref_slice %arg2[%dma_wait3A_859, %dma_wait3A_860] : memref<10000x256xf32, #tpu.memory_space<hbm>> -> memref<10000x256xf32, #tpu.memory_space<hbm>>
      tpu.wait_indirect_dma semaphore(%arg7 : memref<!tpu.dma_semaphore, #tpu.memory_space<semaphore_mem>>) src(%dma_wait3A_861 : memref<10000x256xf32, #tpu.memory_space<hbm>>) dst(%dma_wait3A_855 : memref<80x256xf32, #tpu.memory_space<vmem>>)
      %mul3A_862 = arith.constant 40 : i32
      %mul3A_863 = arith.muli %add3A_850, %mul3A_862 : i32
      %add3A_864 = arith.addi %mul3A_2, %mul3A_863 : i32
      %dma_start3A_865 = arith.constant 0 : i32
      %dma_start3A_866 = arith.constant 0 : i32
      %dma_start3A_867 = arith.constant 0 : i32
      %dma_start3A_868 = tpu.memref_slice %arg6[%dma_start3A_865, %dma_start3A_866, %dma_start3A_867] : memref<5x80x256xf32, #tpu.memory_space<vmem>> -> memref<1x40x256xf32, #tpu.memory_space<vmem>>
      %dma_start3A_869 = tpu.memref_squeeze %dma_start3A_868 : memref<1x40x256xf32, #tpu.memory_space<vmem>> -> memref<40x256xf32, #tpu.memory_space<vmem>>
      %dma_start3A_870 = arith.constant 0 : i32
      %dma_start3A_871 = tpu.memref_slice %arg4[%add3A_864, %dma_start3A_870] : memref<160000x512xf32, #tpu.memory_space<hbm>> -> memref<40x256xf32, #tpu.memory_space<hbm>>
      %dma_start3A_872 = arith.constant 0 : i32
      %dma_start3A_873 = tpu.memref_slice %arg4[%add3A_864, %dma_start3A_872] : memref<160000x512xf32, #tpu.memory_space<hbm>> -> memref<40x256xf32, #tpu.memory_space<hbm>>
      %dma_start3A_874 = arith.constant 0 : i32
      %dma_start3A_875 = arith.constant 0 : i32
      %dma_start3A_876 = tpu.memref_slice %arg6[%dma_start3A_865, %dma_start3A_874, %dma_start3A_875] : memref<5x80x256xf32, #tpu.memory_space<vmem>> -> memref<1x40x256xf32, #tpu.memory_space<vmem>>
      %dma_start3A_877 = tpu.memref_squeeze %dma_start3A_876 : memref<1x40x256xf32, #tpu.memory_space<vmem>> -> memref<40x256xf32, #tpu.memory_space<vmem>>
      tpu.enqueue_dma source(%dma_start3A_877 : memref<40x256xf32, #tpu.memory_space<vmem>>) target(%dma_start3A_873 : memref<40x256xf32, #tpu.memory_space<hbm>>) target_semaphore(%arg12 : memref<!tpu.dma_semaphore, #tpu.memory_space<semaphore_mem>>)
      %mul3A_878 = arith.constant 40 : i32
      %mul3A_879 = arith.muli %add3A_850, %mul3A_878 : i32
      %add3A_880 = arith.addi %mul3A_2, %mul3A_879 : i32
      %dma_start3A_881 = arith.constant 0 : i32
      %dma_start3A_882 = arith.constant 40 : i32
      %dma_start3A_883 = arith.constant 0 : i32
      %dma_start3A_884 = tpu.memref_slice %arg6[%dma_start3A_881, %dma_start3A_882, %dma_start3A_883] : memref<5x80x256xf32, #tpu.memory_space<vmem>> -> memref<1x40x256xf32, #tpu.memory_space<vmem>>
      %dma_start3A_885 = tpu.memref_squeeze %dma_start3A_884 : memref<1x40x256xf32, #tpu.memory_space<vmem>> -> memref<40x256xf32, #tpu.memory_space<vmem>>
      %dma_start3A_886 = arith.constant 256 : i32
      %dma_start3A_887 = tpu.memref_slice %arg4[%add3A_880, %dma_start3A_886] : memref<160000x512xf32, #tpu.memory_space<hbm>> -> memref<40x256xf32, #tpu.memory_space<hbm>>
      %dma_start3A_888 = arith.constant 256 : i32
      %dma_start3A_889 = tpu.memref_slice %arg4[%add3A_880, %dma_start3A_888] : memref<160000x512xf32, #tpu.memory_space<hbm>> -> memref<40x256xf32, #tpu.memory_space<hbm>>
      %dma_start3A_890 = arith.constant 40 : i32
      %dma_start3A_891 = arith.constant 0 : i32
      %dma_start3A_892 = tpu.memref_slice %arg6[%dma_start3A_881, %dma_start3A_890, %dma_start3A_891] : memref<5x80x256xf32, #tpu.memory_space<vmem>> -> memref<1x40x256xf32, #tpu.memory_space<vmem>>
      %dma_start3A_893 = tpu.memref_squeeze %dma_start3A_892 : memref<1x40x256xf32, #tpu.memory_space<vmem>> -> memref<40x256xf32, #tpu.memory_space<vmem>>
      tpu.enqueue_dma source(%dma_start3A_893 : memref<40x256xf32, #tpu.memory_space<vmem>>) target(%dma_start3A_889 : memref<40x256xf32, #tpu.memory_space<hbm>>) target_semaphore(%arg17 : memref<!tpu.dma_semaphore, #tpu.memory_space<semaphore_mem>>)
      %sub3A = arith.constant 2 : i32
      %sub3A_894 = arith.subi %add3A_850, %sub3A : i32
      %mul3A_895 = arith.constant 40 : i32
      %mul3A_896 = arith.muli %sub3A_894, %mul3A_895 : i32
      %add3A_897 = arith.addi %mul3A_2, %mul3A_896 : i32
      %dma_wait3A_898 = arith.constant 3 : i32
      %dma_wait3A_899 = arith.constant 0 : i32
      %dma_wait3A_900 = arith.constant 0 : i32
      %dma_wait3A_901 = tpu.memref_slice %arg6[%dma_wait3A_898, %dma_wait3A_899, %dma_wait3A_900] : memref<5x80x256xf32, #tpu.memory_space<vmem>> -> memref<1x40x256xf32, #tpu.memory_space<vmem>>
      %dma_wait3A_902 = tpu.memref_squeeze %dma_wait3A_901 : memref<1x40x256xf32, #tpu.memory_space<vmem>> -> memref<40x256xf32, #tpu.memory_space<vmem>>
      %dma_wait3A_903 = arith.constant 0 : i32
      %dma_wait3A_904 = tpu.memref_slice %arg4[%add3A_897, %dma_wait3A_903] : memref<160000x512xf32, #tpu.memory_space<hbm>> -> memref<40x256xf32, #tpu.memory_space<hbm>>
      %dma_wait3A_905 = arith.constant 0 : i32
      %dma_wait3A_906 = tpu.memref_slice %arg4[%add3A_897, %dma_wait3A_905] : memref<160000x512xf32, #tpu.memory_space<hbm>> -> memref<40x256xf32, #tpu.memory_space<hbm>>
      %dma_wait3A_907 = arith.constant 0 : i32
      %dma_wait3A_908 = arith.constant 0 : i32
      %dma_wait3A_909 = tpu.memref_slice %arg6[%dma_wait3A_898, %dma_wait3A_907, %dma_wait3A_908] : memref<5x80x256xf32, #tpu.memory_space<vmem>> -> memref<1x40x256xf32, #tpu.memory_space<vmem>>
      %dma_wait3A_910 = tpu.memref_squeeze %dma_wait3A_909 : memref<1x40x256xf32, #tpu.memory_space<vmem>> -> memref<40x256xf32, #tpu.memory_space<vmem>>
      tpu.wait_dma2 semaphore(%arg15 : memref<!tpu.dma_semaphore, #tpu.memory_space<semaphore_mem>>) src(%dma_wait3A_910 : memref<40x256xf32, #tpu.memory_space<vmem>>) dst(%dma_wait3A_906 : memref<40x256xf32, #tpu.memory_space<hbm>>)
      %mul3A_911 = arith.constant 40 : i32
      %mul3A_912 = arith.muli %sub3A_894, %mul3A_911 : i32
      %add3A_913 = arith.addi %mul3A_2, %mul3A_912 : i32
      %dma_wait3A_914 = arith.constant 3 : i32
      %dma_wait3A_915 = arith.constant 40 : i32
      %dma_wait3A_916 = arith.constant 0 : i32
      %dma_wait3A_917 = tpu.memref_slice %arg6[%dma_wait3A_914, %dma_wait3A_915, %dma_wait3A_916] : memref<5x80x256xf32, #tpu.memory_space<vmem>> -> memref<1x40x256xf32, #tpu.memory_space<vmem>>
      %dma_wait3A_918 = tpu.memref_squeeze %dma_wait3A_917 : memref<1x40x256xf32, #tpu.memory_space<vmem>> -> memref<40x256xf32, #tpu.memory_space<vmem>>
      %dma_wait3A_919 = arith.constant 256 : i32
      %dma_wait3A_920 = tpu.memref_slice %arg4[%add3A_913, %dma_wait3A_919] : memref<160000x512xf32, #tpu.memory_space<hbm>> -> memref<40x256xf32, #tpu.memory_space<hbm>>
      %dma_wait3A_921 = arith.constant 256 : i32
      %dma_wait3A_922 = tpu.memref_slice %arg4[%add3A_913, %dma_wait3A_921] : memref<160000x512xf32, #tpu.memory_space<hbm>> -> memref<40x256xf32, #tpu.memory_space<hbm>>
      %dma_wait3A_923 = arith.constant 40 : i32
      %dma_wait3A_924 = arith.constant 0 : i32
      %dma_wait3A_925 = tpu.memref_slice %arg6[%dma_wait3A_914, %dma_wait3A_923, %dma_wait3A_924] : memref<5x80x256xf32, #tpu.memory_space<vmem>> -> memref<1x40x256xf32, #tpu.memory_space<vmem>>
      %dma_wait3A_926 = tpu.memref_squeeze %dma_wait3A_925 : memref<1x40x256xf32, #tpu.memory_space<vmem>> -> memref<40x256xf32, #tpu.memory_space<vmem>>
      tpu.wait_dma2 semaphore(%arg20 : memref<!tpu.dma_semaphore, #tpu.memory_space<semaphore_mem>>) src(%dma_wait3A_926 : memref<40x256xf32, #tpu.memory_space<vmem>>) dst(%dma_wait3A_922 : memref<40x256xf32, #tpu.memory_space<hbm>>)
      %add3A_927 = arith.constant 3 : i32
      %add3A_928 = arith.addi %add3A_850, %add3A_927 : i32
      %dma_start3A_929 = arith.constant 3 : i32
      %dma_start3A_930 = arith.constant 0 : i32
      %dma_start3A_931 = arith.constant 0 : i32
      %dma_start3A_932 = tpu.memref_slice %arg6[%dma_start3A_929, %dma_start3A_930, %dma_start3A_931] : memref<5x80x256xf32, #tpu.memory_space<vmem>> -> memref<1x80x256xf32, #tpu.memory_space<vmem>>
      %dma_start3A_933 = tpu.memref_squeeze %dma_start3A_932 : memref<1x80x256xf32, #tpu.memory_space<vmem>> -> memref<80x256xf32, #tpu.memory_space<vmem>>
      %dma_start3A_934 = arith.constant 0 : i32
      %dma_start3A_935 = tpu.memref_slice %arg5[%add3A_928, %dma_start3A_934] : memref<125x80xi32, #tpu.memory_space<vmem>> -> memref<1x80xi32, #tpu.memory_space<vmem>>
      %dma_start3A_936 = tpu.memref_squeeze %dma_start3A_935 : memref<1x80xi32, #tpu.memory_space<vmem>> -> memref<80xi32, #tpu.memory_space<vmem>>
      %dma_start3A_937 = arith.constant 0 : i32
      %dma_start3A_938 = arith.constant 0 : i32
      %dma_start3A_939 = tpu.memref_slice %arg2[%dma_start3A_937, %dma_start3A_938] : memref<10000x256xf32, #tpu.memory_space<hbm>> -> memref<10000x256xf32, #tpu.memory_space<hbm>>
      tpu.enqueue_indirect_dma source(%dma_start3A_939 : memref<10000x256xf32, #tpu.memory_space<hbm>>) target(%dma_start3A_933 : memref<80x256xf32, #tpu.memory_space<vmem>>) offsets(%dma_start3A_936 : memref<80xi32, #tpu.memory_space<vmem>>) semaphore(%arg10 : memref<!tpu.dma_semaphore, #tpu.memory_space<semaphore_mem>>)
      %mul3A_940 = arith.constant 5 : i32
      %mul3A_941 = arith.muli %scan3A_846, %mul3A_940 : i32
      %add3A_942 = arith.constant 1 : i32
      %add3A_943 = arith.addi %mul3A_941, %add3A_942 : i32
      %dma_wait3A_944 = arith.constant 1 : i32
      %dma_wait3A_945 = arith.constant 0 : i32
      %dma_wait3A_946 = arith.constant 0 : i32
      %dma_wait3A_947 = tpu.memref_slice %arg6[%dma_wait3A_944, %dma_wait3A_945, %dma_wait3A_946] : memref<5x80x256xf32, #tpu.memory_space<vmem>> -> memref<1x80x256xf32, #tpu.memory_space<vmem>>
      %dma_wait3A_948 = tpu.memref_squeeze %dma_wait3A_947 : memref<1x80x256xf32, #tpu.memory_space<vmem>> -> memref<80x256xf32, #tpu.memory_space<vmem>>
      %dma_wait3A_949 = arith.constant 0 : i32
      %dma_wait3A_950 = tpu.memref_slice %arg5[%add3A_943, %dma_wait3A_949] : memref<125x80xi32, #tpu.memory_space<vmem>> -> memref<1x80xi32, #tpu.memory_space<vmem>>
      %dma_wait3A_951 = tpu.memref_squeeze %dma_wait3A_950 : memref<1x80xi32, #tpu.memory_space<vmem>> -> memref<80xi32, #tpu.memory_space<vmem>>
      %dma_wait3A_952 = arith.constant 0 : i32
      %dma_wait3A_953 = arith.constant 0 : i32
      %dma_wait3A_954 = tpu.memref_slice %arg2[%dma_wait3A_952, %dma_wait3A_953] : memref<10000x256xf32, #tpu.memory_space<hbm>> -> memref<10000x256xf32, #tpu.memory_space<hbm>>
      tpu.wait_indirect_dma semaphore(%arg8 : memref<!tpu.dma_semaphore, #tpu.memory_space<semaphore_mem>>) src(%dma_wait3A_954 : memref<10000x256xf32, #tpu.memory_space<hbm>>) dst(%dma_wait3A_948 : memref<80x256xf32, #tpu.memory_space<vmem>>)
      %mul3A_955 = arith.constant 40 : i32
      %mul3A_956 = arith.muli %add3A_943, %mul3A_955 : i32
      %add3A_957 = arith.addi %mul3A_2, %mul3A_956 : i32
      %dma_start3A_958 = arith.constant 1 : i32
      %dma_start3A_959 = arith.constant 0 : i32
      %dma_start3A_960 = arith.constant 0 : i32
      %dma_start3A_961 = tpu.memref_slice %arg6[%dma_start3A_958, %dma_start3A_959, %dma_start3A_960] : memref<5x80x256xf32, #tpu.memory_space<vmem>> -> memref<1x40x256xf32, #tpu.memory_space<vmem>>
      %dma_start3A_962 = tpu.memref_squeeze %dma_start3A_961 : memref<1x40x256xf32, #tpu.memory_space<vmem>> -> memref<40x256xf32, #tpu.memory_space<vmem>>
      %dma_start3A_963 = arith.constant 0 : i32
      %dma_start3A_964 = tpu.memref_slice %arg4[%add3A_957, %dma_start3A_963] : memref<160000x512xf32, #tpu.memory_space<hbm>> -> memref<40x256xf32, #tpu.memory_space<hbm>>
      %dma_start3A_965 = arith.constant 0 : i32
      %dma_start3A_966 = tpu.memref_slice %arg4[%add3A_957, %dma_start3A_965] : memref<160000x512xf32, #tpu.memory_space<hbm>> -> memref<40x256xf32, #tpu.memory_space<hbm>>
      %dma_start3A_967 = arith.constant 0 : i32
      %dma_start3A_968 = arith.constant 0 : i32
      %dma_start3A_969 = tpu.memref_slice %arg6[%dma_start3A_958, %dma_start3A_967, %dma_start3A_968] : memref<5x80x256xf32, #tpu.memory_space<vmem>> -> memref<1x40x256xf32, #tpu.memory_space<vmem>>
      %dma_start3A_970 = tpu.memref_squeeze %dma_start3A_969 : memref<1x40x256xf32, #tpu.memory_space<vmem>> -> memref<40x256xf32, #tpu.memory_space<vmem>>
      tpu.enqueue_dma source(%dma_start3A_970 : memref<40x256xf32, #tpu.memory_space<vmem>>) target(%dma_start3A_966 : memref<40x256xf32, #tpu.memory_space<hbm>>) target_semaphore(%arg13 : memref<!tpu.dma_semaphore, #tpu.memory_space<semaphore_mem>>)
      %mul3A_971 = arith.constant 40 : i32
      %mul3A_972 = arith.muli %add3A_943, %mul3A_971 : i32
      %add3A_973 = arith.addi %mul3A_2, %mul3A_972 : i32
      %dma_start3A_974 = arith.constant 1 : i32
      %dma_start3A_975 = arith.constant 40 : i32
      %dma_start3A_976 = arith.constant 0 : i32
      %dma_start3A_977 = tpu.memref_slice %arg6[%dma_start3A_974, %dma_start3A_975, %dma_start3A_976] : memref<5x80x256xf32, #tpu.memory_space<vmem>> -> memref<1x40x256xf32, #tpu.memory_space<vmem>>
      %dma_start3A_978 = tpu.memref_squeeze %dma_start3A_977 : memref<1x40x256xf32, #tpu.memory_space<vmem>> -> memref<40x256xf32, #tpu.memory_space<vmem>>
      %dma_start3A_979 = arith.constant 256 : i32
      %dma_start3A_980 = tpu.memref_slice %arg4[%add3A_973, %dma_start3A_979] : memref<160000x512xf32, #tpu.memory_space<hbm>> -> memref<40x256xf32, #tpu.memory_space<hbm>>
      %dma_start3A_981 = arith.constant 256 : i32
      %dma_start3A_982 = tpu.memref_slice %arg4[%add3A_973, %dma_start3A_981] : memref<160000x512xf32, #tpu.memory_space<hbm>> -> memref<40x256xf32, #tpu.memory_space<hbm>>
      %dma_start3A_983 = arith.constant 40 : i32
      %dma_start3A_984 = arith.constant 0 : i32
      %dma_start3A_985 = tpu.memref_slice %arg6[%dma_start3A_974, %dma_start3A_983, %dma_start3A_984] : memref<5x80x256xf32, #tpu.memory_space<vmem>> -> memref<1x40x256xf32, #tpu.memory_space<vmem>>
      %dma_start3A_986 = tpu.memref_squeeze %dma_start3A_985 : memref<1x40x256xf32, #tpu.memory_space<vmem>> -> memref<40x256xf32, #tpu.memory_space<vmem>>
      tpu.enqueue_dma source(%dma_start3A_986 : memref<40x256xf32, #tpu.memory_space<vmem>>) target(%dma_start3A_982 : memref<40x256xf32, #tpu.memory_space<hbm>>) target_semaphore(%arg18 : memref<!tpu.dma_semaphore, #tpu.memory_space<semaphore_mem>>)
      %sub3A_987 = arith.constant 2 : i32
      %sub3A_988 = arith.subi %add3A_943, %sub3A_987 : i32
      %mul3A_989 = arith.constant 40 : i32
      %mul3A_990 = arith.muli %sub3A_988, %mul3A_989 : i32
      %add3A_991 = arith.addi %mul3A_2, %mul3A_990 : i32
      %dma_wait3A_992 = arith.constant 4 : i32
      %dma_wait3A_993 = arith.constant 0 : i32
      %dma_wait3A_994 = arith.constant 0 : i32
      %dma_wait3A_995 = tpu.memref_slice %arg6[%dma_wait3A_992, %dma_wait3A_993, %dma_wait3A_994] : memref<5x80x256xf32, #tpu.memory_space<vmem>> -> memref<1x40x256xf32, #tpu.memory_space<vmem>>
      %dma_wait3A_996 = tpu.memref_squeeze %dma_wait3A_995 : memref<1x40x256xf32, #tpu.memory_space<vmem>> -> memref<40x256xf32, #tpu.memory_space<vmem>>
      %dma_wait3A_997 = arith.constant 0 : i32
      %dma_wait3A_998 = tpu.memref_slice %arg4[%add3A_991, %dma_wait3A_997] : memref<160000x512xf32, #tpu.memory_space<hbm>> -> memref<40x256xf32, #tpu.memory_space<hbm>>
      %dma_wait3A_999 = arith.constant 0 : i32
      %dma_wait3A_1000 = tpu.memref_slice %arg4[%add3A_991, %dma_wait3A_999] : memref<160000x512xf32, #tpu.memory_space<hbm>> -> memref<40x256xf32, #tpu.memory_space<hbm>>
      %dma_wait3A_1001 = arith.constant 0 : i32
      %dma_wait3A_1002 = arith.constant 0 : i32
      %dma_wait3A_1003 = tpu.memref_slice %arg6[%dma_wait3A_992, %dma_wait3A_1001, %dma_wait3A_1002] : memref<5x80x256xf32, #tpu.memory_space<vmem>> -> memref<1x40x256xf32, #tpu.memory_space<vmem>>
      %dma_wait3A_1004 = tpu.memref_squeeze %dma_wait3A_1003 : memref<1x40x256xf32, #tpu.memory_space<vmem>> -> memref<40x256xf32, #tpu.memory_space<vmem>>
      tpu.wait_dma2 semaphore(%arg16 : memref<!tpu.dma_semaphore, #tpu.memory_space<semaphore_mem>>) src(%dma_wait3A_1004 : memref<40x256xf32, #tpu.memory_space<vmem>>) dst(%dma_wait3A_1000 : memref<40x256xf32, #tpu.memory_space<hbm>>)
      %mul3A_1005 = arith.constant 40 : i32
      %mul3A_1006 = arith.muli %sub3A_988, %mul3A_1005 : i32
      %add3A_1007 = arith.addi %mul3A_2, %mul3A_1006 : i32
      %dma_wait3A_1008 = arith.constant 4 : i32
      %dma_wait3A_1009 = arith.constant 40 : i32
      %dma_wait3A_1010 = arith.constant 0 : i32
      %dma_wait3A_1011 = tpu.memref_slice %arg6[%dma_wait3A_1008, %dma_wait3A_1009, %dma_wait3A_1010] : memref<5x80x256xf32, #tpu.memory_space<vmem>> -> memref<1x40x256xf32, #tpu.memory_space<vmem>>
      %dma_wait3A_1012 = tpu.memref_squeeze %dma_wait3A_1011 : memref<1x40x256xf32, #tpu.memory_space<vmem>> -> memref<40x256xf32, #tpu.memory_space<vmem>>
      %dma_wait3A_1013 = arith.constant 256 : i32
      %dma_wait3A_1014 = tpu.memref_slice %arg4[%add3A_1007, %dma_wait3A_1013] : memref<160000x512xf32, #tpu.memory_space<hbm>> -> memref<40x256xf32, #tpu.memory_space<hbm>>
      %dma_wait3A_1015 = arith.constant 256 : i32
      %dma_wait3A_1016 = tpu.memref_slice %arg4[%add3A_1007, %dma_wait3A_1015] : memref<160000x512xf32, #tpu.memory_space<hbm>> -> memref<40x256xf32, #tpu.memory_space<hbm>>
      %dma_wait3A_1017 = arith.constant 40 : i32
      %dma_wait3A_1018 = arith.constant 0 : i32
      %dma_wait3A_1019 = tpu.memref_slice %arg6[%dma_wait3A_1008, %dma_wait3A_1017, %dma_wait3A_1018] : memref<5x80x256xf32, #tpu.memory_space<vmem>> -> memref<1x40x256xf32, #tpu.memory_space<vmem>>
      %dma_wait3A_1020 = tpu.memref_squeeze %dma_wait3A_1019 : memref<1x40x256xf32, #tpu.memory_space<vmem>> -> memref<40x256xf32, #tpu.memory_space<vmem>>
      tpu.wait_dma2 semaphore(%arg21 : memref<!tpu.dma_semaphore, #tpu.memory_space<semaphore_mem>>) src(%dma_wait3A_1020 : memref<40x256xf32, #tpu.memory_space<vmem>>) dst(%dma_wait3A_1016 : memref<40x256xf32, #tpu.memory_space<hbm>>)
      %add3A_1021 = arith.constant 3 : i32
      %add3A_1022 = arith.addi %add3A_943, %add3A_1021 : i32
      %dma_start3A_1023 = arith.constant 4 : i32
      %dma_start3A_1024 = arith.constant 0 : i32
      %dma_start3A_1025 = arith.constant 0 : i32
      %dma_start3A_1026 = tpu.memref_slice %arg6[%dma_start3A_1023, %dma_start3A_1024, %dma_start3A_1025] : memref<5x80x256xf32, #tpu.memory_space<vmem>> -> memref<1x80x256xf32, #tpu.memory_space<vmem>>
      %dma_start3A_1027 = tpu.memref_squeeze %dma_start3A_1026 : memref<1x80x256xf32, #tpu.memory_space<vmem>> -> memref<80x256xf32, #tpu.memory_space<vmem>>
      %dma_start3A_1028 = arith.constant 0 : i32
      %dma_start3A_1029 = tpu.memref_slice %arg5[%add3A_1022, %dma_start3A_1028] : memref<125x80xi32, #tpu.memory_space<vmem>> -> memref<1x80xi32, #tpu.memory_space<vmem>>
      %dma_start3A_1030 = tpu.memref_squeeze %dma_start3A_1029 : memref<1x80xi32, #tpu.memory_space<vmem>> -> memref<80xi32, #tpu.memory_space<vmem>>
      %dma_start3A_1031 = arith.constant 0 : i32
      %dma_start3A_1032 = arith.constant 0 : i32
      %dma_start3A_1033 = tpu.memref_slice %arg2[%dma_start3A_1031, %dma_start3A_1032] : memref<10000x256xf32, #tpu.memory_space<hbm>> -> memref<10000x256xf32, #tpu.memory_space<hbm>>
      tpu.enqueue_indirect_dma source(%dma_start3A_1033 : memref<10000x256xf32, #tpu.memory_space<hbm>>) target(%dma_start3A_1027 : memref<80x256xf32, #tpu.memory_space<vmem>>) offsets(%dma_start3A_1030 : memref<80xi32, #tpu.memory_space<vmem>>) semaphore(%arg11 : memref<!tpu.dma_semaphore, #tpu.memory_space<semaphore_mem>>)
      %mul3A_1034 = arith.constant 5 : i32
      %mul3A_1035 = arith.muli %scan3A_846, %mul3A_1034 : i32
      %add3A_1036 = arith.constant 2 : i32
      %add3A_1037 = arith.addi %mul3A_1035, %add3A_1036 : i32
      %dma_wait3A_1038 = arith.constant 2 : i32
      %dma_wait3A_1039 = arith.constant 0 : i32
      %dma_wait3A_1040 = arith.constant 0 : i32
      %dma_wait3A_1041 = tpu.memref_slice %arg6[%dma_wait3A_1038, %dma_wait3A_1039, %dma_wait3A_1040] : memref<5x80x256xf32, #tpu.memory_space<vmem>> -> memref<1x80x256xf32, #tpu.memory_space<vmem>>
      %dma_wait3A_1042 = tpu.memref_squeeze %dma_wait3A_1041 : memref<1x80x256xf32, #tpu.memory_space<vmem>> -> memref<80x256xf32, #tpu.memory_space<vmem>>
      %dma_wait3A_1043 = arith.constant 0 : i32
      %dma_wait3A_1044 = tpu.memref_slice %arg5[%add3A_1037, %dma_wait3A_1043] : memref<125x80xi32, #tpu.memory_space<vmem>> -> memref<1x80xi32, #tpu.memory_space<vmem>>
      %dma_wait3A_1045 = tpu.memref_squeeze %dma_wait3A_1044 : memref<1x80xi32, #tpu.memory_space<vmem>> -> memref<80xi32, #tpu.memory_space<vmem>>
      %dma_wait3A_1046 = arith.constant 0 : i32
      %dma_wait3A_1047 = arith.constant 0 : i32
      %dma_wait3A_1048 = tpu.memref_slice %arg2[%dma_wait3A_1046, %dma_wait3A_1047] : memref<10000x256xf32, #tpu.memory_space<hbm>> -> memref<10000x256xf32, #tpu.memory_space<hbm>>
      tpu.wait_indirect_dma semaphore(%arg9 : memref<!tpu.dma_semaphore, #tpu.memory_space<semaphore_mem>>) src(%dma_wait3A_1048 : memref<10000x256xf32, #tpu.memory_space<hbm>>) dst(%dma_wait3A_1042 : memref<80x256xf32, #tpu.memory_space<vmem>>)
      %mul3A_1049 = arith.constant 40 : i32
      %mul3A_1050 = arith.muli %add3A_1037, %mul3A_1049 : i32
      %add3A_1051 = arith.addi %mul3A_2, %mul3A_1050 : i32
      %dma_start3A_1052 = arith.constant 2 : i32
      %dma_start3A_1053 = arith.constant 0 : i32
      %dma_start3A_1054 = arith.constant 0 : i32
      %dma_start3A_1055 = tpu.memref_slice %arg6[%dma_start3A_1052, %dma_start3A_1053, %dma_start3A_1054] : memref<5x80x256xf32, #tpu.memory_space<vmem>> -> memref<1x40x256xf32, #tpu.memory_space<vmem>>
      %dma_start3A_1056 = tpu.memref_squeeze %dma_start3A_1055 : memref<1x40x256xf32, #tpu.memory_space<vmem>> -> memref<40x256xf32, #tpu.memory_space<vmem>>
      %dma_start3A_1057 = arith.constant 0 : i32
      %dma_start3A_1058 = tpu.memref_slice %arg4[%add3A_1051, %dma_start3A_1057] : memref<160000x512xf32, #tpu.memory_space<hbm>> -> memref<40x256xf32, #tpu.memory_space<hbm>>
      %dma_start3A_1059 = arith.constant 0 : i32
      %dma_start3A_1060 = tpu.memref_slice %arg4[%add3A_1051, %dma_start3A_1059] : memref<160000x512xf32, #tpu.memory_space<hbm>> -> memref<40x256xf32, #tpu.memory_space<hbm>>
      %dma_start3A_1061 = arith.constant 0 : i32
      %dma_start3A_1062 = arith.constant 0 : i32
      %dma_start3A_1063 = tpu.memref_slice %arg6[%dma_start3A_1052, %dma_start3A_1061, %dma_start3A_1062] : memref<5x80x256xf32, #tpu.memory_space<vmem>> -> memref<1x40x256xf32, #tpu.memory_space<vmem>>
      %dma_start3A_1064 = tpu.memref_squeeze %dma_start3A_1063 : memref<1x40x256xf32, #tpu.memory_space<vmem>> -> memref<40x256xf32, #tpu.memory_space<vmem>>
      tpu.enqueue_dma source(%dma_start3A_1064 : memref<40x256xf32, #tpu.memory_space<vmem>>) target(%dma_start3A_1060 : memref<40x256xf32, #tpu.memory_space<hbm>>) target_semaphore(%arg14 : memref<!tpu.dma_semaphore, #tpu.memory_space<semaphore_mem>>)
      %mul3A_1065 = arith.constant 40 : i32
      %mul3A_1066 = arith.muli %add3A_1037, %mul3A_1065 : i32
      %add3A_1067 = arith.addi %mul3A_2, %mul3A_1066 : i32
      %dma_start3A_1068 = arith.constant 2 : i32
      %dma_start3A_1069 = arith.constant 40 : i32
      %dma_start3A_1070 = arith.constant 0 : i32
      %dma_start3A_1071 = tpu.memref_slice %arg6[%dma_start3A_1068, %dma_start3A_1069, %dma_start3A_1070] : memref<5x80x256xf32, #tpu.memory_space<vmem>> -> memref<1x40x256xf32, #tpu.memory_space<vmem>>
      %dma_start3A_1072 = tpu.memref_squeeze %dma_start3A_1071 : memref<1x40x256xf32, #tpu.memory_space<vmem>> -> memref<40x256xf32, #tpu.memory_space<vmem>>
      %dma_start3A_1073 = arith.constant 256 : i32
      %dma_start3A_1074 = tpu.memref_slice %arg4[%add3A_1067, %dma_start3A_1073] : memref<160000x512xf32, #tpu.memory_space<hbm>> -> memref<40x256xf32, #tpu.memory_space<hbm>>
      %dma_start3A_1075 = arith.constant 256 : i32
      %dma_start3A_1076 = tpu.memref_slice %arg4[%add3A_1067, %dma_start3A_1075] : memref<160000x512xf32, #tpu.memory_space<hbm>> -> memref<40x256xf32, #tpu.memory_space<hbm>>
      %dma_start3A_1077 = arith.constant 40 : i32
      %dma_start3A_1078 = arith.constant 0 : i32
      %dma_start3A_1079 = tpu.memref_slice %arg6[%dma_start3A_1068, %dma_start3A_1077, %dma_start3A_1078] : memref<5x80x256xf32, #tpu.memory_space<vmem>> -> memref<1x40x256xf32, #tpu.memory_space<vmem>>
      %dma_start3A_1080 = tpu.memref_squeeze %dma_start3A_1079 : memref<1x40x256xf32, #tpu.memory_space<vmem>> -> memref<40x256xf32, #tpu.memory_space<vmem>>
      tpu.enqueue_dma source(%dma_start3A_1080 : memref<40x256xf32, #tpu.memory_space<vmem>>) target(%dma_start3A_1076 : memref<40x256xf32, #tpu.memory_space<hbm>>) target_semaphore(%arg19 : memref<!tpu.dma_semaphore, #tpu.memory_space<semaphore_mem>>)
      %sub3A_1081 = arith.constant 2 : i32
      %sub3A_1082 = arith.subi %add3A_1037, %sub3A_1081 : i32
      %mul3A_1083 = arith.constant 40 : i32
      %mul3A_1084 = arith.muli %sub3A_1082, %mul3A_1083 : i32
      %add3A_1085 = arith.addi %mul3A_2, %mul3A_1084 : i32
      %dma_wait3A_1086 = arith.constant 0 : i32
      %dma_wait3A_1087 = arith.constant 0 : i32
      %dma_wait3A_1088 = arith.constant 0 : i32
      %dma_wait3A_1089 = tpu.memref_slice %arg6[%dma_wait3A_1086, %dma_wait3A_1087, %dma_wait3A_1088] : memref<5x80x256xf32, #tpu.memory_space<vmem>> -> memref<1x40x256xf32, #tpu.memory_space<vmem>>
      %dma_wait3A_1090 = tpu.memref_squeeze %dma_wait3A_1089 : memref<1x40x256xf32, #tpu.memory_space<vmem>> -> memref<40x256xf32, #tpu.memory_space<vmem>>
      %dma_wait3A_1091 = arith.constant 0 : i32
      %dma_wait3A_1092 = tpu.memref_slice %arg4[%add3A_1085, %dma_wait3A_1091] : memref<160000x512xf32, #tpu.memory_space<hbm>> -> memref<40x256xf32, #tpu.memory_space<hbm>>
      %dma_wait3A_1093 = arith.constant 0 : i32
      %dma_wait3A_1094 = tpu.memref_slice %arg4[%add3A_1085, %dma_wait3A_1093] : memref<160000x512xf32, #tpu.memory_space<hbm>> -> memref<40x256xf32, #tpu.memory_space<hbm>>
      %dma_wait3A_1095 = arith.constant 0 : i32
      %dma_wait3A_1096 = arith.constant 0 : i32
      %dma_wait3A_1097 = tpu.memref_slice %arg6[%dma_wait3A_1086, %dma_wait3A_1095, %dma_wait3A_1096] : memref<5x80x256xf32, #tpu.memory_space<vmem>> -> memref<1x40x256xf32, #tpu.memory_space<vmem>>
      %dma_wait3A_1098 = tpu.memref_squeeze %dma_wait3A_1097 : memref<1x40x256xf32, #tpu.memory_space<vmem>> -> memref<40x256xf32, #tpu.memory_space<vmem>>
      tpu.wait_dma2 semaphore(%arg12 : memref<!tpu.dma_semaphore, #tpu.memory_space<semaphore_mem>>) src(%dma_wait3A_1098 : memref<40x256xf32, #tpu.memory_space<vmem>>) dst(%dma_wait3A_1094 : memref<40x256xf32, #tpu.memory_space<hbm>>)
      %mul3A_1099 = arith.constant 40 : i32
      %mul3A_1100 = arith.muli %sub3A_1082, %mul3A_1099 : i32
      %add3A_1101 = arith.addi %mul3A_2, %mul3A_1100 : i32
      %dma_wait3A_1102 = arith.constant 0 : i32
      %dma_wait3A_1103 = arith.constant 40 : i32
      %dma_wait3A_1104 = arith.constant 0 : i32
      %dma_wait3A_1105 = tpu.memref_slice %arg6[%dma_wait3A_1102, %dma_wait3A_1103, %dma_wait3A_1104] : memref<5x80x256xf32, #tpu.memory_space<vmem>> -> memref<1x40x256xf32, #tpu.memory_space<vmem>>
      %dma_wait3A_1106 = tpu.memref_squeeze %dma_wait3A_1105 : memref<1x40x256xf32, #tpu.memory_space<vmem>> -> memref<40x256xf32, #tpu.memory_space<vmem>>
      %dma_wait3A_1107 = arith.constant 256 : i32
      %dma_wait3A_1108 = tpu.memref_slice %arg4[%add3A_1101, %dma_wait3A_1107] : memref<160000x512xf32, #tpu.memory_space<hbm>> -> memref<40x256xf32, #tpu.memory_space<hbm>>
      %dma_wait3A_1109 = arith.constant 256 : i32
      %dma_wait3A_1110 = tpu.memref_slice %arg4[%add3A_1101, %dma_wait3A_1109] : memref<160000x512xf32, #tpu.memory_space<hbm>> -> memref<40x256xf32, #tpu.memory_space<hbm>>
      %dma_wait3A_1111 = arith.constant 40 : i32
      %dma_wait3A_1112 = arith.constant 0 : i32
      %dma_wait3A_1113 = tpu.memref_slice %arg6[%dma_wait3A_1102, %dma_wait3A_1111, %dma_wait3A_1112] : memref<5x80x256xf32, #tpu.memory_space<vmem>> -> memref<1x40x256xf32, #tpu.memory_space<vmem>>
      %dma_wait3A_1114 = tpu.memref_squeeze %dma_wait3A_1113 : memref<1x40x256xf32, #tpu.memory_space<vmem>> -> memref<40x256xf32, #tpu.memory_space<vmem>>
      tpu.wait_dma2 semaphore(%arg17 : memref<!tpu.dma_semaphore, #tpu.memory_space<semaphore_mem>>) src(%dma_wait3A_1114 : memref<40x256xf32, #tpu.memory_space<vmem>>) dst(%dma_wait3A_1110 : memref<40x256xf32, #tpu.memory_space<hbm>>)
      %add3A_1115 = arith.constant 3 : i32
      %add3A_1116 = arith.addi %add3A_1037, %add3A_1115 : i32
      %dma_start3A_1117 = arith.constant 0 : i32
      %dma_start3A_1118 = arith.constant 0 : i32
      %dma_start3A_1119 = arith.constant 0 : i32
      %dma_start3A_1120 = tpu.memref_slice %arg6[%dma_start3A_1117, %dma_start3A_1118, %dma_start3A_1119] : memref<5x80x256xf32, #tpu.memory_space<vmem>> -> memref<1x80x256xf32, #tpu.memory_space<vmem>>
      %dma_start3A_1121 = tpu.memref_squeeze %dma_start3A_1120 : memref<1x80x256xf32, #tpu.memory_space<vmem>> -> memref<80x256xf32, #tpu.memory_space<vmem>>
      %dma_start3A_1122 = arith.constant 0 : i32
      %dma_start3A_1123 = tpu.memref_slice %arg5[%add3A_1116, %dma_start3A_1122] : memref<125x80xi32, #tpu.memory_space<vmem>> -> memref<1x80xi32, #tpu.memory_space<vmem>>
      %dma_start3A_1124 = tpu.memref_squeeze %dma_start3A_1123 : memref<1x80xi32, #tpu.memory_space<vmem>> -> memref<80xi32, #tpu.memory_space<vmem>>
      %dma_start3A_1125 = arith.constant 0 : i32
      %dma_start3A_1126 = arith.constant 0 : i32
      %dma_start3A_1127 = tpu.memref_slice %arg2[%dma_start3A_1125, %dma_start3A_1126] : memref<10000x256xf32, #tpu.memory_space<hbm>> -> memref<10000x256xf32, #tpu.memory_space<hbm>>
      tpu.enqueue_indirect_dma source(%dma_start3A_1127 : memref<10000x256xf32, #tpu.memory_space<hbm>>) target(%dma_start3A_1121 : memref<80x256xf32, #tpu.memory_space<vmem>>) offsets(%dma_start3A_1124 : memref<80xi32, #tpu.memory_space<vmem>>) semaphore(%arg7 : memref<!tpu.dma_semaphore, #tpu.memory_space<semaphore_mem>>)
      %mul3A_1128 = arith.constant 5 : i32
      %mul3A_1129 = arith.muli %scan3A_846, %mul3A_1128 : i32
      %add3A_1130 = arith.constant 3 : i32
      %add3A_1131 = arith.addi %mul3A_1129, %add3A_1130 : i32
      %dma_wait3A_1132 = arith.constant 3 : i32
      %dma_wait3A_1133 = arith.constant 0 : i32
      %dma_wait3A_1134 = arith.constant 0 : i32
      %dma_wait3A_1135 = tpu.memref_slice %arg6[%dma_wait3A_1132, %dma_wait3A_1133, %dma_wait3A_1134] : memref<5x80x256xf32, #tpu.memory_space<vmem>> -> memref<1x80x256xf32, #tpu.memory_space<vmem>>
      %dma_wait3A_1136 = tpu.memref_squeeze %dma_wait3A_1135 : memref<1x80x256xf32, #tpu.memory_space<vmem>> -> memref<80x256xf32, #tpu.memory_space<vmem>>
      %dma_wait3A_1137 = arith.constant 0 : i32
      %dma_wait3A_1138 = tpu.memref_slice %arg5[%add3A_1131, %dma_wait3A_1137] : memref<125x80xi32, #tpu.memory_space<vmem>> -> memref<1x80xi32, #tpu.memory_space<vmem>>
      %dma_wait3A_1139 = tpu.memref_squeeze %dma_wait3A_1138 : memref<1x80xi32, #tpu.memory_space<vmem>> -> memref<80xi32, #tpu.memory_space<vmem>>
      %dma_wait3A_1140 = arith.constant 0 : i32
      %dma_wait3A_1141 = arith.constant 0 : i32
      %dma_wait3A_1142 = tpu.memref_slice %arg2[%dma_wait3A_1140, %dma_wait3A_1141] : memref<10000x256xf32, #tpu.memory_space<hbm>> -> memref<10000x256xf32, #tpu.memory_space<hbm>>
      tpu.wait_indirect_dma semaphore(%arg10 : memref<!tpu.dma_semaphore, #tpu.memory_space<semaphore_mem>>) src(%dma_wait3A_1142 : memref<10000x256xf32, #tpu.memory_space<hbm>>) dst(%dma_wait3A_1136 : memref<80x256xf32, #tpu.memory_space<vmem>>)
      %mul3A_1143 = arith.constant 40 : i32
      %mul3A_1144 = arith.muli %add3A_1131, %mul3A_1143 : i32
      %add3A_1145 = arith.addi %mul3A_2, %mul3A_1144 : i32
      %dma_start3A_1146 = arith.constant 3 : i32
      %dma_start3A_1147 = arith.constant 0 : i32
      %dma_start3A_1148 = arith.constant 0 : i32
      %dma_start3A_1149 = tpu.memref_slice %arg6[%dma_start3A_1146, %dma_start3A_1147, %dma_start3A_1148] : memref<5x80x256xf32, #tpu.memory_space<vmem>> -> memref<1x40x256xf32, #tpu.memory_space<vmem>>
      %dma_start3A_1150 = tpu.memref_squeeze %dma_start3A_1149 : memref<1x40x256xf32, #tpu.memory_space<vmem>> -> memref<40x256xf32, #tpu.memory_space<vmem>>
      %dma_start3A_1151 = arith.constant 0 : i32
      %dma_start3A_1152 = tpu.memref_slice %arg4[%add3A_1145, %dma_start3A_1151] : memref<160000x512xf32, #tpu.memory_space<hbm>> -> memref<40x256xf32, #tpu.memory_space<hbm>>
      %dma_start3A_1153 = arith.constant 0 : i32
      %dma_start3A_1154 = tpu.memref_slice %arg4[%add3A_1145, %dma_start3A_1153] : memref<160000x512xf32, #tpu.memory_space<hbm>> -> memref<40x256xf32, #tpu.memory_space<hbm>>
      %dma_start3A_1155 = arith.constant 0 : i32
      %dma_start3A_1156 = arith.constant 0 : i32
      %dma_start3A_1157 = tpu.memref_slice %arg6[%dma_start3A_1146, %dma_start3A_1155, %dma_start3A_1156] : memref<5x80x256xf32, #tpu.memory_space<vmem>> -> memref<1x40x256xf32, #tpu.memory_space<vmem>>
      %dma_start3A_1158 = tpu.memref_squeeze %dma_start3A_1157 : memref<1x40x256xf32, #tpu.memory_space<vmem>> -> memref<40x256xf32, #tpu.memory_space<vmem>>
      tpu.enqueue_dma source(%dma_start3A_1158 : memref<40x256xf32, #tpu.memory_space<vmem>>) target(%dma_start3A_1154 : memref<40x256xf32, #tpu.memory_space<hbm>>) target_semaphore(%arg15 : memref<!tpu.dma_semaphore, #tpu.memory_space<semaphore_mem>>)
      %mul3A_1159 = arith.constant 40 : i32
      %mul3A_1160 = arith.muli %add3A_1131, %mul3A_1159 : i32
      %add3A_1161 = arith.addi %mul3A_2, %mul3A_1160 : i32
      %dma_start3A_1162 = arith.constant 3 : i32
      %dma_start3A_1163 = arith.constant 40 : i32
      %dma_start3A_1164 = arith.constant 0 : i32
      %dma_start3A_1165 = tpu.memref_slice %arg6[%dma_start3A_1162, %dma_start3A_1163, %dma_start3A_1164] : memref<5x80x256xf32, #tpu.memory_space<vmem>> -> memref<1x40x256xf32, #tpu.memory_space<vmem>>
      %dma_start3A_1166 = tpu.memref_squeeze %dma_start3A_1165 : memref<1x40x256xf32, #tpu.memory_space<vmem>> -> memref<40x256xf32, #tpu.memory_space<vmem>>
      %dma_start3A_1167 = arith.constant 256 : i32
      %dma_start3A_1168 = tpu.memref_slice %arg4[%add3A_1161, %dma_start3A_1167] : memref<160000x512xf32, #tpu.memory_space<hbm>> -> memref<40x256xf32, #tpu.memory_space<hbm>>
      %dma_start3A_1169 = arith.constant 256 : i32
      %dma_start3A_1170 = tpu.memref_slice %arg4[%add3A_1161, %dma_start3A_1169] : memref<160000x512xf32, #tpu.memory_space<hbm>> -> memref<40x256xf32, #tpu.memory_space<hbm>>
      %dma_start3A_1171 = arith.constant 40 : i32
      %dma_start3A_1172 = arith.constant 0 : i32
      %dma_start3A_1173 = tpu.memref_slice %arg6[%dma_start3A_1162, %dma_start3A_1171, %dma_start3A_1172] : memref<5x80x256xf32, #tpu.memory_space<vmem>> -> memref<1x40x256xf32, #tpu.memory_space<vmem>>
      %dma_start3A_1174 = tpu.memref_squeeze %dma_start3A_1173 : memref<1x40x256xf32, #tpu.memory_space<vmem>> -> memref<40x256xf32, #tpu.memory_space<vmem>>
      tpu.enqueue_dma source(%dma_start3A_1174 : memref<40x256xf32, #tpu.memory_space<vmem>>) target(%dma_start3A_1170 : memref<40x256xf32, #tpu.memory_space<hbm>>) target_semaphore(%arg20 : memref<!tpu.dma_semaphore, #tpu.memory_space<semaphore_mem>>)
      %sub3A_1175 = arith.constant 2 : i32
      %sub3A_1176 = arith.subi %add3A_1131, %sub3A_1175 : i32
      %mul3A_1177 = arith.constant 40 : i32
      %mul3A_1178 = arith.muli %sub3A_1176, %mul3A_1177 : i32
      %add3A_1179 = arith.addi %mul3A_2, %mul3A_1178 : i32
      %dma_wait3A_1180 = arith.constant 1 : i32
      %dma_wait3A_1181 = arith.constant 0 : i32
      %dma_wait3A_1182 = arith.constant 0 : i32
      %dma_wait3A_1183 = tpu.memref_slice %arg6[%dma_wait3A_1180, %dma_wait3A_1181, %dma_wait3A_1182] : memref<5x80x256xf32, #tpu.memory_space<vmem>> -> memref<1x40x256xf32, #tpu.memory_space<vmem>>
      %dma_wait3A_1184 = tpu.memref_squeeze %dma_wait3A_1183 : memref<1x40x256xf32, #tpu.memory_space<vmem>> -> memref<40x256xf32, #tpu.memory_space<vmem>>
      %dma_wait3A_1185 = arith.constant 0 : i32
      %dma_wait3A_1186 = tpu.memref_slice %arg4[%add3A_1179, %dma_wait3A_1185] : memref<160000x512xf32, #tpu.memory_space<hbm>> -> memref<40x256xf32, #tpu.memory_space<hbm>>
      %dma_wait3A_1187 = arith.constant 0 : i32
      %dma_wait3A_1188 = tpu.memref_slice %arg4[%add3A_1179, %dma_wait3A_1187] : memref<160000x512xf32, #tpu.memory_space<hbm>> -> memref<40x256xf32, #tpu.memory_space<hbm>>
      %dma_wait3A_1189 = arith.constant 0 : i32
      %dma_wait3A_1190 = arith.constant 0 : i32
      %dma_wait3A_1191 = tpu.memref_slice %arg6[%dma_wait3A_1180, %dma_wait3A_1189, %dma_wait3A_1190] : memref<5x80x256xf32, #tpu.memory_space<vmem>> -> memref<1x40x256xf32, #tpu.memory_space<vmem>>
      %dma_wait3A_1192 = tpu.memref_squeeze %dma_wait3A_1191 : memref<1x40x256xf32, #tpu.memory_space<vmem>> -> memref<40x256xf32, #tpu.memory_space<vmem>>
      tpu.wait_dma2 semaphore(%arg13 : memref<!tpu.dma_semaphore, #tpu.memory_space<semaphore_mem>>) src(%dma_wait3A_1192 : memref<40x256xf32, #tpu.memory_space<vmem>>) dst(%dma_wait3A_1188 : memref<40x256xf32, #tpu.memory_space<hbm>>)
      %mul3A_1193 = arith.constant 40 : i32
      %mul3A_1194 = arith.muli %sub3A_1176, %mul3A_1193 : i32
      %add3A_1195 = arith.addi %mul3A_2, %mul3A_1194 : i32
      %dma_wait3A_1196 = arith.constant 1 : i32
      %dma_wait3A_1197 = arith.constant 40 : i32
      %dma_wait3A_1198 = arith.constant 0 : i32
      %dma_wait3A_1199 = tpu.memref_slice %arg6[%dma_wait3A_1196, %dma_wait3A_1197, %dma_wait3A_1198] : memref<5x80x256xf32, #tpu.memory_space<vmem>> -> memref<1x40x256xf32, #tpu.memory_space<vmem>>
      %dma_wait3A_1200 = tpu.memref_squeeze %dma_wait3A_1199 : memref<1x40x256xf32, #tpu.memory_space<vmem>> -> memref<40x256xf32, #tpu.memory_space<vmem>>
      %dma_wait3A_1201 = arith.constant 256 : i32
      %dma_wait3A_1202 = tpu.memref_slice %arg4[%add3A_1195, %dma_wait3A_1201] : memref<160000x512xf32, #tpu.memory_space<hbm>> -> memref<40x256xf32, #tpu.memory_space<hbm>>
      %dma_wait3A_1203 = arith.constant 256 : i32
      %dma_wait3A_1204 = tpu.memref_slice %arg4[%add3A_1195, %dma_wait3A_1203] : memref<160000x512xf32, #tpu.memory_space<hbm>> -> memref<40x256xf32, #tpu.memory_space<hbm>>
      %dma_wait3A_1205 = arith.constant 40 : i32
      %dma_wait3A_1206 = arith.constant 0 : i32
      %dma_wait3A_1207 = tpu.memref_slice %arg6[%dma_wait3A_1196, %dma_wait3A_1205, %dma_wait3A_1206] : memref<5x80x256xf32, #tpu.memory_space<vmem>> -> memref<1x40x256xf32, #tpu.memory_space<vmem>>
      %dma_wait3A_1208 = tpu.memref_squeeze %dma_wait3A_1207 : memref<1x40x256xf32, #tpu.memory_space<vmem>> -> memref<40x256xf32, #tpu.memory_space<vmem>>
      tpu.wait_dma2 semaphore(%arg18 : memref<!tpu.dma_semaphore, #tpu.memory_space<semaphore_mem>>) src(%dma_wait3A_1208 : memref<40x256xf32, #tpu.memory_space<vmem>>) dst(%dma_wait3A_1204 : memref<40x256xf32, #tpu.memory_space<hbm>>)
      %add3A_1209 = arith.constant 3 : i32
      %add3A_1210 = arith.addi %add3A_1131, %add3A_1209 : i32
      %dma_start3A_1211 = arith.constant 1 : i32
      %dma_start3A_1212 = arith.constant 0 : i32
      %dma_start3A_1213 = arith.constant 0 : i32
      %dma_start3A_1214 = tpu.memref_slice %arg6[%dma_start3A_1211, %dma_start3A_1212, %dma_start3A_1213] : memref<5x80x256xf32, #tpu.memory_space<vmem>> -> memref<1x80x256xf32, #tpu.memory_space<vmem>>
      %dma_start3A_1215 = tpu.memref_squeeze %dma_start3A_1214 : memref<1x80x256xf32, #tpu.memory_space<vmem>> -> memref<80x256xf32, #tpu.memory_space<vmem>>
      %dma_start3A_1216 = arith.constant 0 : i32
      %dma_start3A_1217 = tpu.memref_slice %arg5[%add3A_1210, %dma_start3A_1216] : memref<125x80xi32, #tpu.memory_space<vmem>> -> memref<1x80xi32, #tpu.memory_space<vmem>>
      %dma_start3A_1218 = tpu.memref_squeeze %dma_start3A_1217 : memref<1x80xi32, #tpu.memory_space<vmem>> -> memref<80xi32, #tpu.memory_space<vmem>>
      %dma_start3A_1219 = arith.constant 0 : i32
      %dma_start3A_1220 = arith.constant 0 : i32
      %dma_start3A_1221 = tpu.memref_slice %arg2[%dma_start3A_1219, %dma_start3A_1220] : memref<10000x256xf32, #tpu.memory_space<hbm>> -> memref<10000x256xf32, #tpu.memory_space<hbm>>
      tpu.enqueue_indirect_dma source(%dma_start3A_1221 : memref<10000x256xf32, #tpu.memory_space<hbm>>) target(%dma_start3A_1215 : memref<80x256xf32, #tpu.memory_space<vmem>>) offsets(%dma_start3A_1218 : memref<80xi32, #tpu.memory_space<vmem>>) semaphore(%arg8 : memref<!tpu.dma_semaphore, #tpu.memory_space<semaphore_mem>>)
      %mul3A_1222 = arith.constant 5 : i32
      %mul3A_1223 = arith.muli %scan3A_846, %mul3A_1222 : i32
      %add3A_1224 = arith.constant 4 : i32
      %add3A_1225 = arith.addi %mul3A_1223, %add3A_1224 : i32
      %dma_wait3A_1226 = arith.constant 4 : i32
      %dma_wait3A_1227 = arith.constant 0 : i32
      %dma_wait3A_1228 = arith.constant 0 : i32
      %dma_wait3A_1229 = tpu.memref_slice %arg6[%dma_wait3A_1226, %dma_wait3A_1227, %dma_wait3A_1228] : memref<5x80x256xf32, #tpu.memory_space<vmem>> -> memref<1x80x256xf32, #tpu.memory_space<vmem>>
      %dma_wait3A_1230 = tpu.memref_squeeze %dma_wait3A_1229 : memref<1x80x256xf32, #tpu.memory_space<vmem>> -> memref<80x256xf32, #tpu.memory_space<vmem>>
      %dma_wait3A_1231 = arith.constant 0 : i32
      %dma_wait3A_1232 = tpu.memref_slice %arg5[%add3A_1225, %dma_wait3A_1231] : memref<125x80xi32, #tpu.memory_space<vmem>> -> memref<1x80xi32, #tpu.memory_space<vmem>>
      %dma_wait3A_1233 = tpu.memref_squeeze %dma_wait3A_1232 : memref<1x80xi32, #tpu.memory_space<vmem>> -> memref<80xi32, #tpu.memory_space<vmem>>
      %dma_wait3A_1234 = arith.constant 0 : i32
      %dma_wait3A_1235 = arith.constant 0 : i32
      %dma_wait3A_1236 = tpu.memref_slice %arg2[%dma_wait3A_1234, %dma_wait3A_1235] : memref<10000x256xf32, #tpu.memory_space<hbm>> -> memref<10000x256xf32, #tpu.memory_space<hbm>>
      tpu.wait_indirect_dma semaphore(%arg11 : memref<!tpu.dma_semaphore, #tpu.memory_space<semaphore_mem>>) src(%dma_wait3A_1236 : memref<10000x256xf32, #tpu.memory_space<hbm>>) dst(%dma_wait3A_1230 : memref<80x256xf32, #tpu.memory_space<vmem>>)
      %mul3A_1237 = arith.constant 40 : i32
      %mul3A_1238 = arith.muli %add3A_1225, %mul3A_1237 : i32
      %add3A_1239 = arith.addi %mul3A_2, %mul3A_1238 : i32
      %dma_start3A_1240 = arith.constant 4 : i32
      %dma_start3A_1241 = arith.constant 0 : i32
      %dma_start3A_1242 = arith.constant 0 : i32
      %dma_start3A_1243 = tpu.memref_slice %arg6[%dma_start3A_1240, %dma_start3A_1241, %dma_start3A_1242] : memref<5x80x256xf32, #tpu.memory_space<vmem>> -> memref<1x40x256xf32, #tpu.memory_space<vmem>>
      %dma_start3A_1244 = tpu.memref_squeeze %dma_start3A_1243 : memref<1x40x256xf32, #tpu.memory_space<vmem>> -> memref<40x256xf32, #tpu.memory_space<vmem>>
      %dma_start3A_1245 = arith.constant 0 : i32
      %dma_start3A_1246 = tpu.memref_slice %arg4[%add3A_1239, %dma_start3A_1245] : memref<160000x512xf32, #tpu.memory_space<hbm>> -> memref<40x256xf32, #tpu.memory_space<hbm>>
      %dma_start3A_1247 = arith.constant 0 : i32
      %dma_start3A_1248 = tpu.memref_slice %arg4[%add3A_1239, %dma_start3A_1247] : memref<160000x512xf32, #tpu.memory_space<hbm>> -> memref<40x256xf32, #tpu.memory_space<hbm>>
      %dma_start3A_1249 = arith.constant 0 : i32
      %dma_start3A_1250 = arith.constant 0 : i32
      %dma_start3A_1251 = tpu.memref_slice %arg6[%dma_start3A_1240, %dma_start3A_1249, %dma_start3A_1250] : memref<5x80x256xf32, #tpu.memory_space<vmem>> -> memref<1x40x256xf32, #tpu.memory_space<vmem>>
      %dma_start3A_1252 = tpu.memref_squeeze %dma_start3A_1251 : memref<1x40x256xf32, #tpu.memory_space<vmem>> -> memref<40x256xf32, #tpu.memory_space<vmem>>
      tpu.enqueue_dma source(%dma_start3A_1252 : memref<40x256xf32, #tpu.memory_space<vmem>>) target(%dma_start3A_1248 : memref<40x256xf32, #tpu.memory_space<hbm>>) target_semaphore(%arg16 : memref<!tpu.dma_semaphore, #tpu.memory_space<semaphore_mem>>)
      %mul3A_1253 = arith.constant 40 : i32
      %mul3A_1254 = arith.muli %add3A_1225, %mul3A_1253 : i32
      %add3A_1255 = arith.addi %mul3A_2, %mul3A_1254 : i32
      %dma_start3A_1256 = arith.constant 4 : i32
      %dma_start3A_1257 = arith.constant 40 : i32
      %dma_start3A_1258 = arith.constant 0 : i32
      %dma_start3A_1259 = tpu.memref_slice %arg6[%dma_start3A_1256, %dma_start3A_1257, %dma_start3A_1258] : memref<5x80x256xf32, #tpu.memory_space<vmem>> -> memref<1x40x256xf32, #tpu.memory_space<vmem>>
      %dma_start3A_1260 = tpu.memref_squeeze %dma_start3A_1259 : memref<1x40x256xf32, #tpu.memory_space<vmem>> -> memref<40x256xf32, #tpu.memory_space<vmem>>
      %dma_start3A_1261 = arith.constant 256 : i32
      %dma_start3A_1262 = tpu.memref_slice %arg4[%add3A_1255, %dma_start3A_1261] : memref<160000x512xf32, #tpu.memory_space<hbm>> -> memref<40x256xf32, #tpu.memory_space<hbm>>
      %dma_start3A_1263 = arith.constant 256 : i32
      %dma_start3A_1264 = tpu.memref_slice %arg4[%add3A_1255, %dma_start3A_1263] : memref<160000x512xf32, #tpu.memory_space<hbm>> -> memref<40x256xf32, #tpu.memory_space<hbm>>
      %dma_start3A_1265 = arith.constant 40 : i32
      %dma_start3A_1266 = arith.constant 0 : i32
      %dma_start3A_1267 = tpu.memref_slice %arg6[%dma_start3A_1256, %dma_start3A_1265, %dma_start3A_1266] : memref<5x80x256xf32, #tpu.memory_space<vmem>> -> memref<1x40x256xf32, #tpu.memory_space<vmem>>
      %dma_start3A_1268 = tpu.memref_squeeze %dma_start3A_1267 : memref<1x40x256xf32, #tpu.memory_space<vmem>> -> memref<40x256xf32, #tpu.memory_space<vmem>>
      tpu.enqueue_dma source(%dma_start3A_1268 : memref<40x256xf32, #tpu.memory_space<vmem>>) target(%dma_start3A_1264 : memref<40x256xf32, #tpu.memory_space<hbm>>) target_semaphore(%arg21 : memref<!tpu.dma_semaphore, #tpu.memory_space<semaphore_mem>>)
      %sub3A_1269 = arith.constant 2 : i32
      %sub3A_1270 = arith.subi %add3A_1225, %sub3A_1269 : i32
      %mul3A_1271 = arith.constant 40 : i32
      %mul3A_1272 = arith.muli %sub3A_1270, %mul3A_1271 : i32
      %add3A_1273 = arith.addi %mul3A_2, %mul3A_1272 : i32
      %dma_wait3A_1274 = arith.constant 2 : i32
      %dma_wait3A_1275 = arith.constant 0 : i32
      %dma_wait3A_1276 = arith.constant 0 : i32
      %dma_wait3A_1277 = tpu.memref_slice %arg6[%dma_wait3A_1274, %dma_wait3A_1275, %dma_wait3A_1276] : memref<5x80x256xf32, #tpu.memory_space<vmem>> -> memref<1x40x256xf32, #tpu.memory_space<vmem>>
      %dma_wait3A_1278 = tpu.memref_squeeze %dma_wait3A_1277 : memref<1x40x256xf32, #tpu.memory_space<vmem>> -> memref<40x256xf32, #tpu.memory_space<vmem>>
      %dma_wait3A_1279 = arith.constant 0 : i32
      %dma_wait3A_1280 = tpu.memref_slice %arg4[%add3A_1273, %dma_wait3A_1279] : memref<160000x512xf32, #tpu.memory_space<hbm>> -> memref<40x256xf32, #tpu.memory_space<hbm>>
      %dma_wait3A_1281 = arith.constant 0 : i32
      %dma_wait3A_1282 = tpu.memref_slice %arg4[%add3A_1273, %dma_wait3A_1281] : memref<160000x512xf32, #tpu.memory_space<hbm>> -> memref<40x256xf32, #tpu.memory_space<hbm>>
      %dma_wait3A_1283 = arith.constant 0 : i32
      %dma_wait3A_1284 = arith.constant 0 : i32
      %dma_wait3A_1285 = tpu.memref_slice %arg6[%dma_wait3A_1274, %dma_wait3A_1283, %dma_wait3A_1284] : memref<5x80x256xf32, #tpu.memory_space<vmem>> -> memref<1x40x256xf32, #tpu.memory_space<vmem>>
      %dma_wait3A_1286 = tpu.memref_squeeze %dma_wait3A_1285 : memref<1x40x256xf32, #tpu.memory_space<vmem>> -> memref<40x256xf32, #tpu.memory_space<vmem>>
      tpu.wait_dma2 semaphore(%arg14 : memref<!tpu.dma_semaphore, #tpu.memory_space<semaphore_mem>>) src(%dma_wait3A_1286 : memref<40x256xf32, #tpu.memory_space<vmem>>) dst(%dma_wait3A_1282 : memref<40x256xf32, #tpu.memory_space<hbm>>)
      %mul3A_1287 = arith.constant 40 : i32
      %mul3A_1288 = arith.muli %sub3A_1270, %mul3A_1287 : i32
      %add3A_1289 = arith.addi %mul3A_2, %mul3A_1288 : i32
      %dma_wait3A_1290 = arith.constant 2 : i32
      %dma_wait3A_1291 = arith.constant 40 : i32
      %dma_wait3A_1292 = arith.constant 0 : i32
      %dma_wait3A_1293 = tpu.memref_slice %arg6[%dma_wait3A_1290, %dma_wait3A_1291, %dma_wait3A_1292] : memref<5x80x256xf32, #tpu.memory_space<vmem>> -> memref<1x40x256xf32, #tpu.memory_space<vmem>>
      %dma_wait3A_1294 = tpu.memref_squeeze %dma_wait3A_1293 : memref<1x40x256xf32, #tpu.memory_space<vmem>> -> memref<40x256xf32, #tpu.memory_space<vmem>>
      %dma_wait3A_1295 = arith.constant 256 : i32
      %dma_wait3A_1296 = tpu.memref_slice %arg4[%add3A_1289, %dma_wait3A_1295] : memref<160000x512xf32, #tpu.memory_space<hbm>> -> memref<40x256xf32, #tpu.memory_space<hbm>>
      %dma_wait3A_1297 = arith.constant 256 : i32
      %dma_wait3A_1298 = tpu.memref_slice %arg4[%add3A_1289, %dma_wait3A_1297] : memref<160000x512xf32, #tpu.memory_space<hbm>> -> memref<40x256xf32, #tpu.memory_space<hbm>>
      %dma_wait3A_1299 = arith.constant 40 : i32
      %dma_wait3A_1300 = arith.constant 0 : i32
      %dma_wait3A_1301 = tpu.memref_slice %arg6[%dma_wait3A_1290, %dma_wait3A_1299, %dma_wait3A_1300] : memref<5x80x256xf32, #tpu.memory_space<vmem>> -> memref<1x40x256xf32, #tpu.memory_space<vmem>>
      %dma_wait3A_1302 = tpu.memref_squeeze %dma_wait3A_1301 : memref<1x40x256xf32, #tpu.memory_space<vmem>> -> memref<40x256xf32, #tpu.memory_space<vmem>>
      tpu.wait_dma2 semaphore(%arg19 : memref<!tpu.dma_semaphore, #tpu.memory_space<semaphore_mem>>) src(%dma_wait3A_1302 : memref<40x256xf32, #tpu.memory_space<vmem>>) dst(%dma_wait3A_1298 : memref<40x256xf32, #tpu.memory_space<hbm>>)
      %add3A_1303 = arith.constant 3 : i32
      %add3A_1304 = arith.addi %add3A_1225, %add3A_1303 : i32
      %dma_start3A_1305 = arith.constant 2 : i32
      %dma_start3A_1306 = arith.constant 0 : i32
      %dma_start3A_1307 = arith.constant 0 : i32
      %dma_start3A_1308 = tpu.memref_slice %arg6[%dma_start3A_1305, %dma_start3A_1306, %dma_start3A_1307] : memref<5x80x256xf32, #tpu.memory_space<vmem>> -> memref<1x80x256xf32, #tpu.memory_space<vmem>>
      %dma_start3A_1309 = tpu.memref_squeeze %dma_start3A_1308 : memref<1x80x256xf32, #tpu.memory_space<vmem>> -> memref<80x256xf32, #tpu.memory_space<vmem>>
      %dma_start3A_1310 = arith.constant 0 : i32
      %dma_start3A_1311 = tpu.memref_slice %arg5[%add3A_1304, %dma_start3A_1310] : memref<125x80xi32, #tpu.memory_space<vmem>> -> memref<1x80xi32, #tpu.memory_space<vmem>>
      %dma_start3A_1312 = tpu.memref_squeeze %dma_start3A_1311 : memref<1x80xi32, #tpu.memory_space<vmem>> -> memref<80xi32, #tpu.memory_space<vmem>>
      %dma_start3A_1313 = arith.constant 0 : i32
      %dma_start3A_1314 = arith.constant 0 : i32
      %dma_start3A_1315 = tpu.memref_slice %arg2[%dma_start3A_1313, %dma_start3A_1314] : memref<10000x256xf32, #tpu.memory_space<hbm>> -> memref<10000x256xf32, #tpu.memory_space<hbm>>
      tpu.enqueue_indirect_dma source(%dma_start3A_1315 : memref<10000x256xf32, #tpu.memory_space<hbm>>) target(%dma_start3A_1309 : memref<80x256xf32, #tpu.memory_space<vmem>>) offsets(%dma_start3A_1312 : memref<80xi32, #tpu.memory_space<vmem>>) semaphore(%arg9 : memref<!tpu.dma_semaphore, #tpu.memory_space<semaphore_mem>>)
    }
    %scan3A_401 = arith.constant 23 : i32
    %dma_wait3A_402 = arith.constant 120 : i32
    %dma_wait3A_403 = arith.constant 0 : i32
    %dma_wait3A_404 = arith.constant 0 : i32
    %dma_wait3A_405 = arith.constant 0 : i32
    %dma_wait3A_406 = tpu.memref_slice %arg6[%dma_wait3A_403, %dma_wait3A_404, %dma_wait3A_405] : memref<5x80x256xf32, #tpu.memory_space<vmem>> -> memref<1x80x256xf32, #tpu.memory_space<vmem>>
    %dma_wait3A_407 = tpu.memref_squeeze %dma_wait3A_406 : memref<1x80x256xf32, #tpu.memory_space<vmem>> -> memref<80x256xf32, #tpu.memory_space<vmem>>
    %dma_wait3A_408 = arith.constant 0 : i32
    %dma_wait3A_409 = tpu.memref_slice %arg5[%dma_wait3A_402, %dma_wait3A_408] : memref<125x80xi32, #tpu.memory_space<vmem>> -> memref<1x80xi32, #tpu.memory_space<vmem>>
    %dma_wait3A_410 = tpu.memref_squeeze %dma_wait3A_409 : memref<1x80xi32, #tpu.memory_space<vmem>> -> memref<80xi32, #tpu.memory_space<vmem>>
    %dma_wait3A_411 = arith.constant 0 : i32
    %dma_wait3A_412 = arith.constant 0 : i32
    %dma_wait3A_413 = tpu.memref_slice %arg2[%dma_wait3A_411, %dma_wait3A_412] : memref<10000x256xf32, #tpu.memory_space<hbm>> -> memref<10000x256xf32, #tpu.memory_space<hbm>>
    tpu.wait_indirect_dma semaphore(%arg7 : memref<!tpu.dma_semaphore, #tpu.memory_space<semaphore_mem>>) src(%dma_wait3A_413 : memref<10000x256xf32, #tpu.memory_space<hbm>>) dst(%dma_wait3A_407 : memref<80x256xf32, #tpu.memory_space<vmem>>)
    %add3A_414 = arith.constant 4800 : i32
    %add3A_415 = arith.addi %mul3A_2, %add3A_414 : i32
    %dma_start3A_416 = arith.constant 0 : i32
    %dma_start3A_417 = arith.constant 0 : i32
    %dma_start3A_418 = arith.constant 0 : i32
    %dma_start3A_419 = tpu.memref_slice %arg6[%dma_start3A_416, %dma_start3A_417, %dma_start3A_418] : memref<5x80x256xf32, #tpu.memory_space<vmem>> -> memref<1x40x256xf32, #tpu.memory_space<vmem>>
    %dma_start3A_420 = tpu.memref_squeeze %dma_start3A_419 : memref<1x40x256xf32, #tpu.memory_space<vmem>> -> memref<40x256xf32, #tpu.memory_space<vmem>>
    %dma_start3A_421 = arith.constant 0 : i32
    %dma_start3A_422 = tpu.memref_slice %arg4[%add3A_415, %dma_start3A_421] : memref<160000x512xf32, #tpu.memory_space<hbm>> -> memref<40x256xf32, #tpu.memory_space<hbm>>
    %dma_start3A_423 = arith.constant 0 : i32
    %dma_start3A_424 = tpu.memref_slice %arg4[%add3A_415, %dma_start3A_423] : memref<160000x512xf32, #tpu.memory_space<hbm>> -> memref<40x256xf32, #tpu.memory_space<hbm>>
    %dma_start3A_425 = arith.constant 0 : i32
    %dma_start3A_426 = arith.constant 0 : i32
    %dma_start3A_427 = tpu.memref_slice %arg6[%dma_start3A_416, %dma_start3A_425, %dma_start3A_426] : memref<5x80x256xf32, #tpu.memory_space<vmem>> -> memref<1x40x256xf32, #tpu.memory_space<vmem>>
    %dma_start3A_428 = tpu.memref_squeeze %dma_start3A_427 : memref<1x40x256xf32, #tpu.memory_space<vmem>> -> memref<40x256xf32, #tpu.memory_space<vmem>>
    tpu.enqueue_dma source(%dma_start3A_428 : memref<40x256xf32, #tpu.memory_space<vmem>>) target(%dma_start3A_424 : memref<40x256xf32, #tpu.memory_space<hbm>>) target_semaphore(%arg12 : memref<!tpu.dma_semaphore, #tpu.memory_space<semaphore_mem>>)
    %add3A_429 = arith.constant 4800 : i32
    %add3A_430 = arith.addi %mul3A_2, %add3A_429 : i32
    %dma_start3A_431 = arith.constant 0 : i32
    %dma_start3A_432 = arith.constant 40 : i32
    %dma_start3A_433 = arith.constant 0 : i32
    %dma_start3A_434 = tpu.memref_slice %arg6[%dma_start3A_431, %dma_start3A_432, %dma_start3A_433] : memref<5x80x256xf32, #tpu.memory_space<vmem>> -> memref<1x40x256xf32, #tpu.memory_space<vmem>>
    %dma_start3A_435 = tpu.memref_squeeze %dma_start3A_434 : memref<1x40x256xf32, #tpu.memory_space<vmem>> -> memref<40x256xf32, #tpu.memory_space<vmem>>
    %dma_start3A_436 = arith.constant 256 : i32
    %dma_start3A_437 = tpu.memref_slice %arg4[%add3A_430, %dma_start3A_436] : memref<160000x512xf32, #tpu.memory_space<hbm>> -> memref<40x256xf32, #tpu.memory_space<hbm>>
    %dma_start3A_438 = arith.constant 256 : i32
    %dma_start3A_439 = tpu.memref_slice %arg4[%add3A_430, %dma_start3A_438] : memref<160000x512xf32, #tpu.memory_space<hbm>> -> memref<40x256xf32, #tpu.memory_space<hbm>>
    %dma_start3A_440 = arith.constant 40 : i32
    %dma_start3A_441 = arith.constant 0 : i32
    %dma_start3A_442 = tpu.memref_slice %arg6[%dma_start3A_431, %dma_start3A_440, %dma_start3A_441] : memref<5x80x256xf32, #tpu.memory_space<vmem>> -> memref<1x40x256xf32, #tpu.memory_space<vmem>>
    %dma_start3A_443 = tpu.memref_squeeze %dma_start3A_442 : memref<1x40x256xf32, #tpu.memory_space<vmem>> -> memref<40x256xf32, #tpu.memory_space<vmem>>
    tpu.enqueue_dma source(%dma_start3A_443 : memref<40x256xf32, #tpu.memory_space<vmem>>) target(%dma_start3A_439 : memref<40x256xf32, #tpu.memory_space<hbm>>) target_semaphore(%arg17 : memref<!tpu.dma_semaphore, #tpu.memory_space<semaphore_mem>>)
    %add3A_444 = arith.constant 4720 : i32
    %add3A_445 = arith.addi %mul3A_2, %add3A_444 : i32
    %dma_wait3A_446 = arith.constant 3 : i32
    %dma_wait3A_447 = arith.constant 0 : i32
    %dma_wait3A_448 = arith.constant 0 : i32
    %dma_wait3A_449 = tpu.memref_slice %arg6[%dma_wait3A_446, %dma_wait3A_447, %dma_wait3A_448] : memref<5x80x256xf32, #tpu.memory_space<vmem>> -> memref<1x40x256xf32, #tpu.memory_space<vmem>>
    %dma_wait3A_450 = tpu.memref_squeeze %dma_wait3A_449 : memref<1x40x256xf32, #tpu.memory_space<vmem>> -> memref<40x256xf32, #tpu.memory_space<vmem>>
    %dma_wait3A_451 = arith.constant 0 : i32
    %dma_wait3A_452 = tpu.memref_slice %arg4[%add3A_445, %dma_wait3A_451] : memref<160000x512xf32, #tpu.memory_space<hbm>> -> memref<40x256xf32, #tpu.memory_space<hbm>>
    %dma_wait3A_453 = arith.constant 0 : i32
    %dma_wait3A_454 = tpu.memref_slice %arg4[%add3A_445, %dma_wait3A_453] : memref<160000x512xf32, #tpu.memory_space<hbm>> -> memref<40x256xf32, #tpu.memory_space<hbm>>
    %dma_wait3A_455 = arith.constant 0 : i32
    %dma_wait3A_456 = arith.constant 0 : i32
    %dma_wait3A_457 = tpu.memref_slice %arg6[%dma_wait3A_446, %dma_wait3A_455, %dma_wait3A_456] : memref<5x80x256xf32, #tpu.memory_space<vmem>> -> memref<1x40x256xf32, #tpu.memory_space<vmem>>
    %dma_wait3A_458 = tpu.memref_squeeze %dma_wait3A_457 : memref<1x40x256xf32, #tpu.memory_space<vmem>> -> memref<40x256xf32, #tpu.memory_space<vmem>>
    tpu.wait_dma2 semaphore(%arg15 : memref<!tpu.dma_semaphore, #tpu.memory_space<semaphore_mem>>) src(%dma_wait3A_458 : memref<40x256xf32, #tpu.memory_space<vmem>>) dst(%dma_wait3A_454 : memref<40x256xf32, #tpu.memory_space<hbm>>)
    %add3A_459 = arith.constant 4720 : i32
    %add3A_460 = arith.addi %mul3A_2, %add3A_459 : i32
    %dma_wait3A_461 = arith.constant 3 : i32
    %dma_wait3A_462 = arith.constant 40 : i32
    %dma_wait3A_463 = arith.constant 0 : i32
    %dma_wait3A_464 = tpu.memref_slice %arg6[%dma_wait3A_461, %dma_wait3A_462, %dma_wait3A_463] : memref<5x80x256xf32, #tpu.memory_space<vmem>> -> memref<1x40x256xf32, #tpu.memory_space<vmem>>
    %dma_wait3A_465 = tpu.memref_squeeze %dma_wait3A_464 : memref<1x40x256xf32, #tpu.memory_space<vmem>> -> memref<40x256xf32, #tpu.memory_space<vmem>>
    %dma_wait3A_466 = arith.constant 256 : i32
    %dma_wait3A_467 = tpu.memref_slice %arg4[%add3A_460, %dma_wait3A_466] : memref<160000x512xf32, #tpu.memory_space<hbm>> -> memref<40x256xf32, #tpu.memory_space<hbm>>
    %dma_wait3A_468 = arith.constant 256 : i32
    %dma_wait3A_469 = tpu.memref_slice %arg4[%add3A_460, %dma_wait3A_468] : memref<160000x512xf32, #tpu.memory_space<hbm>> -> memref<40x256xf32, #tpu.memory_space<hbm>>
    %dma_wait3A_470 = arith.constant 40 : i32
    %dma_wait3A_471 = arith.constant 0 : i32
    %dma_wait3A_472 = tpu.memref_slice %arg6[%dma_wait3A_461, %dma_wait3A_470, %dma_wait3A_471] : memref<5x80x256xf32, #tpu.memory_space<vmem>> -> memref<1x40x256xf32, #tpu.memory_space<vmem>>
    %dma_wait3A_473 = tpu.memref_squeeze %dma_wait3A_472 : memref<1x40x256xf32, #tpu.memory_space<vmem>> -> memref<40x256xf32, #tpu.memory_space<vmem>>
    tpu.wait_dma2 semaphore(%arg20 : memref<!tpu.dma_semaphore, #tpu.memory_space<semaphore_mem>>) src(%dma_wait3A_473 : memref<40x256xf32, #tpu.memory_space<vmem>>) dst(%dma_wait3A_469 : memref<40x256xf32, #tpu.memory_space<hbm>>)
    %dma_start3A_474 = arith.constant 123 : i32
    %dma_start3A_475 = arith.constant 3 : i32
    %dma_start3A_476 = arith.constant 0 : i32
    %dma_start3A_477 = arith.constant 0 : i32
    %dma_start3A_478 = tpu.memref_slice %arg6[%dma_start3A_475, %dma_start3A_476, %dma_start3A_477] : memref<5x80x256xf32, #tpu.memory_space<vmem>> -> memref<1x80x256xf32, #tpu.memory_space<vmem>>
    %dma_start3A_479 = tpu.memref_squeeze %dma_start3A_478 : memref<1x80x256xf32, #tpu.memory_space<vmem>> -> memref<80x256xf32, #tpu.memory_space<vmem>>
    %dma_start3A_480 = arith.constant 0 : i32
    %dma_start3A_481 = tpu.memref_slice %arg5[%dma_start3A_474, %dma_start3A_480] : memref<125x80xi32, #tpu.memory_space<vmem>> -> memref<1x80xi32, #tpu.memory_space<vmem>>
    %dma_start3A_482 = tpu.memref_squeeze %dma_start3A_481 : memref<1x80xi32, #tpu.memory_space<vmem>> -> memref<80xi32, #tpu.memory_space<vmem>>
    %dma_start3A_483 = arith.constant 0 : i32
    %dma_start3A_484 = arith.constant 0 : i32
    %dma_start3A_485 = tpu.memref_slice %arg2[%dma_start3A_483, %dma_start3A_484] : memref<10000x256xf32, #tpu.memory_space<hbm>> -> memref<10000x256xf32, #tpu.memory_space<hbm>>
    tpu.enqueue_indirect_dma source(%dma_start3A_485 : memref<10000x256xf32, #tpu.memory_space<hbm>>) target(%dma_start3A_479 : memref<80x256xf32, #tpu.memory_space<vmem>>) offsets(%dma_start3A_482 : memref<80xi32, #tpu.memory_space<vmem>>) semaphore(%arg10 : memref<!tpu.dma_semaphore, #tpu.memory_space<semaphore_mem>>)
    %dma_wait3A_486 = arith.constant 121 : i32
    %dma_wait3A_487 = arith.constant 1 : i32
    %dma_wait3A_488 = arith.constant 0 : i32
    %dma_wait3A_489 = arith.constant 0 : i32
    %dma_wait3A_490 = tpu.memref_slice %arg6[%dma_wait3A_487, %dma_wait3A_488, %dma_wait3A_489] : memref<5x80x256xf32, #tpu.memory_space<vmem>> -> memref<1x80x256xf32, #tpu.memory_space<vmem>>
    %dma_wait3A_491 = tpu.memref_squeeze %dma_wait3A_490 : memref<1x80x256xf32, #tpu.memory_space<vmem>> -> memref<80x256xf32, #tpu.memory_space<vmem>>
    %dma_wait3A_492 = arith.constant 0 : i32
    %dma_wait3A_493 = tpu.memref_slice %arg5[%dma_wait3A_486, %dma_wait3A_492] : memref<125x80xi32, #tpu.memory_space<vmem>> -> memref<1x80xi32, #tpu.memory_space<vmem>>
    %dma_wait3A_494 = tpu.memref_squeeze %dma_wait3A_493 : memref<1x80xi32, #tpu.memory_space<vmem>> -> memref<80xi32, #tpu.memory_space<vmem>>
    %dma_wait3A_495 = arith.constant 0 : i32
    %dma_wait3A_496 = arith.constant 0 : i32
    %dma_wait3A_497 = tpu.memref_slice %arg2[%dma_wait3A_495, %dma_wait3A_496] : memref<10000x256xf32, #tpu.memory_space<hbm>> -> memref<10000x256xf32, #tpu.memory_space<hbm>>
    tpu.wait_indirect_dma semaphore(%arg8 : memref<!tpu.dma_semaphore, #tpu.memory_space<semaphore_mem>>) src(%dma_wait3A_497 : memref<10000x256xf32, #tpu.memory_space<hbm>>) dst(%dma_wait3A_491 : memref<80x256xf32, #tpu.memory_space<vmem>>)
    %add3A_498 = arith.constant 4840 : i32
    %add3A_499 = arith.addi %mul3A_2, %add3A_498 : i32
    %dma_start3A_500 = arith.constant 1 : i32
    %dma_start3A_501 = arith.constant 0 : i32
    %dma_start3A_502 = arith.constant 0 : i32
    %dma_start3A_503 = tpu.memref_slice %arg6[%dma_start3A_500, %dma_start3A_501, %dma_start3A_502] : memref<5x80x256xf32, #tpu.memory_space<vmem>> -> memref<1x40x256xf32, #tpu.memory_space<vmem>>
    %dma_start3A_504 = tpu.memref_squeeze %dma_start3A_503 : memref<1x40x256xf32, #tpu.memory_space<vmem>> -> memref<40x256xf32, #tpu.memory_space<vmem>>
    %dma_start3A_505 = arith.constant 0 : i32
    %dma_start3A_506 = tpu.memref_slice %arg4[%add3A_499, %dma_start3A_505] : memref<160000x512xf32, #tpu.memory_space<hbm>> -> memref<40x256xf32, #tpu.memory_space<hbm>>
    %dma_start3A_507 = arith.constant 0 : i32
    %dma_start3A_508 = tpu.memref_slice %arg4[%add3A_499, %dma_start3A_507] : memref<160000x512xf32, #tpu.memory_space<hbm>> -> memref<40x256xf32, #tpu.memory_space<hbm>>
    %dma_start3A_509 = arith.constant 0 : i32
    %dma_start3A_510 = arith.constant 0 : i32
    %dma_start3A_511 = tpu.memref_slice %arg6[%dma_start3A_500, %dma_start3A_509, %dma_start3A_510] : memref<5x80x256xf32, #tpu.memory_space<vmem>> -> memref<1x40x256xf32, #tpu.memory_space<vmem>>
    %dma_start3A_512 = tpu.memref_squeeze %dma_start3A_511 : memref<1x40x256xf32, #tpu.memory_space<vmem>> -> memref<40x256xf32, #tpu.memory_space<vmem>>
    tpu.enqueue_dma source(%dma_start3A_512 : memref<40x256xf32, #tpu.memory_space<vmem>>) target(%dma_start3A_508 : memref<40x256xf32, #tpu.memory_space<hbm>>) target_semaphore(%arg13 : memref<!tpu.dma_semaphore, #tpu.memory_space<semaphore_mem>>)
    %add3A_513 = arith.constant 4840 : i32
    %add3A_514 = arith.addi %mul3A_2, %add3A_513 : i32
    %dma_start3A_515 = arith.constant 1 : i32
    %dma_start3A_516 = arith.constant 40 : i32
    %dma_start3A_517 = arith.constant 0 : i32
    %dma_start3A_518 = tpu.memref_slice %arg6[%dma_start3A_515, %dma_start3A_516, %dma_start3A_517] : memref<5x80x256xf32, #tpu.memory_space<vmem>> -> memref<1x40x256xf32, #tpu.memory_space<vmem>>
    %dma_start3A_519 = tpu.memref_squeeze %dma_start3A_518 : memref<1x40x256xf32, #tpu.memory_space<vmem>> -> memref<40x256xf32, #tpu.memory_space<vmem>>
    %dma_start3A_520 = arith.constant 256 : i32
    %dma_start3A_521 = tpu.memref_slice %arg4[%add3A_514, %dma_start3A_520] : memref<160000x512xf32, #tpu.memory_space<hbm>> -> memref<40x256xf32, #tpu.memory_space<hbm>>
    %dma_start3A_522 = arith.constant 256 : i32
    %dma_start3A_523 = tpu.memref_slice %arg4[%add3A_514, %dma_start3A_522] : memref<160000x512xf32, #tpu.memory_space<hbm>> -> memref<40x256xf32, #tpu.memory_space<hbm>>
    %dma_start3A_524 = arith.constant 40 : i32
    %dma_start3A_525 = arith.constant 0 : i32
    %dma_start3A_526 = tpu.memref_slice %arg6[%dma_start3A_515, %dma_start3A_524, %dma_start3A_525] : memref<5x80x256xf32, #tpu.memory_space<vmem>> -> memref<1x40x256xf32, #tpu.memory_space<vmem>>
    %dma_start3A_527 = tpu.memref_squeeze %dma_start3A_526 : memref<1x40x256xf32, #tpu.memory_space<vmem>> -> memref<40x256xf32, #tpu.memory_space<vmem>>
    tpu.enqueue_dma source(%dma_start3A_527 : memref<40x256xf32, #tpu.memory_space<vmem>>) target(%dma_start3A_523 : memref<40x256xf32, #tpu.memory_space<hbm>>) target_semaphore(%arg18 : memref<!tpu.dma_semaphore, #tpu.memory_space<semaphore_mem>>)
    %add3A_528 = arith.constant 4760 : i32
    %add3A_529 = arith.addi %mul3A_2, %add3A_528 : i32
    %dma_wait3A_530 = arith.constant 4 : i32
    %dma_wait3A_531 = arith.constant 0 : i32
    %dma_wait3A_532 = arith.constant 0 : i32
    %dma_wait3A_533 = tpu.memref_slice %arg6[%dma_wait3A_530, %dma_wait3A_531, %dma_wait3A_532] : memref<5x80x256xf32, #tpu.memory_space<vmem>> -> memref<1x40x256xf32, #tpu.memory_space<vmem>>
    %dma_wait3A_534 = tpu.memref_squeeze %dma_wait3A_533 : memref<1x40x256xf32, #tpu.memory_space<vmem>> -> memref<40x256xf32, #tpu.memory_space<vmem>>
    %dma_wait3A_535 = arith.constant 0 : i32
    %dma_wait3A_536 = tpu.memref_slice %arg4[%add3A_529, %dma_wait3A_535] : memref<160000x512xf32, #tpu.memory_space<hbm>> -> memref<40x256xf32, #tpu.memory_space<hbm>>
    %dma_wait3A_537 = arith.constant 0 : i32
    %dma_wait3A_538 = tpu.memref_slice %arg4[%add3A_529, %dma_wait3A_537] : memref<160000x512xf32, #tpu.memory_space<hbm>> -> memref<40x256xf32, #tpu.memory_space<hbm>>
    %dma_wait3A_539 = arith.constant 0 : i32
    %dma_wait3A_540 = arith.constant 0 : i32
    %dma_wait3A_541 = tpu.memref_slice %arg6[%dma_wait3A_530, %dma_wait3A_539, %dma_wait3A_540] : memref<5x80x256xf32, #tpu.memory_space<vmem>> -> memref<1x40x256xf32, #tpu.memory_space<vmem>>
    %dma_wait3A_542 = tpu.memref_squeeze %dma_wait3A_541 : memref<1x40x256xf32, #tpu.memory_space<vmem>> -> memref<40x256xf32, #tpu.memory_space<vmem>>
    tpu.wait_dma2 semaphore(%arg16 : memref<!tpu.dma_semaphore, #tpu.memory_space<semaphore_mem>>) src(%dma_wait3A_542 : memref<40x256xf32, #tpu.memory_space<vmem>>) dst(%dma_wait3A_538 : memref<40x256xf32, #tpu.memory_space<hbm>>)
    %add3A_543 = arith.constant 4760 : i32
    %add3A_544 = arith.addi %mul3A_2, %add3A_543 : i32
    %dma_wait3A_545 = arith.constant 4 : i32
    %dma_wait3A_546 = arith.constant 40 : i32
    %dma_wait3A_547 = arith.constant 0 : i32
    %dma_wait3A_548 = tpu.memref_slice %arg6[%dma_wait3A_545, %dma_wait3A_546, %dma_wait3A_547] : memref<5x80x256xf32, #tpu.memory_space<vmem>> -> memref<1x40x256xf32, #tpu.memory_space<vmem>>
    %dma_wait3A_549 = tpu.memref_squeeze %dma_wait3A_548 : memref<1x40x256xf32, #tpu.memory_space<vmem>> -> memref<40x256xf32, #tpu.memory_space<vmem>>
    %dma_wait3A_550 = arith.constant 256 : i32
    %dma_wait3A_551 = tpu.memref_slice %arg4[%add3A_544, %dma_wait3A_550] : memref<160000x512xf32, #tpu.memory_space<hbm>> -> memref<40x256xf32, #tpu.memory_space<hbm>>
    %dma_wait3A_552 = arith.constant 256 : i32
    %dma_wait3A_553 = tpu.memref_slice %arg4[%add3A_544, %dma_wait3A_552] : memref<160000x512xf32, #tpu.memory_space<hbm>> -> memref<40x256xf32, #tpu.memory_space<hbm>>
    %dma_wait3A_554 = arith.constant 40 : i32
    %dma_wait3A_555 = arith.constant 0 : i32
    %dma_wait3A_556 = tpu.memref_slice %arg6[%dma_wait3A_545, %dma_wait3A_554, %dma_wait3A_555] : memref<5x80x256xf32, #tpu.memory_space<vmem>> -> memref<1x40x256xf32, #tpu.memory_space<vmem>>
    %dma_wait3A_557 = tpu.memref_squeeze %dma_wait3A_556 : memref<1x40x256xf32, #tpu.memory_space<vmem>> -> memref<40x256xf32, #tpu.memory_space<vmem>>
    tpu.wait_dma2 semaphore(%arg21 : memref<!tpu.dma_semaphore, #tpu.memory_space<semaphore_mem>>) src(%dma_wait3A_557 : memref<40x256xf32, #tpu.memory_space<vmem>>) dst(%dma_wait3A_553 : memref<40x256xf32, #tpu.memory_space<hbm>>)
    %dma_start3A_558 = arith.constant 124 : i32
    %dma_start3A_559 = arith.constant 4 : i32
    %dma_start3A_560 = arith.constant 0 : i32
    %dma_start3A_561 = arith.constant 0 : i32
    %dma_start3A_562 = tpu.memref_slice %arg6[%dma_start3A_559, %dma_start3A_560, %dma_start3A_561] : memref<5x80x256xf32, #tpu.memory_space<vmem>> -> memref<1x80x256xf32, #tpu.memory_space<vmem>>
    %dma_start3A_563 = tpu.memref_squeeze %dma_start3A_562 : memref<1x80x256xf32, #tpu.memory_space<vmem>> -> memref<80x256xf32, #tpu.memory_space<vmem>>
    %dma_start3A_564 = arith.constant 0 : i32
    %dma_start3A_565 = tpu.memref_slice %arg5[%dma_start3A_558, %dma_start3A_564] : memref<125x80xi32, #tpu.memory_space<vmem>> -> memref<1x80xi32, #tpu.memory_space<vmem>>
    %dma_start3A_566 = tpu.memref_squeeze %dma_start3A_565 : memref<1x80xi32, #tpu.memory_space<vmem>> -> memref<80xi32, #tpu.memory_space<vmem>>
    %dma_start3A_567 = arith.constant 0 : i32
    %dma_start3A_568 = arith.constant 0 : i32
    %dma_start3A_569 = tpu.memref_slice %arg2[%dma_start3A_567, %dma_start3A_568] : memref<10000x256xf32, #tpu.memory_space<hbm>> -> memref<10000x256xf32, #tpu.memory_space<hbm>>
    tpu.enqueue_indirect_dma source(%dma_start3A_569 : memref<10000x256xf32, #tpu.memory_space<hbm>>) target(%dma_start3A_563 : memref<80x256xf32, #tpu.memory_space<vmem>>) offsets(%dma_start3A_566 : memref<80xi32, #tpu.memory_space<vmem>>) semaphore(%arg11 : memref<!tpu.dma_semaphore, #tpu.memory_space<semaphore_mem>>)
    %dma_wait3A_570 = arith.constant 122 : i32
    %dma_wait3A_571 = arith.constant 2 : i32
    %dma_wait3A_572 = arith.constant 0 : i32
    %dma_wait3A_573 = arith.constant 0 : i32
    %dma_wait3A_574 = tpu.memref_slice %arg6[%dma_wait3A_571, %dma_wait3A_572, %dma_wait3A_573] : memref<5x80x256xf32, #tpu.memory_space<vmem>> -> memref<1x80x256xf32, #tpu.memory_space<vmem>>
    %dma_wait3A_575 = tpu.memref_squeeze %dma_wait3A_574 : memref<1x80x256xf32, #tpu.memory_space<vmem>> -> memref<80x256xf32, #tpu.memory_space<vmem>>
    %dma_wait3A_576 = arith.constant 0 : i32
    %dma_wait3A_577 = tpu.memref_slice %arg5[%dma_wait3A_570, %dma_wait3A_576] : memref<125x80xi32, #tpu.memory_space<vmem>> -> memref<1x80xi32, #tpu.memory_space<vmem>>
    %dma_wait3A_578 = tpu.memref_squeeze %dma_wait3A_577 : memref<1x80xi32, #tpu.memory_space<vmem>> -> memref<80xi32, #tpu.memory_space<vmem>>
    %dma_wait3A_579 = arith.constant 0 : i32
    %dma_wait3A_580 = arith.constant 0 : i32
    %dma_wait3A_581 = tpu.memref_slice %arg2[%dma_wait3A_579, %dma_wait3A_580] : memref<10000x256xf32, #tpu.memory_space<hbm>> -> memref<10000x256xf32, #tpu.memory_space<hbm>>
    tpu.wait_indirect_dma semaphore(%arg9 : memref<!tpu.dma_semaphore, #tpu.memory_space<semaphore_mem>>) src(%dma_wait3A_581 : memref<10000x256xf32, #tpu.memory_space<hbm>>) dst(%dma_wait3A_575 : memref<80x256xf32, #tpu.memory_space<vmem>>)
    %add3A_582 = arith.constant 4880 : i32
    %add3A_583 = arith.addi %mul3A_2, %add3A_582 : i32
    %dma_start3A_584 = arith.constant 2 : i32
    %dma_start3A_585 = arith.constant 0 : i32
    %dma_start3A_586 = arith.constant 0 : i32
    %dma_start3A_587 = tpu.memref_slice %arg6[%dma_start3A_584, %dma_start3A_585, %dma_start3A_586] : memref<5x80x256xf32, #tpu.memory_space<vmem>> -> memref<1x40x256xf32, #tpu.memory_space<vmem>>
    %dma_start3A_588 = tpu.memref_squeeze %dma_start3A_587 : memref<1x40x256xf32, #tpu.memory_space<vmem>> -> memref<40x256xf32, #tpu.memory_space<vmem>>
    %dma_start3A_589 = arith.constant 0 : i32
    %dma_start3A_590 = tpu.memref_slice %arg4[%add3A_583, %dma_start3A_589] : memref<160000x512xf32, #tpu.memory_space<hbm>> -> memref<40x256xf32, #tpu.memory_space<hbm>>
    %dma_start3A_591 = arith.constant 0 : i32
    %dma_start3A_592 = tpu.memref_slice %arg4[%add3A_583, %dma_start3A_591] : memref<160000x512xf32, #tpu.memory_space<hbm>> -> memref<40x256xf32, #tpu.memory_space<hbm>>
    %dma_start3A_593 = arith.constant 0 : i32
    %dma_start3A_594 = arith.constant 0 : i32
    %dma_start3A_595 = tpu.memref_slice %arg6[%dma_start3A_584, %dma_start3A_593, %dma_start3A_594] : memref<5x80x256xf32, #tpu.memory_space<vmem>> -> memref<1x40x256xf32, #tpu.memory_space<vmem>>
    %dma_start3A_596 = tpu.memref_squeeze %dma_start3A_595 : memref<1x40x256xf32, #tpu.memory_space<vmem>> -> memref<40x256xf32, #tpu.memory_space<vmem>>
    tpu.enqueue_dma source(%dma_start3A_596 : memref<40x256xf32, #tpu.memory_space<vmem>>) target(%dma_start3A_592 : memref<40x256xf32, #tpu.memory_space<hbm>>) target_semaphore(%arg14 : memref<!tpu.dma_semaphore, #tpu.memory_space<semaphore_mem>>)
    %add3A_597 = arith.constant 4880 : i32
    %add3A_598 = arith.addi %mul3A_2, %add3A_597 : i32
    %dma_start3A_599 = arith.constant 2 : i32
    %dma_start3A_600 = arith.constant 40 : i32
    %dma_start3A_601 = arith.constant 0 : i32
    %dma_start3A_602 = tpu.memref_slice %arg6[%dma_start3A_599, %dma_start3A_600, %dma_start3A_601] : memref<5x80x256xf32, #tpu.memory_space<vmem>> -> memref<1x40x256xf32, #tpu.memory_space<vmem>>
    %dma_start3A_603 = tpu.memref_squeeze %dma_start3A_602 : memref<1x40x256xf32, #tpu.memory_space<vmem>> -> memref<40x256xf32, #tpu.memory_space<vmem>>
    %dma_start3A_604 = arith.constant 256 : i32
    %dma_start3A_605 = tpu.memref_slice %arg4[%add3A_598, %dma_start3A_604] : memref<160000x512xf32, #tpu.memory_space<hbm>> -> memref<40x256xf32, #tpu.memory_space<hbm>>
    %dma_start3A_606 = arith.constant 256 : i32
    %dma_start3A_607 = tpu.memref_slice %arg4[%add3A_598, %dma_start3A_606] : memref<160000x512xf32, #tpu.memory_space<hbm>> -> memref<40x256xf32, #tpu.memory_space<hbm>>
    %dma_start3A_608 = arith.constant 40 : i32
    %dma_start3A_609 = arith.constant 0 : i32
    %dma_start3A_610 = tpu.memref_slice %arg6[%dma_start3A_599, %dma_start3A_608, %dma_start3A_609] : memref<5x80x256xf32, #tpu.memory_space<vmem>> -> memref<1x40x256xf32, #tpu.memory_space<vmem>>
    %dma_start3A_611 = tpu.memref_squeeze %dma_start3A_610 : memref<1x40x256xf32, #tpu.memory_space<vmem>> -> memref<40x256xf32, #tpu.memory_space<vmem>>
    tpu.enqueue_dma source(%dma_start3A_611 : memref<40x256xf32, #tpu.memory_space<vmem>>) target(%dma_start3A_607 : memref<40x256xf32, #tpu.memory_space<hbm>>) target_semaphore(%arg19 : memref<!tpu.dma_semaphore, #tpu.memory_space<semaphore_mem>>)
    %dma_wait3A_612 = arith.constant 123 : i32
    %dma_wait3A_613 = arith.constant 3 : i32
    %dma_wait3A_614 = arith.constant 0 : i32
    %dma_wait3A_615 = arith.constant 0 : i32
    %dma_wait3A_616 = tpu.memref_slice %arg6[%dma_wait3A_613, %dma_wait3A_614, %dma_wait3A_615] : memref<5x80x256xf32, #tpu.memory_space<vmem>> -> memref<1x80x256xf32, #tpu.memory_space<vmem>>
    %dma_wait3A_617 = tpu.memref_squeeze %dma_wait3A_616 : memref<1x80x256xf32, #tpu.memory_space<vmem>> -> memref<80x256xf32, #tpu.memory_space<vmem>>
    %dma_wait3A_618 = arith.constant 0 : i32
    %dma_wait3A_619 = tpu.memref_slice %arg5[%dma_wait3A_612, %dma_wait3A_618] : memref<125x80xi32, #tpu.memory_space<vmem>> -> memref<1x80xi32, #tpu.memory_space<vmem>>
    %dma_wait3A_620 = tpu.memref_squeeze %dma_wait3A_619 : memref<1x80xi32, #tpu.memory_space<vmem>> -> memref<80xi32, #tpu.memory_space<vmem>>
    %dma_wait3A_621 = arith.constant 0 : i32
    %dma_wait3A_622 = arith.constant 0 : i32
    %dma_wait3A_623 = tpu.memref_slice %arg2[%dma_wait3A_621, %dma_wait3A_622] : memref<10000x256xf32, #tpu.memory_space<hbm>> -> memref<10000x256xf32, #tpu.memory_space<hbm>>
    tpu.wait_indirect_dma semaphore(%arg10 : memref<!tpu.dma_semaphore, #tpu.memory_space<semaphore_mem>>) src(%dma_wait3A_623 : memref<10000x256xf32, #tpu.memory_space<hbm>>) dst(%dma_wait3A_617 : memref<80x256xf32, #tpu.memory_space<vmem>>)
    %add3A_624 = arith.constant 4920 : i32
    %add3A_625 = arith.addi %mul3A_2, %add3A_624 : i32
    %dma_start3A_626 = arith.constant 3 : i32
    %dma_start3A_627 = arith.constant 0 : i32
    %dma_start3A_628 = arith.constant 0 : i32
    %dma_start3A_629 = tpu.memref_slice %arg6[%dma_start3A_626, %dma_start3A_627, %dma_start3A_628] : memref<5x80x256xf32, #tpu.memory_space<vmem>> -> memref<1x40x256xf32, #tpu.memory_space<vmem>>
    %dma_start3A_630 = tpu.memref_squeeze %dma_start3A_629 : memref<1x40x256xf32, #tpu.memory_space<vmem>> -> memref<40x256xf32, #tpu.memory_space<vmem>>
    %dma_start3A_631 = arith.constant 0 : i32
    %dma_start3A_632 = tpu.memref_slice %arg4[%add3A_625, %dma_start3A_631] : memref<160000x512xf32, #tpu.memory_space<hbm>> -> memref<40x256xf32, #tpu.memory_space<hbm>>
    %dma_start3A_633 = arith.constant 0 : i32
    %dma_start3A_634 = tpu.memref_slice %arg4[%add3A_625, %dma_start3A_633] : memref<160000x512xf32, #tpu.memory_space<hbm>> -> memref<40x256xf32, #tpu.memory_space<hbm>>
    %dma_start3A_635 = arith.constant 0 : i32
    %dma_start3A_636 = arith.constant 0 : i32
    %dma_start3A_637 = tpu.memref_slice %arg6[%dma_start3A_626, %dma_start3A_635, %dma_start3A_636] : memref<5x80x256xf32, #tpu.memory_space<vmem>> -> memref<1x40x256xf32, #tpu.memory_space<vmem>>
    %dma_start3A_638 = tpu.memref_squeeze %dma_start3A_637 : memref<1x40x256xf32, #tpu.memory_space<vmem>> -> memref<40x256xf32, #tpu.memory_space<vmem>>
    tpu.enqueue_dma source(%dma_start3A_638 : memref<40x256xf32, #tpu.memory_space<vmem>>) target(%dma_start3A_634 : memref<40x256xf32, #tpu.memory_space<hbm>>) target_semaphore(%arg15 : memref<!tpu.dma_semaphore, #tpu.memory_space<semaphore_mem>>)
    %add3A_639 = arith.constant 4920 : i32
    %add3A_640 = arith.addi %mul3A_2, %add3A_639 : i32
    %dma_start3A_641 = arith.constant 3 : i32
    %dma_start3A_642 = arith.constant 40 : i32
    %dma_start3A_643 = arith.constant 0 : i32
    %dma_start3A_644 = tpu.memref_slice %arg6[%dma_start3A_641, %dma_start3A_642, %dma_start3A_643] : memref<5x80x256xf32, #tpu.memory_space<vmem>> -> memref<1x40x256xf32, #tpu.memory_space<vmem>>
    %dma_start3A_645 = tpu.memref_squeeze %dma_start3A_644 : memref<1x40x256xf32, #tpu.memory_space<vmem>> -> memref<40x256xf32, #tpu.memory_space<vmem>>
    %dma_start3A_646 = arith.constant 256 : i32
    %dma_start3A_647 = tpu.memref_slice %arg4[%add3A_640, %dma_start3A_646] : memref<160000x512xf32, #tpu.memory_space<hbm>> -> memref<40x256xf32, #tpu.memory_space<hbm>>
    %dma_start3A_648 = arith.constant 256 : i32
    %dma_start3A_649 = tpu.memref_slice %arg4[%add3A_640, %dma_start3A_648] : memref<160000x512xf32, #tpu.memory_space<hbm>> -> memref<40x256xf32, #tpu.memory_space<hbm>>
    %dma_start3A_650 = arith.constant 40 : i32
    %dma_start3A_651 = arith.constant 0 : i32
    %dma_start3A_652 = tpu.memref_slice %arg6[%dma_start3A_641, %dma_start3A_650, %dma_start3A_651] : memref<5x80x256xf32, #tpu.memory_space<vmem>> -> memref<1x40x256xf32, #tpu.memory_space<vmem>>
    %dma_start3A_653 = tpu.memref_squeeze %dma_start3A_652 : memref<1x40x256xf32, #tpu.memory_space<vmem>> -> memref<40x256xf32, #tpu.memory_space<vmem>>
    tpu.enqueue_dma source(%dma_start3A_653 : memref<40x256xf32, #tpu.memory_space<vmem>>) target(%dma_start3A_649 : memref<40x256xf32, #tpu.memory_space<hbm>>) target_semaphore(%arg20 : memref<!tpu.dma_semaphore, #tpu.memory_space<semaphore_mem>>)
    %dma_wait3A_654 = arith.constant 124 : i32
    %dma_wait3A_655 = arith.constant 4 : i32
    %dma_wait3A_656 = arith.constant 0 : i32
    %dma_wait3A_657 = arith.constant 0 : i32
    %dma_wait3A_658 = tpu.memref_slice %arg6[%dma_wait3A_655, %dma_wait3A_656, %dma_wait3A_657] : memref<5x80x256xf32, #tpu.memory_space<vmem>> -> memref<1x80x256xf32, #tpu.memory_space<vmem>>
    %dma_wait3A_659 = tpu.memref_squeeze %dma_wait3A_658 : memref<1x80x256xf32, #tpu.memory_space<vmem>> -> memref<80x256xf32, #tpu.memory_space<vmem>>
    %dma_wait3A_660 = arith.constant 0 : i32
    %dma_wait3A_661 = tpu.memref_slice %arg5[%dma_wait3A_654, %dma_wait3A_660] : memref<125x80xi32, #tpu.memory_space<vmem>> -> memref<1x80xi32, #tpu.memory_space<vmem>>
    %dma_wait3A_662 = tpu.memref_squeeze %dma_wait3A_661 : memref<1x80xi32, #tpu.memory_space<vmem>> -> memref<80xi32, #tpu.memory_space<vmem>>
    %dma_wait3A_663 = arith.constant 0 : i32
    %dma_wait3A_664 = arith.constant 0 : i32
    %dma_wait3A_665 = tpu.memref_slice %arg2[%dma_wait3A_663, %dma_wait3A_664] : memref<10000x256xf32, #tpu.memory_space<hbm>> -> memref<10000x256xf32, #tpu.memory_space<hbm>>
    tpu.wait_indirect_dma semaphore(%arg11 : memref<!tpu.dma_semaphore, #tpu.memory_space<semaphore_mem>>) src(%dma_wait3A_665 : memref<10000x256xf32, #tpu.memory_space<hbm>>) dst(%dma_wait3A_659 : memref<80x256xf32, #tpu.memory_space<vmem>>)
    %add3A_666 = arith.constant 4960 : i32
    %add3A_667 = arith.addi %mul3A_2, %add3A_666 : i32
    %dma_start3A_668 = arith.constant 4 : i32
    %dma_start3A_669 = arith.constant 0 : i32
    %dma_start3A_670 = arith.constant 0 : i32
    %dma_start3A_671 = tpu.memref_slice %arg6[%dma_start3A_668, %dma_start3A_669, %dma_start3A_670] : memref<5x80x256xf32, #tpu.memory_space<vmem>> -> memref<1x40x256xf32, #tpu.memory_space<vmem>>
    %dma_start3A_672 = tpu.memref_squeeze %dma_start3A_671 : memref<1x40x256xf32, #tpu.memory_space<vmem>> -> memref<40x256xf32, #tpu.memory_space<vmem>>
    %dma_start3A_673 = arith.constant 0 : i32
    %dma_start3A_674 = tpu.memref_slice %arg4[%add3A_667, %dma_start3A_673] : memref<160000x512xf32, #tpu.memory_space<hbm>> -> memref<40x256xf32, #tpu.memory_space<hbm>>
    %dma_start3A_675 = arith.constant 0 : i32
    %dma_start3A_676 = tpu.memref_slice %arg4[%add3A_667, %dma_start3A_675] : memref<160000x512xf32, #tpu.memory_space<hbm>> -> memref<40x256xf32, #tpu.memory_space<hbm>>
    %dma_start3A_677 = arith.constant 0 : i32
    %dma_start3A_678 = arith.constant 0 : i32
    %dma_start3A_679 = tpu.memref_slice %arg6[%dma_start3A_668, %dma_start3A_677, %dma_start3A_678] : memref<5x80x256xf32, #tpu.memory_space<vmem>> -> memref<1x40x256xf32, #tpu.memory_space<vmem>>
    %dma_start3A_680 = tpu.memref_squeeze %dma_start3A_679 : memref<1x40x256xf32, #tpu.memory_space<vmem>> -> memref<40x256xf32, #tpu.memory_space<vmem>>
    tpu.enqueue_dma source(%dma_start3A_680 : memref<40x256xf32, #tpu.memory_space<vmem>>) target(%dma_start3A_676 : memref<40x256xf32, #tpu.memory_space<hbm>>) target_semaphore(%arg16 : memref<!tpu.dma_semaphore, #tpu.memory_space<semaphore_mem>>)
    %add3A_681 = arith.constant 4960 : i32
    %add3A_682 = arith.addi %mul3A_2, %add3A_681 : i32
    %dma_start3A_683 = arith.constant 4 : i32
    %dma_start3A_684 = arith.constant 40 : i32
    %dma_start3A_685 = arith.constant 0 : i32
    %dma_start3A_686 = tpu.memref_slice %arg6[%dma_start3A_683, %dma_start3A_684, %dma_start3A_685] : memref<5x80x256xf32, #tpu.memory_space<vmem>> -> memref<1x40x256xf32, #tpu.memory_space<vmem>>
    %dma_start3A_687 = tpu.memref_squeeze %dma_start3A_686 : memref<1x40x256xf32, #tpu.memory_space<vmem>> -> memref<40x256xf32, #tpu.memory_space<vmem>>
    %dma_start3A_688 = arith.constant 256 : i32
    %dma_start3A_689 = tpu.memref_slice %arg4[%add3A_682, %dma_start3A_688] : memref<160000x512xf32, #tpu.memory_space<hbm>> -> memref<40x256xf32, #tpu.memory_space<hbm>>
    %dma_start3A_690 = arith.constant 256 : i32
    %dma_start3A_691 = tpu.memref_slice %arg4[%add3A_682, %dma_start3A_690] : memref<160000x512xf32, #tpu.memory_space<hbm>> -> memref<40x256xf32, #tpu.memory_space<hbm>>
    %dma_start3A_692 = arith.constant 40 : i32
    %dma_start3A_693 = arith.constant 0 : i32
    %dma_start3A_694 = tpu.memref_slice %arg6[%dma_start3A_683, %dma_start3A_692, %dma_start3A_693] : memref<5x80x256xf32, #tpu.memory_space<vmem>> -> memref<1x40x256xf32, #tpu.memory_space<vmem>>
    %dma_start3A_695 = tpu.memref_squeeze %dma_start3A_694 : memref<1x40x256xf32, #tpu.memory_space<vmem>> -> memref<40x256xf32, #tpu.memory_space<vmem>>
    tpu.enqueue_dma source(%dma_start3A_695 : memref<40x256xf32, #tpu.memory_space<vmem>>) target(%dma_start3A_691 : memref<40x256xf32, #tpu.memory_space<hbm>>) target_semaphore(%arg21 : memref<!tpu.dma_semaphore, #tpu.memory_space<semaphore_mem>>)
    %add3A_696 = arith.constant 4800 : i32
    %add3A_697 = arith.addi %mul3A_2, %add3A_696 : i32
    %dma_wait3A_698 = arith.constant 0 : i32
    %dma_wait3A_699 = arith.constant 0 : i32
    %dma_wait3A_700 = arith.constant 0 : i32
    %dma_wait3A_701 = tpu.memref_slice %arg6[%dma_wait3A_698, %dma_wait3A_699, %dma_wait3A_700] : memref<5x80x256xf32, #tpu.memory_space<vmem>> -> memref<1x40x256xf32, #tpu.memory_space<vmem>>
    %dma_wait3A_702 = tpu.memref_squeeze %dma_wait3A_701 : memref<1x40x256xf32, #tpu.memory_space<vmem>> -> memref<40x256xf32, #tpu.memory_space<vmem>>
    %dma_wait3A_703 = arith.constant 0 : i32
    %dma_wait3A_704 = tpu.memref_slice %arg4[%add3A_697, %dma_wait3A_703] : memref<160000x512xf32, #tpu.memory_space<hbm>> -> memref<40x256xf32, #tpu.memory_space<hbm>>
    %dma_wait3A_705 = arith.constant 0 : i32
    %dma_wait3A_706 = tpu.memref_slice %arg4[%add3A_697, %dma_wait3A_705] : memref<160000x512xf32, #tpu.memory_space<hbm>> -> memref<40x256xf32, #tpu.memory_space<hbm>>
    %dma_wait3A_707 = arith.constant 0 : i32
    %dma_wait3A_708 = arith.constant 0 : i32
    %dma_wait3A_709 = tpu.memref_slice %arg6[%dma_wait3A_698, %dma_wait3A_707, %dma_wait3A_708] : memref<5x80x256xf32, #tpu.memory_space<vmem>> -> memref<1x40x256xf32, #tpu.memory_space<vmem>>
    %dma_wait3A_710 = tpu.memref_squeeze %dma_wait3A_709 : memref<1x40x256xf32, #tpu.memory_space<vmem>> -> memref<40x256xf32, #tpu.memory_space<vmem>>
    tpu.wait_dma2 semaphore(%arg12 : memref<!tpu.dma_semaphore, #tpu.memory_space<semaphore_mem>>) src(%dma_wait3A_710 : memref<40x256xf32, #tpu.memory_space<vmem>>) dst(%dma_wait3A_706 : memref<40x256xf32, #tpu.memory_space<hbm>>)
    %add3A_711 = arith.constant 4800 : i32
    %add3A_712 = arith.addi %mul3A_2, %add3A_711 : i32
    %dma_wait3A_713 = arith.constant 0 : i32
    %dma_wait3A_714 = arith.constant 40 : i32
    %dma_wait3A_715 = arith.constant 0 : i32
    %dma_wait3A_716 = tpu.memref_slice %arg6[%dma_wait3A_713, %dma_wait3A_714, %dma_wait3A_715] : memref<5x80x256xf32, #tpu.memory_space<vmem>> -> memref<1x40x256xf32, #tpu.memory_space<vmem>>
    %dma_wait3A_717 = tpu.memref_squeeze %dma_wait3A_716 : memref<1x40x256xf32, #tpu.memory_space<vmem>> -> memref<40x256xf32, #tpu.memory_space<vmem>>
    %dma_wait3A_718 = arith.constant 256 : i32
    %dma_wait3A_719 = tpu.memref_slice %arg4[%add3A_712, %dma_wait3A_718] : memref<160000x512xf32, #tpu.memory_space<hbm>> -> memref<40x256xf32, #tpu.memory_space<hbm>>
    %dma_wait3A_720 = arith.constant 256 : i32
    %dma_wait3A_721 = tpu.memref_slice %arg4[%add3A_712, %dma_wait3A_720] : memref<160000x512xf32, #tpu.memory_space<hbm>> -> memref<40x256xf32, #tpu.memory_space<hbm>>
    %dma_wait3A_722 = arith.constant 40 : i32
    %dma_wait3A_723 = arith.constant 0 : i32
    %dma_wait3A_724 = tpu.memref_slice %arg6[%dma_wait3A_713, %dma_wait3A_722, %dma_wait3A_723] : memref<5x80x256xf32, #tpu.memory_space<vmem>> -> memref<1x40x256xf32, #tpu.memory_space<vmem>>
    %dma_wait3A_725 = tpu.memref_squeeze %dma_wait3A_724 : memref<1x40x256xf32, #tpu.memory_space<vmem>> -> memref<40x256xf32, #tpu.memory_space<vmem>>
    tpu.wait_dma2 semaphore(%arg17 : memref<!tpu.dma_semaphore, #tpu.memory_space<semaphore_mem>>) src(%dma_wait3A_725 : memref<40x256xf32, #tpu.memory_space<vmem>>) dst(%dma_wait3A_721 : memref<40x256xf32, #tpu.memory_space<hbm>>)
    %add3A_726 = arith.constant 4840 : i32
    %add3A_727 = arith.addi %mul3A_2, %add3A_726 : i32
    %dma_wait3A_728 = arith.constant 1 : i32
    %dma_wait3A_729 = arith.constant 0 : i32
    %dma_wait3A_730 = arith.constant 0 : i32
    %dma_wait3A_731 = tpu.memref_slice %arg6[%dma_wait3A_728, %dma_wait3A_729, %dma_wait3A_730] : memref<5x80x256xf32, #tpu.memory_space<vmem>> -> memref<1x40x256xf32, #tpu.memory_space<vmem>>
    %dma_wait3A_732 = tpu.memref_squeeze %dma_wait3A_731 : memref<1x40x256xf32, #tpu.memory_space<vmem>> -> memref<40x256xf32, #tpu.memory_space<vmem>>
    %dma_wait3A_733 = arith.constant 0 : i32
    %dma_wait3A_734 = tpu.memref_slice %arg4[%add3A_727, %dma_wait3A_733] : memref<160000x512xf32, #tpu.memory_space<hbm>> -> memref<40x256xf32, #tpu.memory_space<hbm>>
    %dma_wait3A_735 = arith.constant 0 : i32
    %dma_wait3A_736 = tpu.memref_slice %arg4[%add3A_727, %dma_wait3A_735] : memref<160000x512xf32, #tpu.memory_space<hbm>> -> memref<40x256xf32, #tpu.memory_space<hbm>>
    %dma_wait3A_737 = arith.constant 0 : i32
    %dma_wait3A_738 = arith.constant 0 : i32
    %dma_wait3A_739 = tpu.memref_slice %arg6[%dma_wait3A_728, %dma_wait3A_737, %dma_wait3A_738] : memref<5x80x256xf32, #tpu.memory_space<vmem>> -> memref<1x40x256xf32, #tpu.memory_space<vmem>>
    %dma_wait3A_740 = tpu.memref_squeeze %dma_wait3A_739 : memref<1x40x256xf32, #tpu.memory_space<vmem>> -> memref<40x256xf32, #tpu.memory_space<vmem>>
    tpu.wait_dma2 semaphore(%arg13 : memref<!tpu.dma_semaphore, #tpu.memory_space<semaphore_mem>>) src(%dma_wait3A_740 : memref<40x256xf32, #tpu.memory_space<vmem>>) dst(%dma_wait3A_736 : memref<40x256xf32, #tpu.memory_space<hbm>>)
    %add3A_741 = arith.constant 4840 : i32
    %add3A_742 = arith.addi %mul3A_2, %add3A_741 : i32
    %dma_wait3A_743 = arith.constant 1 : i32
    %dma_wait3A_744 = arith.constant 40 : i32
    %dma_wait3A_745 = arith.constant 0 : i32
    %dma_wait3A_746 = tpu.memref_slice %arg6[%dma_wait3A_743, %dma_wait3A_744, %dma_wait3A_745] : memref<5x80x256xf32, #tpu.memory_space<vmem>> -> memref<1x40x256xf32, #tpu.memory_space<vmem>>
    %dma_wait3A_747 = tpu.memref_squeeze %dma_wait3A_746 : memref<1x40x256xf32, #tpu.memory_space<vmem>> -> memref<40x256xf32, #tpu.memory_space<vmem>>
    %dma_wait3A_748 = arith.constant 256 : i32
    %dma_wait3A_749 = tpu.memref_slice %arg4[%add3A_742, %dma_wait3A_748] : memref<160000x512xf32, #tpu.memory_space<hbm>> -> memref<40x256xf32, #tpu.memory_space<hbm>>
    %dma_wait3A_750 = arith.constant 256 : i32
    %dma_wait3A_751 = tpu.memref_slice %arg4[%add3A_742, %dma_wait3A_750] : memref<160000x512xf32, #tpu.memory_space<hbm>> -> memref<40x256xf32, #tpu.memory_space<hbm>>
    %dma_wait3A_752 = arith.constant 40 : i32
    %dma_wait3A_753 = arith.constant 0 : i32
    %dma_wait3A_754 = tpu.memref_slice %arg6[%dma_wait3A_743, %dma_wait3A_752, %dma_wait3A_753] : memref<5x80x256xf32, #tpu.memory_space<vmem>> -> memref<1x40x256xf32, #tpu.memory_space<vmem>>
    %dma_wait3A_755 = tpu.memref_squeeze %dma_wait3A_754 : memref<1x40x256xf32, #tpu.memory_space<vmem>> -> memref<40x256xf32, #tpu.memory_space<vmem>>
    tpu.wait_dma2 semaphore(%arg18 : memref<!tpu.dma_semaphore, #tpu.memory_space<semaphore_mem>>) src(%dma_wait3A_755 : memref<40x256xf32, #tpu.memory_space<vmem>>) dst(%dma_wait3A_751 : memref<40x256xf32, #tpu.memory_space<hbm>>)
    %add3A_756 = arith.constant 4880 : i32
    %add3A_757 = arith.addi %mul3A_2, %add3A_756 : i32
    %dma_wait3A_758 = arith.constant 2 : i32
    %dma_wait3A_759 = arith.constant 0 : i32
    %dma_wait3A_760 = arith.constant 0 : i32
    %dma_wait3A_761 = tpu.memref_slice %arg6[%dma_wait3A_758, %dma_wait3A_759, %dma_wait3A_760] : memref<5x80x256xf32, #tpu.memory_space<vmem>> -> memref<1x40x256xf32, #tpu.memory_space<vmem>>
    %dma_wait3A_762 = tpu.memref_squeeze %dma_wait3A_761 : memref<1x40x256xf32, #tpu.memory_space<vmem>> -> memref<40x256xf32, #tpu.memory_space<vmem>>
    %dma_wait3A_763 = arith.constant 0 : i32
    %dma_wait3A_764 = tpu.memref_slice %arg4[%add3A_757, %dma_wait3A_763] : memref<160000x512xf32, #tpu.memory_space<hbm>> -> memref<40x256xf32, #tpu.memory_space<hbm>>
    %dma_wait3A_765 = arith.constant 0 : i32
    %dma_wait3A_766 = tpu.memref_slice %arg4[%add3A_757, %dma_wait3A_765] : memref<160000x512xf32, #tpu.memory_space<hbm>> -> memref<40x256xf32, #tpu.memory_space<hbm>>
    %dma_wait3A_767 = arith.constant 0 : i32
    %dma_wait3A_768 = arith.constant 0 : i32
    %dma_wait3A_769 = tpu.memref_slice %arg6[%dma_wait3A_758, %dma_wait3A_767, %dma_wait3A_768] : memref<5x80x256xf32, #tpu.memory_space<vmem>> -> memref<1x40x256xf32, #tpu.memory_space<vmem>>
    %dma_wait3A_770 = tpu.memref_squeeze %dma_wait3A_769 : memref<1x40x256xf32, #tpu.memory_space<vmem>> -> memref<40x256xf32, #tpu.memory_space<vmem>>
    tpu.wait_dma2 semaphore(%arg14 : memref<!tpu.dma_semaphore, #tpu.memory_space<semaphore_mem>>) src(%dma_wait3A_770 : memref<40x256xf32, #tpu.memory_space<vmem>>) dst(%dma_wait3A_766 : memref<40x256xf32, #tpu.memory_space<hbm>>)
    %add3A_771 = arith.constant 4880 : i32
    %add3A_772 = arith.addi %mul3A_2, %add3A_771 : i32
    %dma_wait3A_773 = arith.constant 2 : i32
    %dma_wait3A_774 = arith.constant 40 : i32
    %dma_wait3A_775 = arith.constant 0 : i32
    %dma_wait3A_776 = tpu.memref_slice %arg6[%dma_wait3A_773, %dma_wait3A_774, %dma_wait3A_775] : memref<5x80x256xf32, #tpu.memory_space<vmem>> -> memref<1x40x256xf32, #tpu.memory_space<vmem>>
    %dma_wait3A_777 = tpu.memref_squeeze %dma_wait3A_776 : memref<1x40x256xf32, #tpu.memory_space<vmem>> -> memref<40x256xf32, #tpu.memory_space<vmem>>
    %dma_wait3A_778 = arith.constant 256 : i32
    %dma_wait3A_779 = tpu.memref_slice %arg4[%add3A_772, %dma_wait3A_778] : memref<160000x512xf32, #tpu.memory_space<hbm>> -> memref<40x256xf32, #tpu.memory_space<hbm>>
    %dma_wait3A_780 = arith.constant 256 : i32
    %dma_wait3A_781 = tpu.memref_slice %arg4[%add3A_772, %dma_wait3A_780] : memref<160000x512xf32, #tpu.memory_space<hbm>> -> memref<40x256xf32, #tpu.memory_space<hbm>>
    %dma_wait3A_782 = arith.constant 40 : i32
    %dma_wait3A_783 = arith.constant 0 : i32
    %dma_wait3A_784 = tpu.memref_slice %arg6[%dma_wait3A_773, %dma_wait3A_782, %dma_wait3A_783] : memref<5x80x256xf32, #tpu.memory_space<vmem>> -> memref<1x40x256xf32, #tpu.memory_space<vmem>>
    %dma_wait3A_785 = tpu.memref_squeeze %dma_wait3A_784 : memref<1x40x256xf32, #tpu.memory_space<vmem>> -> memref<40x256xf32, #tpu.memory_space<vmem>>
    tpu.wait_dma2 semaphore(%arg19 : memref<!tpu.dma_semaphore, #tpu.memory_space<semaphore_mem>>) src(%dma_wait3A_785 : memref<40x256xf32, #tpu.memory_space<vmem>>) dst(%dma_wait3A_781 : memref<40x256xf32, #tpu.memory_space<hbm>>)
    %add3A_786 = arith.constant 4920 : i32
    %add3A_787 = arith.addi %mul3A_2, %add3A_786 : i32
    %dma_wait3A_788 = arith.constant 3 : i32
    %dma_wait3A_789 = arith.constant 0 : i32
    %dma_wait3A_790 = arith.constant 0 : i32
    %dma_wait3A_791 = tpu.memref_slice %arg6[%dma_wait3A_788, %dma_wait3A_789, %dma_wait3A_790] : memref<5x80x256xf32, #tpu.memory_space<vmem>> -> memref<1x40x256xf32, #tpu.memory_space<vmem>>
    %dma_wait3A_792 = tpu.memref_squeeze %dma_wait3A_791 : memref<1x40x256xf32, #tpu.memory_space<vmem>> -> memref<40x256xf32, #tpu.memory_space<vmem>>
    %dma_wait3A_793 = arith.constant 0 : i32
    %dma_wait3A_794 = tpu.memref_slice %arg4[%add3A_787, %dma_wait3A_793] : memref<160000x512xf32, #tpu.memory_space<hbm>> -> memref<40x256xf32, #tpu.memory_space<hbm>>
    %dma_wait3A_795 = arith.constant 0 : i32
    %dma_wait3A_796 = tpu.memref_slice %arg4[%add3A_787, %dma_wait3A_795] : memref<160000x512xf32, #tpu.memory_space<hbm>> -> memref<40x256xf32, #tpu.memory_space<hbm>>
    %dma_wait3A_797 = arith.constant 0 : i32
    %dma_wait3A_798 = arith.constant 0 : i32
    %dma_wait3A_799 = tpu.memref_slice %arg6[%dma_wait3A_788, %dma_wait3A_797, %dma_wait3A_798] : memref<5x80x256xf32, #tpu.memory_space<vmem>> -> memref<1x40x256xf32, #tpu.memory_space<vmem>>
    %dma_wait3A_800 = tpu.memref_squeeze %dma_wait3A_799 : memref<1x40x256xf32, #tpu.memory_space<vmem>> -> memref<40x256xf32, #tpu.memory_space<vmem>>
    tpu.wait_dma2 semaphore(%arg15 : memref<!tpu.dma_semaphore, #tpu.memory_space<semaphore_mem>>) src(%dma_wait3A_800 : memref<40x256xf32, #tpu.memory_space<vmem>>) dst(%dma_wait3A_796 : memref<40x256xf32, #tpu.memory_space<hbm>>)
    %add3A_801 = arith.constant 4920 : i32
    %add3A_802 = arith.addi %mul3A_2, %add3A_801 : i32
    %dma_wait3A_803 = arith.constant 3 : i32
    %dma_wait3A_804 = arith.constant 40 : i32
    %dma_wait3A_805 = arith.constant 0 : i32
    %dma_wait3A_806 = tpu.memref_slice %arg6[%dma_wait3A_803, %dma_wait3A_804, %dma_wait3A_805] : memref<5x80x256xf32, #tpu.memory_space<vmem>> -> memref<1x40x256xf32, #tpu.memory_space<vmem>>
    %dma_wait3A_807 = tpu.memref_squeeze %dma_wait3A_806 : memref<1x40x256xf32, #tpu.memory_space<vmem>> -> memref<40x256xf32, #tpu.memory_space<vmem>>
    %dma_wait3A_808 = arith.constant 256 : i32
    %dma_wait3A_809 = tpu.memref_slice %arg4[%add3A_802, %dma_wait3A_808] : memref<160000x512xf32, #tpu.memory_space<hbm>> -> memref<40x256xf32, #tpu.memory_space<hbm>>
    %dma_wait3A_810 = arith.constant 256 : i32
    %dma_wait3A_811 = tpu.memref_slice %arg4[%add3A_802, %dma_wait3A_810] : memref<160000x512xf32, #tpu.memory_space<hbm>> -> memref<40x256xf32, #tpu.memory_space<hbm>>
    %dma_wait3A_812 = arith.constant 40 : i32
    %dma_wait3A_813 = arith.constant 0 : i32
    %dma_wait3A_814 = tpu.memref_slice %arg6[%dma_wait3A_803, %dma_wait3A_812, %dma_wait3A_813] : memref<5x80x256xf32, #tpu.memory_space<vmem>> -> memref<1x40x256xf32, #tpu.memory_space<vmem>>
    %dma_wait3A_815 = tpu.memref_squeeze %dma_wait3A_814 : memref<1x40x256xf32, #tpu.memory_space<vmem>> -> memref<40x256xf32, #tpu.memory_space<vmem>>
    tpu.wait_dma2 semaphore(%arg20 : memref<!tpu.dma_semaphore, #tpu.memory_space<semaphore_mem>>) src(%dma_wait3A_815 : memref<40x256xf32, #tpu.memory_space<vmem>>) dst(%dma_wait3A_811 : memref<40x256xf32, #tpu.memory_space<hbm>>)
    %add3A_816 = arith.constant 4960 : i32
    %add3A_817 = arith.addi %mul3A_2, %add3A_816 : i32
    %dma_wait3A_818 = arith.constant 4 : i32
    %dma_wait3A_819 = arith.constant 0 : i32
    %dma_wait3A_820 = arith.constant 0 : i32
    %dma_wait3A_821 = tpu.memref_slice %arg6[%dma_wait3A_818, %dma_wait3A_819, %dma_wait3A_820] : memref<5x80x256xf32, #tpu.memory_space<vmem>> -> memref<1x40x256xf32, #tpu.memory_space<vmem>>
    %dma_wait3A_822 = tpu.memref_squeeze %dma_wait3A_821 : memref<1x40x256xf32, #tpu.memory_space<vmem>> -> memref<40x256xf32, #tpu.memory_space<vmem>>
    %dma_wait3A_823 = arith.constant 0 : i32
    %dma_wait3A_824 = tpu.memref_slice %arg4[%add3A_817, %dma_wait3A_823] : memref<160000x512xf32, #tpu.memory_space<hbm>> -> memref<40x256xf32, #tpu.memory_space<hbm>>
    %dma_wait3A_825 = arith.constant 0 : i32
    %dma_wait3A_826 = tpu.memref_slice %arg4[%add3A_817, %dma_wait3A_825] : memref<160000x512xf32, #tpu.memory_space<hbm>> -> memref<40x256xf32, #tpu.memory_space<hbm>>
    %dma_wait3A_827 = arith.constant 0 : i32
    %dma_wait3A_828 = arith.constant 0 : i32
    %dma_wait3A_829 = tpu.memref_slice %arg6[%dma_wait3A_818, %dma_wait3A_827, %dma_wait3A_828] : memref<5x80x256xf32, #tpu.memory_space<vmem>> -> memref<1x40x256xf32, #tpu.memory_space<vmem>>
    %dma_wait3A_830 = tpu.memref_squeeze %dma_wait3A_829 : memref<1x40x256xf32, #tpu.memory_space<vmem>> -> memref<40x256xf32, #tpu.memory_space<vmem>>
    tpu.wait_dma2 semaphore(%arg16 : memref<!tpu.dma_semaphore, #tpu.memory_space<semaphore_mem>>) src(%dma_wait3A_830 : memref<40x256xf32, #tpu.memory_space<vmem>>) dst(%dma_wait3A_826 : memref<40x256xf32, #tpu.memory_space<hbm>>)
    %add3A_831 = arith.constant 4960 : i32
    %add3A_832 = arith.addi %mul3A_2, %add3A_831 : i32
    %dma_wait3A_833 = arith.constant 4 : i32
    %dma_wait3A_834 = arith.constant 40 : i32
    %dma_wait3A_835 = arith.constant 0 : i32
    %dma_wait3A_836 = tpu.memref_slice %arg6[%dma_wait3A_833, %dma_wait3A_834, %dma_wait3A_835] : memref<5x80x256xf32, #tpu.memory_space<vmem>> -> memref<1x40x256xf32, #tpu.memory_space<vmem>>
    %dma_wait3A_837 = tpu.memref_squeeze %dma_wait3A_836 : memref<1x40x256xf32, #tpu.memory_space<vmem>> -> memref<40x256xf32, #tpu.memory_space<vmem>>
    %dma_wait3A_838 = arith.constant 256 : i32
    %dma_wait3A_839 = tpu.memref_slice %arg4[%add3A_832, %dma_wait3A_838] : memref<160000x512xf32, #tpu.memory_space<hbm>> -> memref<40x256xf32, #tpu.memory_space<hbm>>
    %dma_wait3A_840 = arith.constant 256 : i32
    %dma_wait3A_841 = tpu.memref_slice %arg4[%add3A_832, %dma_wait3A_840] : memref<160000x512xf32, #tpu.memory_space<hbm>> -> memref<40x256xf32, #tpu.memory_space<hbm>>
    %dma_wait3A_842 = arith.constant 40 : i32
    %dma_wait3A_843 = arith.constant 0 : i32
    %dma_wait3A_844 = tpu.memref_slice %arg6[%dma_wait3A_833, %dma_wait3A_842, %dma_wait3A_843] : memref<5x80x256xf32, #tpu.memory_space<vmem>> -> memref<1x40x256xf32, #tpu.memory_space<vmem>>
    %dma_wait3A_845 = tpu.memref_squeeze %dma_wait3A_844 : memref<1x40x256xf32, #tpu.memory_space<vmem>> -> memref<40x256xf32, #tpu.memory_space<vmem>>
    tpu.wait_dma2 semaphore(%arg21 : memref<!tpu.dma_semaphore, #tpu.memory_space<semaphore_mem>>) src(%dma_wait3A_845 : memref<40x256xf32, #tpu.memory_space<vmem>>) dst(%dma_wait3A_841 : memref<40x256xf32, #tpu.memory_space<hbm>>)
    return
  }
}

</mosaic_0001>

<sc_bundles>
// kernel: kernel.3.cloned.1.call-start
scs
__scs_entry_jumppad:
0x0: {  	(pc) =	sbr.rel $0x88, $3  }
0x1: {  	(tag) =	ssettag $0x0;
	lr =	simm.s32 $0x1  }
0x2: {  	[smem:$0x3F9F] =	sst lr;
	_ =	strace $0xD0000000  }
0x3: {  	_ = 	snop  }
0x4: {  	_ = 	snop  }
0x5: {  	_ = 	snop  }
0x6: {  	_ = 	snop  }
0x7: {  	_ = 	snop  }
__scs_overlays_trampoline_lowered:
0x8: {  	[smem:$0x3FAE] =	sst s0  }
0x9: {  	[smem:$0x3FAF] =	sst s1  }
0xa: {  	[smem:$0x3FB0] =	sst s2  }
0xb: {  	[smem:$0x3FB1] =	sst s3  }
0xc: {  	[smem:$0x3FB2] =	sst s4  }
0xd: {  	[smem:$0x3FB3] =	sst s5  }
0xe: {  	[smem:$0x3FB4] =	sst s6  }
0xf: {  	[smem:$0x3FB5] =	sst s7  }
0x10: {  	[smem:$0x3FB6] =	sst s8  }
0x11: {  	[smem:$0x3FB7] =	sst s9;
	s0 =	simm.s32 @!p0 $0x0  }
0x12: {  	s1 =	sld [smem:$0x3F9D];
	s0 =	simm.s32 @p0 $0x1  }
0x13: {  	[smem:$0x3FB8] =	sst s0;
	s0 =	simm.s32 @!p1 $0x0  }
0x14: {  	s2 =	sld [smem:$0x3F9C];
	s0 =	simm.s32 @p1 $0x1  }
0x15: {  	[smem:$0x3FB9] =	sst s0;
	s0 =	simm.s32 @!p2 $0x0  }
0x16: {  	s3 =	sld [smem:$0x3FDB];
	s0 =	simm.s32 @p2 $0x1  }
0x17: {  	s4 =	simm.s32 $0x1BF5;
	[smem:$0x3FBB] =	sst s0  }
0x18: {  	s0 =	sld [smem:$0x3F9E];
	_ =	swait.ge [sflag:s4], $0x0  }
0x19: {  	s7 =	sld [smem:$0x3F9F]  }
0x1a: {  	s8 =	sadd.s32 $0xFFFFE003, lr  }
0x1b: {  	s9 =	sadd.s32 $0xFFFFFEF7, lr;
	s5 =	simm.s32 $0xFFFFFFFF;
	p2 =	slt.u32 s8, $0xFFFFF086  }
0x1c: {  	p1 =	slt.u32 s9, $0xF7A;
	s5 =	simm.s32 @!p2 $0x0  }
0x1d: {  	s5 =	simm.s32 @p1 $0x1;
	p0 =	seq.s32 s7, s2  }
0x1e: {  	s7 =	smul.u32 @!p0 $0xF7A, s2;
	p2 =	seq.s32 @!p0 s5, $0x0  }
0x1f: {  	s9 =	smul.u32 $0xF7A, s1;
	s8 =	simm.s32 @!p0 $0x1BF5;
	p2 =	por !p2, p0  }
0x20: {  	[sflag:s8] =	ssyncset.s32 @!p0 $0xFFFFF086;
	s6 =	sadd.s32 @!p0 s3, s7;
	s7 =	simm.s32 @!p0 $0x108  }
0x21: {  	s3 =	sadd.s32 s3, s9;
	s6 =	sadd.s32 @!p0 $0x88, s6;
	s7 =	simm.s32 @p2 $0x1082  }
0x22: {  	[simem:s7], [sflag:s8] =	dma.local @!p0 [hbm:s6], $0xF7A  }
0x23: {  	s9 =	sor.u32 $0xD0000000, s2;
	s6 =	simm.s32 $0x108;
	_ =	swait.ge @!p0 [sflag:s8], $0x0  }
0x24: {  	s3 =	sadd.s32 $0x88, s3;
	s6 =	simm.s32 @!p1 $0x1082;
	[sflag:s4] =	ssyncset.s32 $0xFFFFF086  }
0x25: {  	[simem:s6], [sflag:s4] =	dma.local [hbm:s3], $0xF7A  }
0x26: {  	[smem:$0x3F9F] =	sst s1;
	(tag) =	ssettag s2;
	_ =	strace s9  }
0x27: {  	s1 =	sld [smem:$0x3FAF]  }
0x28: {  	s2 =	sld [smem:$0x3FB0]  }
0x29: {  	s4 =	sld [smem:$0x3FB2]  }
0x2a: {  	p0 =	seq.s32 s5, $0x0;
	s5 =	sld [smem:$0x3FB3]  }
0x2b: {  	s6 =	sld [smem:$0x3FB4]  }
0x2c: {  	s7 =	sld [smem:$0x3FB5]  }
0x2d: {  	s3 =	simm.s32 $0x108;
	s8 =	sld [smem:$0x3FB6]  }
0x2e: {  	s3 =	simm.s32 @!p0 $0x1082;
	s9 =	sld [smem:$0x3FB7]  }
0x2f: {  	lr =	sadd.s32 s0, s3;
	s0 =	sld [smem:$0x3FAE]  }
0x30: {  	s3 =	sld [smem:$0x3FB1]  }
0x31: {  	[smem:$0x3FBA] =	sst s10  }
0x32: {  	s10 =	sld [smem:$0x3FB8];
	_ =	sdelay $0x3  }
0x33: {  	p0 =	seq.s32 s10, $0x1;
	s10 =	sld [smem:$0x3FBA];
	_ =	sdelay $0x3  }
0x34: {  	[smem:$0x3FBA] =	sst s10  }
0x35: {  	s10 =	sld [smem:$0x3FB9];
	_ =	sdelay $0x3  }
0x36: {  	p1 =	seq.s32 s10, $0x1;
	s10 =	sld [smem:$0x3FBA];
	_ =	sdelay $0x3  }
0x37: {  	[smem:$0x3FBA] =	sst s10  }
0x38: {  	s10 =	sld [smem:$0x3FBB]  }
0x39: {  	_ = 	snop;
	(pc) =	sbr.ind lr, $3  }
0x3a: {  	_ = 	snop  }
0x3b: {  	_ = 	snop  }
0x3c: {  	p2 =	seq.s32 s10, $0x1;
	s10 =	sld [smem:$0x3FBA]  }
0x3d: {  	_ =	shalt  }
0x3e: {  	_ =	shalt  }
0x3f: {  	_ =	shalt  }
0x40: {  	_ =	shalt  }
0x41: {  	_ =	shalt  }
0x42: {  	_ =	shalt  }
0x43: {  	_ =	shalt  }
0x44: {  	_ =	shalt  }
0x45: {  	_ =	shalt  }
0x46: {  	_ =	shalt  }
0x47: {  	_ =	shalt  }
0x48: {  	_ =	shalt  }
0x49: {  	_ =	shalt  }
0x4a: {  	_ =	shalt  }
0x4b: {  	_ =	shalt  }
0x4c: {  	_ =	shalt  }
0x4d: {  	_ =	shalt  }
0x4e: {  	_ =	shalt  }
0x4f: {  	_ =	shalt  }
0x50: {  	_ =	shalt  }
0x51: {  	_ =	shalt  }
0x52: {  	_ =	shalt  }
0x53: {  	_ =	shalt  }
0x54: {  	_ =	shalt  }
0x55: {  	_ =	shalt  }
0x56: {  	_ =	shalt  }
0x57: {  	_ =	shalt  }
0x58: {  	_ =	shalt  }
0x59: {  	_ =	shalt  }
0x5a: {  	_ =	shalt  }
0x5b: {  	_ =	shalt  }
0x5c: {  	_ =	shalt  }
0x5d: {  	_ =	shalt  }
0x5e: {  	_ =	shalt  }
0x5f: {  	_ =	shalt  }
0x60: {  	_ =	shalt  }
0x61: {  	_ =	shalt  }
0x62: {  	_ =	shalt  }
0x63: {  	_ =	shalt  }
0x64: {  	_ =	shalt  }
0x65: {  	_ =	shalt  }
0x66: {  	_ =	shalt  }
0x67: {  	_ =	shalt  }
0x68: {  	_ =	shalt  }
0x69: {  	_ =	shalt  }
0x6a: {  	_ =	shalt  }
0x6b: {  	_ =	shalt  }
0x6c: {  	_ =	shalt  }
0x6d: {  	_ =	shalt  }
0x6e: {  	_ =	shalt  }
0x6f: {  	_ =	shalt  }
0x70: {  	_ =	shalt  }
0x71: {  	_ =	shalt  }
0x72: {  	_ =	shalt  }
0x73: {  	_ =	shalt  }
0x74: {  	_ =	shalt  }
0x75: {  	_ =	shalt  }
0x76: {  	_ =	shalt  }
0x77: {  	_ =	shalt  }
0x78: {  	_ =	shalt  }
0x79: {  	_ =	shalt  }
0x7a: {  	_ =	shalt  }
0x7b: {  	_ =	shalt  }
0x7c: {  	_ =	shalt  }
0x7d: {  	_ =	shalt  }
0x7e: {  	_ =	shalt  }
0x7f: {  	_ =	shalt  }
0x80: {  	_ =	shalt  }
0x81: {  	_ =	shalt  }
0x82: {  	_ =	shalt  }
0x83: {  	_ =	shalt  }
0x84: {  	_ =	shalt  }
0x85: {  	_ =	shalt  }
0x86: {  	_ =	shalt  }
0x87: {  	_ =	shalt  }
.Lfunc_end0:
.L_simem_size_0:
called_computation_lowered:
.L_overlay_start_0:
0x88: {  	s2 =	sld [smem:$0x3FD9]  }
0x89: {  	s3 =	sld [smem:$0x3FFE];
	_ =	sdelay $0x1  }
0x8a: {  	s1 =	srdreg.scid  }
0x8b: {  	s0 =	sand.u32 $0x1, s1  }
0x8c: {  	s17 =	sshll.u32 s0, $0xA;
	s2 =	sadd.s32 s3, s2  }
0x8d: {  	s2 =	sadd.s32 s2, s17  }
0x8e: {  	[smem:$0x3FC6] =	sst s2  }
0x8f: {  	_ = 	snop  }
0x90: {  	s2 =	sld [smem:$0x3FC9]  }
0x91: {  	s18 =	sld [smem:$0x3FD0];
	(tm) =	ssettm $0x1  }
0x92: {  	s4 =	sld [smem:$0x3FFB];
	_ =	sdelay $0x3  }
0x93: {  	_ =	strace s4  }
0x94: {  	s4 =	sld [smem:$0x3FFC];
	_ =	sdelay $0x3  }
0x95: {  	_ =	strace s4  }
0x96: {  	s4 =	sld [smem:$0x3FFD];
	_ =	sdelay $0x3  }
0x97: {  	_ =	strace s4  }
0x98: {  	_ =	strace $0x8FFFFFFF  }
0x99: {  	s19 =	sld [smem:$0x3FDB];
	_ =	sdelay $0x1  }
0x9a: {  	s5 =	simm.s32 $_scs_section_size  }
0x9b: {  	s6 =	simm.s32 $_size__tile_overlayer_lowered;
	s7 =	simm.s32 $_tile_overlayer_lowered  }
0x9c: {  	s22 =	simm.s32 $0x1BFF;
	s21 =	sshll.u32 s7, $0x1;
	s4 =	sadd.s32 s5, s19  }
0x9d: {  	s8 =	simm.s32 $0x0;
	s20 =	sshll.u32 s6, $0x1;
	s6 =	sadd.s32 s21, s4  }
0x9e: {  	[timem:s8], [sflag:s22] =	dma.local [hbm:s6], s20  }
0x9f: {  	_ =	swait.ge [sflag:s22], s20  }
0xa0: {  	s5 =	ssub.s32 $0x0, s20;
	[sflag:s22] =	ssyncset.done $0x0  }
0xa1: {  	[sflag:s22] =	ssyncadd.s32 s5;
	_ =	sdelay $0x1  }
0xa2: {  	s23 =	simm.s32 $0x1B8B  }
0xa3: {  	_ =	swait.ge [sflag:s23], $0x1  }
0xa4: {  	[sflag:s23] =	ssyncset.done $0x0  }
0xa5: {  	s25 =	simm.s32 $0x1B8E;
	s24 =	sld [smem:$0x3FFE];
	[sflag:s23] =	ssyncadd.s32 $0xFFFFFFFF  }
0xa6: {  	s26 =	simm.s32 $execute0_lowered;
	[smem:$0x3FD2] =	sst s25  }
0xa7: {  	s6 =	sshll.u32 s26, $0x1;
	_ =	strace $0x80000046;
	[dreg:$0x1] =	wrdreg $0xFFFFFFFF  }
0xa8: {  	s28 =	simm.s32 $_size_execute0_lowered;
	s4 =	sadd.s32 s4, s6;
	[dreg:$0x0] =	wrdreg $0x0  }
0xa9: {  	s6 =	sshll.u32 s28, $0x1;
	[dreg:$0x2] =	wrdreg s4  }
0xaa: {  	[dreg:$0x3] =	wrdreg s6  }
0xab: {  	[dreg:$0x4] =	wrdreg $0xC0  }
0xac: {  	_ =	task [dreg:s8], $0x5FFFF  }
0xad: {  	[dreg:$0x1] =	wrdreg $0xFFFFFFFF  }
0xae: {  	[dreg:$0x0] =	wrdreg $0x60  }
0xaf: {  	[dreg:$0x2] =	wrdreg s2  }
0xb0: {  	[dreg:$0x3] =	wrdreg s24  }
0xb1: {  	[dreg:$0x4] =	wrdreg s18  }
0xb2: {  	[dreg:$0x5] =	wrdreg $0x9  }
0xb3: {  	_ =	task.clear_ibuf [dreg:s8], $0x6FFFF;
	_ =	strace $0x90000046  }
0xb4: {  	s29 =	simm.s32 $0x9;
	_ =	strace $0x80000048  }
0xb5: {  	_ =	swait.ge [sflag:s29], $0x1  }
0xb6: {  	[sflag:s29] =	ssyncadd.s32 $0xFFFFFFFF  }
0xb7: {  	_ =	strace $0x90000048  }
0xb8: {  	_ =	sfence  }
0xb9: {  	s30 =	sld [smem:$0x0];
	_ =	sdelay $0x2  }
0xba: {  	s31 =	sshll.u32 s1, $0xD;
	s1 =	sshrl.u32 s1, $0x2  }
0xbb: {  	s3 =	sand.u32 $0x4000, s31;
	s1 =	sadd.s32 s1, s30  }
0xbc: {  	s0 =	sor.u32 s3, s0;
	s1 =	sshll.u32 s1, $0x11  }
0xbd: {  	s0 =	sor.u32 s1, s0  }
0xbe: {  	s0 =	sadd.s32 $0x8F2B, s0  }
0xbf: {  	[sflag:s0] =	ssyncadd.remote.s32 $0x1  }
0xc0: {  	_ =	sfence.sel $0xFFFF  }
0xc1: {  	[dreg:$0x0] =	wrdreg $0xFFFFFFFF;
	(pc) =	sbr.abs _section_cstart, $3  }
0xc2: {  	[dreg:$0x1] =	wrdreg $0xFFFFFFFF  }
0xc3: {  	_ =	task.clear_ibuf [dreg:s8], $0x2FFFF;
	_ =	strace $0x9FFFFFFF  }
0xc4: {  	(tm) =	ssettm $0x7FFFFFFF  }
0xc5: {  	_ =	shalt  }
tec
execute0_lowered:
.L_overlay_start_1:
0x0: {  	(tag) =	ssettag $0x1  }
0x1: {  	s1 =	rddreg [dreg:$0x0]  }
0x2: {  	s2 =	srdreg.scid;
	s8 =	stileid.u32  }
0x3: {  	s0 =	rddreg [dreg:$0x1];
	s2 =	sand.u32 $0x1, s2;
	s5 =	sshll.u32 s8, $0x1  }
0x4: {  	s4 =	rddreg [dreg:$0x2];
	s5 =	sor.u32 s2, s5  }
0x5: {  	s3 =	simm.s32 $0x0;
	s6 =	smul.u32 $0x271000, s5;
	s5 =	sshll.u32 s5, $0xB  }
0x6: {  	[smem:$0x7FF] =	sst s3;
	s0 =	sadd.s32 s5, s0  }
0x7: {  	_ =	strace $0x80000047;
	s6 =	sshrl.u32 s6, $0x3;
	s0 =	sadd.s32 $0x400, s0  }
0x8: {  	s7 =	ssub.s32 $0x2, s2;
	s6 =	sadd.s32 s4, s6;
	[dreg:$0x6] =	wrdreg s0  }
0x9: {  	s26 =	sshrl.u32 s7, $0x1;
	s29 =	sadd.s32 $0x100, s6;
	[dreg:$0x5] =	wrdreg s6  }
0xa: {  	s5 =	ssub.s32 s7, s26;
	s7 =	sadd.s32 $0xA00, s6;
	[dreg:$0x7] =	wrdreg s29  }
0xb: {  	s9 =	sadd.s32 $0xB00, s6;
	[dreg:$0x8] =	wrdreg s7  }
0xc: {  	s10 =	sadd.s32 $0x1400, s6;
	[dreg:$0x9] =	wrdreg s9  }
0xd: {  	s11 =	sadd.s32 $0x1500, s6;
	[dreg:$0xa] =	wrdreg s10  }
0xe: {  	s12 =	sadd.s32 $0x1E00, s6;
	[dreg:$0xb] =	wrdreg s11  }
0xf: {  	s13 =	sadd.s32 $0x1F00, s6;
	[dreg:$0xc] =	wrdreg s12  }
0x10: {  	s14 =	sadd.s32 $0x2800, s6;
	[dreg:$0xd] =	wrdreg s13  }
0x11: {  	s15 =	sadd.s32 $0x2900, s6;
	[dreg:$0xe] =	wrdreg s14  }
0x12: {  	s16 =	sadd.s32 $0x4B000, s6;
	[dreg:$0xf] =	wrdreg s15  }
0x13: {  	s17 =	sadd.s32 $0x4B100, s6;
	[dreg:$0x10] =	wrdreg s16  }
0x14: {  	s18 =	sadd.s32 $0x4BA00, s6;
	[dreg:$0x11] =	wrdreg s17  }
0x15: {  	s28 =	simm.s32 $0x8800;
	s20 =	sadd.s32 $0x4BB00, s6;
	[dreg:$0x12] =	wrdreg s18  }
0x16: {  	s30 =	simm.s32 $0x11000;
	s21 =	sadd.s32 $0x4C400, s6;
	[dreg:$0x13] =	wrdreg s20  }
0x17: {  	s31 =	simm.s32 $0x800;
	s22 =	sadd.s32 $0x4C500, s6;
	[dreg:$0x14] =	wrdreg s21  }
0x18: {  	s19 =	smul.u32 $0x9C400, s8;
	s23 =	sadd.s32 $0x4CE00, s6;
	[dreg:$0x15] =	wrdreg s22  }
0x19: {  	s2 =	smul.u32 $0x4E200, s2;
	s24 =	sadd.s32 $0x4CF00, s6;
	[dreg:$0x16] =	wrdreg s23  }
0x1a: {  	s0 =	sadd.s32 s19, s4;
	s25 =	sadd.s32 $0x4D800, s6;
	[dreg:$0x17] =	wrdreg s24  }
0x1b: {  	s19 =	simm.s32 $0x5800;
	s0 =	sadd.s32 s2, s0;
	[dreg:$0x18] =	wrdreg s25  }
0x1c: {  	s4 =	simm.s32 $0xF;
	s26 =	sadd.s32 $0x4D900, s6;
	[dreg:$0x4] =	wrdreg s0  }
0x1d: {  	s2 =	simm.s32 $0x1000;
	[dreg:$0x19] =	wrdreg s26;
	s29 =	smax.u32 s5, $0x1  }
0x1e: {  	s14 =	simm.s32 $0x4800;
	s9 =	simm.s32 $0x5000;
	s24 =	simm.s32 $0x6000  }
0x1f: {  	s11 =	simm.s32 $0x7000;
	s18 =	simm.s32 $0x7800;
	s25 =	simm.s32 $0x8000  }
0x20: {  	s10 =	simm.s32 $0xB;
	s12 =	simm.s32 $0x4;
	s13 =	simm.s32 $0x7  }
0x21: {  	v2 =	vlaneseq.u32;
	s15 =	simm.s32 $0xC;
	s16 =	simm.s32 $0x5;
	s20 =	simm.s32 $0x8  }
0x22: {  	vm0 =	vmmov $0xffff;
	v1 =	vshrl.u32 v2, $0x3;
	s21 =	simm.s32 $0xD;
	s22 =	simm.s32 $0x9;
	s23 =	simm.s32 $0xE  }
0x23: {  	v0 =	vand.u32 $0x7, v2;
	v2 =	vor.u32 $0x8, v2;
	v1 =	vmul.u32 $0x8, v1;
	s26 =	simm.s32 $0xA;
	s5 =	simm.s32 $0x0;
	[dreg:$0x1a] =	wrdreg s29  }
.LBB2_1:
0x24: {  	[dreg:$0x1b] =	wrdreg s5  }
0x25: {  	s0 =	rddreg [dreg:$0x6];
	s17 =	simm.s32 $0x10  }
0x26: {  	[tilespmem:s3], [sflag:$0x10] =	stream.linear.gather [hbm4b:s0+s3], $0x3E80, $0x38;
	[tilespmem:$0x1D000] =	vst v63  }
0x27: {  	_ =	swait.ge [sflag:s17], $0x3E80  }
0x28: {  	[sflag:s17] =	ssyncset.done $0x0  }
0x29: {  	[sflag:s17] =	ssyncadd.s32 $0xFFFFC180  }
0x2a: {  	v3 =	vld [tilespmem:$0x0];
	_ =	sdelay $0x4  }
0x2b: {  	v4 =	vshll.u32 v3, $0x1  }
0x2c: {  	v3 =	vand.u32 $0x7, v3;
	v4 =	vand.u32 $0xFFFFFFF0, v4  }
0x2d: {  	v3 =	vor.u32 v3, v4  }
0x2e: {  	v4 =	vperm.xlane v3, v0;
	_ =	sdelay $0x1  }
0x2f: {  	v3 =	vperm.xlane v3, v2;
	v4 =	vadd.s32 v1, v4;
	_ =	sdelay $0x1  }
0x30: {  	v3 =	vadd.s32 v1, v3;
	_ =	sdelay $0x1  }
0x31: {  	s5 =	simm.s32 $0x4000  }
0x32: {  	[tilespmem:s5], [sflag:$0x1] =	stream.indirect_vreg.gather [hbm4b:s1+s3], $0x80, v4, vm0, $0xb8;
	[tilespmem:$0x1D000] =	vst v63  }
0x33: {  	_ = 	snop  }
0x34: {  	[tilespmem:s14], [sflag:$0x1] =	stream.indirect_vreg.gather [hbm4b:s1+s3], $0x80, v3, vm0, $0xb8;
	[tilespmem:$0x1D000] =	vst v63  }
0x35: {  	v3 =	vld [tilespmem:$0x10];
	_ =	sdelay $0x4  }
0x36: {  	v25 =	vshll.u32 v3, $0x1  }
0x37: {  	v3 =	vand.u32 $0x7, v3;
	v4 =	vand.u32 $0xFFFFFFF0, v25  }
0x38: {  	v3 =	vor.u32 v3, v4  }
0x39: {  	v4 =	vperm.xlane v3, v0;
	_ =	sdelay $0x1  }
0x3a: {  	v3 =	vperm.xlane v3, v2;
	v4 =	vadd.s32 v1, v4;
	_ =	sdelay $0x1  }
0x3b: {  	v3 =	vadd.s32 v1, v3;
	_ =	sdelay $0x2  }
0x3c: {  	[tilespmem:s9], [sflag:$0x1] =	stream.indirect_vreg.gather [hbm4b:s1+s3], $0x80, v4, vm0, $0xb8;
	[tilespmem:$0x1D000] =	vst v63  }
0x3d: {  	_ = 	snop  }
0x3e: {  	[tilespmem:s19], [sflag:$0x1] =	stream.indirect_vreg.gather [hbm4b:s1+s3], $0x80, v3, vm0, $0xb8;
	[tilespmem:$0x1D000] =	vst v63  }
0x3f: {  	v3 =	vld [tilespmem:$0x20];
	_ =	sdelay $0x4  }
0x40: {  	v26 =	vshll.u32 v3, $0x1  }
0x41: {  	v3 =	vand.u32 $0x7, v3;
	v4 =	vand.u32 $0xFFFFFFF0, v26  }
0x42: {  	v3 =	vor.u32 v3, v4  }
0x43: {  	v4 =	vperm.xlane v3, v0;
	_ =	sdelay $0x1  }
0x44: {  	v3 =	vperm.xlane v3, v2;
	v4 =	vadd.s32 v1, v4;
	_ =	sdelay $0x1  }
0x45: {  	v3 =	vadd.s32 v1, v3;
	_ =	sdelay $0x2  }
0x46: {  	[tilespmem:s24], [sflag:$0x1] =	stream.indirect_vreg.gather [hbm4b:s1+s3], $0x80, v4, vm0, $0xb8;
	[tilespmem:$0x1D000] =	vst v63  }
0x47: {  	s29 =	simm.s32 $0x6800  }
0x48: {  	[tilespmem:s29], [sflag:$0x1] =	stream.indirect_vreg.gather [hbm4b:s1+s3], $0x80, v3, vm0, $0xb8;
	[tilespmem:$0x1D000] =	vst v63  }
0x49: {  	v3 =	vld [tilespmem:$0x30];
	_ =	sdelay $0x4  }
0x4a: {  	v27 =	vshll.u32 v3, $0x1  }
0x4b: {  	v3 =	vand.u32 $0x7, v3;
	v4 =	vand.u32 $0xFFFFFFF0, v27  }
0x4c: {  	v3 =	vor.u32 v3, v4  }
0x4d: {  	v4 =	vperm.xlane v3, v0;
	_ =	sdelay $0x1  }
0x4e: {  	v3 =	vperm.xlane v3, v2;
	v4 =	vadd.s32 v1, v4;
	_ =	sdelay $0x1  }
0x4f: {  	v3 =	vadd.s32 v1, v3;
	_ =	sdelay $0x2  }
0x50: {  	[tilespmem:s11], [sflag:$0x1] =	stream.indirect_vreg.gather [hbm4b:s1+s3], $0x80, v4, vm0, $0xb8;
	[tilespmem:$0x1D000] =	vst v63  }
0x51: {  	_ = 	snop  }
0x52: {  	[tilespmem:s18], [sflag:$0x1] =	stream.indirect_vreg.gather [hbm4b:s1+s3], $0x80, v3, vm0, $0xb8;
	[tilespmem:$0x1D000] =	vst v63  }
0x53: {  	v3 =	vld [tilespmem:$0x40];
	_ =	sdelay $0x4  }
0x54: {  	v28 =	vshll.u32 v3, $0x1  }
0x55: {  	v3 =	vand.u32 $0x7, v3;
	v4 =	vand.u32 $0xFFFFFFF0, v28  }
0x56: {  	v3 =	vor.u32 v3, v4  }
0x57: {  	v4 =	vperm.xlane v3, v0;
	_ =	sdelay $0x1  }
0x58: {  	v3 =	vperm.xlane v3, v2;
	v4 =	vadd.s32 v1, v4;
	_ =	sdelay $0x1  }
0x59: {  	v3 =	vadd.s32 v1, v3;
	_ =	sdelay $0x2  }
0x5a: {  	[tilespmem:s25], [sflag:$0x1] =	stream.indirect_vreg.gather [hbm4b:s1+s3], $0x80, v4, vm0, $0xb8;
	[tilespmem:$0x1D000] =	vst v63  }
0x5b: {  	_ = 	snop  }
0x5c: {  	[tilespmem:s28], [sflag:$0x1] =	stream.indirect_vreg.gather [hbm4b:s1+s3], $0x80, v3, vm0, $0xb8;
	[tilespmem:$0x1D000] =	vst v63  }
0x5d: {  	v3 =	vld [tilespmem:$0x80];
	_ =	sdelay $0x4  }
0x5e: {  	v29 =	vshll.u32 v3, $0x1  }
0x5f: {  	v3 =	vand.u32 $0x7, v3;
	v4 =	vand.u32 $0xFFFFFFF0, v29  }
0x60: {  	v3 =	vor.u32 v3, v4  }
0x61: {  	v4 =	vperm.xlane v3, v0;
	_ =	sdelay $0x1  }
0x62: {  	v3 =	vperm.xlane v3, v2;
	v4 =	vadd.s32 v1, v4;
	_ =	sdelay $0x1  }
0x63: {  	v3 =	vadd.s32 v1, v3;
	_ =	sdelay $0x1  }
0x64: {  	s6 =	simm.s32 $0x9000  }
0x65: {  	[tilespmem:s6], [sflag:$0x2] =	stream.indirect_vreg.gather [hbm4b:s1+s3], $0x80, v4, vm0, $0xb8;
	[tilespmem:$0x1D000] =	vst v63  }
0x66: {  	s7 =	simm.s32 $0x9800  }
0x67: {  	[tilespmem:s7], [sflag:$0x2] =	stream.indirect_vreg.gather [hbm4b:s1+s3], $0x80, v3, vm0, $0xb8;
	[tilespmem:$0x1D000] =	vst v63  }
0x68: {  	v3 =	vld [tilespmem:$0x90];
	_ =	sdelay $0x4  }
0x69: {  	v30 =	vshll.u32 v3, $0x1  }
0x6a: {  	v3 =	vand.u32 $0x7, v3;
	v4 =	vand.u32 $0xFFFFFFF0, v30  }
0x6b: {  	v3 =	vor.u32 v3, v4  }
0x6c: {  	v4 =	vperm.xlane v3, v0;
	_ =	sdelay $0x1  }
0x6d: {  	v3 =	vperm.xlane v3, v2;
	v4 =	vadd.s32 v1, v4;
	_ =	sdelay $0x1  }
0x6e: {  	v3 =	vadd.s32 v1, v3;
	_ =	sdelay $0x1  }
0x6f: {  	s8 =	simm.s32 $0xA000  }
0x70: {  	[tilespmem:s8], [sflag:$0x2] =	stream.indirect_vreg.gather [hbm4b:s1+s3], $0x80, v4, vm0, $0xb8;
	[tilespmem:$0x1D000] =	vst v63  }
0x71: {  	s17 =	simm.s32 $0xA800  }
0x72: {  	[tilespmem:s17], [sflag:$0x2] =	stream.indirect_vreg.gather [hbm4b:s1+s3], $0x80, v3, vm0, $0xb8;
	[tilespmem:$0x1D000] =	vst v63  }
0x73: {  	v3 =	vld [tilespmem:$0xA0];
	_ =	sdelay $0x4  }
0x74: {  	v31 =	vshll.u32 v3, $0x1  }
0x75: {  	v3 =	vand.u32 $0x7, v3;
	v4 =	vand.u32 $0xFFFFFFF0, v31  }
0x76: {  	v3 =	vor.u32 v3, v4  }
0x77: {  	v4 =	vperm.xlane v3, v0;
	_ =	sdelay $0x1  }
0x78: {  	v3 =	vperm.xlane v3, v2;
	v4 =	vadd.s32 v1, v4;
	_ =	sdelay $0x1  }
0x79: {  	v3 =	vadd.s32 v1, v3;
	_ =	sdelay $0x1  }
0x7a: {  	s7 =	simm.s32 $0xB000  }
0x7b: {  	[tilespmem:s7], [sflag:$0x2] =	stream.indirect_vreg.gather [hbm4b:s1+s3], $0x80, v4, vm0, $0xb8;
	[tilespmem:$0x1D000] =	vst v63  }
0x7c: {  	s8 =	simm.s32 $0xB800  }
0x7d: {  	[tilespmem:s8], [sflag:$0x2] =	stream.indirect_vreg.gather [hbm4b:s1+s3], $0x80, v3, vm0, $0xb8;
	[tilespmem:$0x1D000] =	vst v63  }
0x7e: {  	v3 =	vld [tilespmem:$0xB0];
	_ =	sdelay $0x4  }
0x7f: {  	v32 =	vshll.u32 v3, $0x1  }
0x80: {  	v3 =	vand.u32 $0x7, v3;
	v4 =	vand.u32 $0xFFFFFFF0, v32  }
0x81: {  	v3 =	vor.u32 v3, v4  }
0x82: {  	v4 =	vperm.xlane v3, v0;
	_ =	sdelay $0x1  }
0x83: {  	v3 =	vperm.xlane v3, v2;
	v4 =	vadd.s32 v1, v4;
	_ =	sdelay $0x1  }
0x84: {  	v3 =	vadd.s32 v1, v3;
	_ =	sdelay $0x1  }
0x85: {  	s17 =	simm.s32 $0xC000  }
0x86: {  	[tilespmem:s17], [sflag:$0x2] =	stream.indirect_vreg.gather [hbm4b:s1+s3], $0x80, v4, vm0, $0xb8;
	[tilespmem:$0x1D000] =	vst v63  }
0x87: {  	s8 =	simm.s32 $0xC800  }
0x88: {  	[tilespmem:s8], [sflag:$0x2] =	stream.indirect_vreg.gather [hbm4b:s1+s3], $0x80, v3, vm0, $0xb8;
	[tilespmem:$0x1D000] =	vst v63  }
0x89: {  	v3 =	vld [tilespmem:$0xC0];
	_ =	sdelay $0x4  }
0x8a: {  	v33 =	vshll.u32 v3, $0x1  }
0x8b: {  	v3 =	vand.u32 $0x7, v3;
	v4 =	vand.u32 $0xFFFFFFF0, v33  }
0x8c: {  	v3 =	vor.u32 v3, v4  }
0x8d: {  	v4 =	vperm.xlane v3, v0;
	_ =	sdelay $0x1  }
0x8e: {  	v3 =	vperm.xlane v3, v2;
	v4 =	vadd.s32 v1, v4;
	_ =	sdelay $0x1  }
0x8f: {  	v3 =	vadd.s32 v1, v3;
	_ =	sdelay $0x1  }
0x90: {  	s17 =	simm.s32 $0xD000  }
0x91: {  	[tilespmem:s17], [sflag:$0x2] =	stream.indirect_vreg.gather [hbm4b:s1+s3], $0x80, v4, vm0, $0xb8;
	[tilespmem:$0x1D000] =	vst v63  }
0x92: {  	s8 =	simm.s32 $0xD800  }
0x93: {  	[tilespmem:s8], [sflag:$0x2] =	stream.indirect_vreg.gather [hbm4b:s1+s3], $0x80, v3, vm0, $0xb8;
	[tilespmem:$0x1D000] =	vst v63  }
0x94: {  	v3 =	vld [tilespmem:$0x100];
	_ =	sdelay $0x4  }
0x95: {  	v34 =	vshll.u32 v3, $0x1  }
0x96: {  	v3 =	vand.u32 $0x7, v3;
	v4 =	vand.u32 $0xFFFFFFF0, v34  }
0x97: {  	v3 =	vor.u32 v3, v4  }
0x98: {  	v4 =	vperm.xlane v3, v0;
	_ =	sdelay $0x1  }
0x99: {  	v3 =	vperm.xlane v3, v2;
	v4 =	vadd.s32 v1, v4;
	_ =	sdelay $0x1  }
0x9a: {  	v3 =	vadd.s32 v1, v3;
	_ =	sdelay $0x1  }
0x9b: {  	s17 =	simm.s32 $0xE000  }
0x9c: {  	[tilespmem:s17], [sflag:$0x3] =	stream.indirect_vreg.gather [hbm4b:s1+s3], $0x80, v4, vm0, $0xb8;
	[tilespmem:$0x1D000] =	vst v63  }
0x9d: {  	s8 =	simm.s32 $0xE800  }
0x9e: {  	[tilespmem:s8], [sflag:$0x3] =	stream.indirect_vreg.gather [hbm4b:s1+s3], $0x80, v3, vm0, $0xb8;
	[tilespmem:$0x1D000] =	vst v63  }
0x9f: {  	v3 =	vld [tilespmem:$0x110];
	_ =	sdelay $0x4  }
0xa0: {  	v35 =	vshll.u32 v3, $0x1  }
0xa1: {  	v3 =	vand.u32 $0x7, v3;
	v4 =	vand.u32 $0xFFFFFFF0, v35  }
0xa2: {  	v3 =	vor.u32 v3, v4  }
0xa3: {  	v4 =	vperm.xlane v3, v0;
	_ =	sdelay $0x1  }
0xa4: {  	v3 =	vperm.xlane v3, v2;
	v4 =	vadd.s32 v1, v4;
	_ =	sdelay $0x1  }
0xa5: {  	v3 =	vadd.s32 v1, v3;
	_ =	sdelay $0x1  }
0xa6: {  	s17 =	simm.s32 $0xF000  }
0xa7: {  	[tilespmem:s17], [sflag:$0x3] =	stream.indirect_vreg.gather [hbm4b:s1+s3], $0x80, v4, vm0, $0xb8;
	[tilespmem:$0x1D000] =	vst v63  }
0xa8: {  	s8 =	simm.s32 $0xF800  }
0xa9: {  	[tilespmem:s8], [sflag:$0x3] =	stream.indirect_vreg.gather [hbm4b:s1+s3], $0x80, v3, vm0, $0xb8;
	[tilespmem:$0x1D000] =	vst v63  }
0xaa: {  	v3 =	vld [tilespmem:$0x120];
	_ =	sdelay $0x4  }
0xab: {  	v36 =	vshll.u32 v3, $0x1  }
0xac: {  	v3 =	vand.u32 $0x7, v3;
	v4 =	vand.u32 $0xFFFFFFF0, v36  }
0xad: {  	v3 =	vor.u32 v3, v4  }
0xae: {  	v4 =	vperm.xlane v3, v0;
	_ =	sdelay $0x1  }
0xaf: {  	v3 =	vperm.xlane v3, v2;
	v4 =	vadd.s32 v1, v4;
	_ =	sdelay $0x1  }
0xb0: {  	v3 =	vadd.s32 v1, v3;
	_ =	sdelay $0x1  }
0xb1: {  	s17 =	simm.s32 $0x10000  }
0xb2: {  	[tilespmem:s17], [sflag:$0x3] =	stream.indirect_vreg.gather [hbm4b:s1+s3], $0x80, v4, vm0, $0xb8;
	[tilespmem:$0x1D000] =	vst v63  }
0xb3: {  	s8 =	simm.s32 $0x10800  }
0xb4: {  	[tilespmem:s8], [sflag:$0x3] =	stream.indirect_vreg.gather [hbm4b:s1+s3], $0x80, v3, vm0, $0xb8;
	[tilespmem:$0x1D000] =	vst v63  }
0xb5: {  	v3 =	vld [tilespmem:$0x130];
	_ =	sdelay $0x4  }
0xb6: {  	v37 =	vshll.u32 v3, $0x1  }
0xb7: {  	v3 =	vand.u32 $0x7, v3;
	v4 =	vand.u32 $0xFFFFFFF0, v37  }
0xb8: {  	v3 =	vor.u32 v3, v4  }
0xb9: {  	v4 =	vperm.xlane v3, v0;
	_ =	sdelay $0x1  }
0xba: {  	v3 =	vperm.xlane v3, v2;
	v4 =	vadd.s32 v1, v4;
	_ =	sdelay $0x1  }
0xbb: {  	v3 =	vadd.s32 v1, v3;
	_ =	sdelay $0x2  }
0xbc: {  	[tilespmem:s30], [sflag:$0x3] =	stream.indirect_vreg.gather [hbm4b:s1+s3], $0x80, v4, vm0, $0xb8;
	[tilespmem:$0x1D000] =	vst v63  }
0xbd: {  	s17 =	simm.s32 $0x11800  }
0xbe: {  	[tilespmem:s17], [sflag:$0x3] =	stream.indirect_vreg.gather [hbm4b:s1+s3], $0x80, v3, vm0, $0xb8;
	[tilespmem:$0x1D000] =	vst v63  }
0xbf: {  	v3 =	vld [tilespmem:$0x140];
	_ =	sdelay $0x4  }
0xc0: {  	v38 =	vshll.u32 v3, $0x1  }
0xc1: {  	v3 =	vand.u32 $0x7, v3;
	v4 =	vand.u32 $0xFFFFFFF0, v38  }
0xc2: {  	v3 =	vor.u32 v3, v4  }
0xc3: {  	v4 =	vperm.xlane v3, v0;
	_ =	sdelay $0x1  }
0xc4: {  	v3 =	vperm.xlane v3, v2;
	v4 =	vadd.s32 v1, v4;
	_ =	sdelay $0x1  }
0xc5: {  	v3 =	vadd.s32 v1, v3;
	_ =	sdelay $0x1  }
0xc6: {  	s8 =	simm.s32 $0x12000  }
0xc7: {  	[tilespmem:s8], [sflag:$0x3] =	stream.indirect_vreg.gather [hbm4b:s1+s3], $0x80, v4, vm0, $0xb8;
	[tilespmem:$0x1D000] =	vst v63  }
0xc8: {  	s17 =	simm.s32 $0x12800;
	s8 =	simm.s32 $0x1  }
0xc9: {  	[tilespmem:s17], [sflag:$0x3] =	stream.indirect_vreg.gather [hbm4b:s1+s3], $0x80, v3, vm0, $0xb8;
	[tilespmem:$0x1D000] =	vst v63  }
0xca: {  	_ =	swait.ge [sflag:s8], $0x5000  }
0xcb: {  	[sflag:s8] =	ssyncset.done $0x0  }
0xcc: {  	s5 =	simm.s32 $0x4000;
	s17 =	rddreg [dreg:$0x5];
	[sflag:s8] =	ssyncadd.s32 $0xFFFFB000  }
0xcd: {  	[hbm4b:s17+s31] =	stream.strided.scatter [tilespmem:s5], [sflag:$0x6], $0x2800, s2, s31, $0x38;
	[tilespmem:$0x1D000] =	vst v63  }
0xce: {  	s5 =	rddreg [dreg:$0x7]  }
0xcf: {  	[hbm4b:s5+s31] =	stream.strided.scatter [tilespmem:s29], [sflag:$0xB], $0x2800, s2, s31, $0x38;
	[tilespmem:$0x1D000] =	vst v63  }
0xd0: {  	v3 =	vld [tilespmem:$0x180];
	_ =	sdelay $0x4  }
0xd1: {  	v39 =	vshll.u32 v3, $0x1  }
0xd2: {  	v3 =	vand.u32 $0x7, v3;
	v4 =	vand.u32 $0xFFFFFFF0, v39  }
0xd3: {  	v3 =	vor.u32 v3, v4  }
0xd4: {  	v4 =	vperm.xlane v3, v0;
	_ =	sdelay $0x1  }
0xd5: {  	v3 =	vperm.xlane v3, v2;
	v4 =	vadd.s32 v1, v4;
	_ =	sdelay $0x1  }
0xd6: {  	v3 =	vadd.s32 v1, v3;
	_ =	sdelay $0x1  }
0xd7: {  	s5 =	simm.s32 $0x13000  }
0xd8: {  	[tilespmem:s5], [sflag:$0x4] =	stream.indirect_vreg.gather [hbm4b:s1+s3], $0x80, v4, vm0, $0xb8;
	[tilespmem:$0x1D000] =	vst v63  }
0xd9: {  	s8 =	simm.s32 $0x13800  }
0xda: {  	[tilespmem:s8], [sflag:$0x4] =	stream.indirect_vreg.gather [hbm4b:s1+s3], $0x80, v3, vm0, $0xb8;
	[tilespmem:$0x1D000] =	vst v63  }
0xdb: {  	v3 =	vld [tilespmem:$0x190];
	_ =	sdelay $0x4  }
0xdc: {  	v40 =	vshll.u32 v3, $0x1  }
0xdd: {  	v3 =	vand.u32 $0x7, v3;
	v4 =	vand.u32 $0xFFFFFFF0, v40  }
0xde: {  	v3 =	vor.u32 v3, v4  }
0xdf: {  	v4 =	vperm.xlane v3, v0;
	_ =	sdelay $0x1  }
0xe0: {  	v3 =	vperm.xlane v3, v2;
	v4 =	vadd.s32 v1, v4;
	_ =	sdelay $0x1  }
0xe1: {  	v3 =	vadd.s32 v1, v3;
	_ =	sdelay $0x1  }
0xe2: {  	s17 =	simm.s32 $0x14000  }
0xe3: {  	[tilespmem:s17], [sflag:$0x4] =	stream.indirect_vreg.gather [hbm4b:s1+s3], $0x80, v4, vm0, $0xb8;
	[tilespmem:$0x1D000] =	vst v63  }
0xe4: {  	s8 =	simm.s32 $0x14800  }
0xe5: {  	[tilespmem:s8], [sflag:$0x4] =	stream.indirect_vreg.gather [hbm4b:s1+s3], $0x80, v3, vm0, $0xb8;
	[tilespmem:$0x1D000] =	vst v63  }
0xe6: {  	v3 =	vld [tilespmem:$0x1A0];
	_ =	sdelay $0x4  }
0xe7: {  	v41 =	vshll.u32 v3, $0x1  }
0xe8: {  	v3 =	vand.u32 $0x7, v3;
	v4 =	vand.u32 $0xFFFFFFF0, v41  }
0xe9: {  	v3 =	vor.u32 v3, v4  }
0xea: {  	v4 =	vperm.xlane v3, v0;
	_ =	sdelay $0x1  }
0xeb: {  	v3 =	vperm.xlane v3, v2;
	v4 =	vadd.s32 v1, v4;
	_ =	sdelay $0x1  }
0xec: {  	v3 =	vadd.s32 v1, v3;
	_ =	sdelay $0x1  }
0xed: {  	s17 =	simm.s32 $0x15000  }
0xee: {  	[tilespmem:s17], [sflag:$0x4] =	stream.indirect_vreg.gather [hbm4b:s1+s3], $0x80, v4, vm0, $0xb8;
	[tilespmem:$0x1D000] =	vst v63  }
0xef: {  	s17 =	simm.s32 $0x15800  }
0xf0: {  	[tilespmem:s17], [sflag:$0x4] =	stream.indirect_vreg.gather [hbm4b:s1+s3], $0x80, v3, vm0, $0xb8;
	[tilespmem:$0x1D000] =	vst v63  }
0xf1: {  	v3 =	vld [tilespmem:$0x1B0];
	_ =	sdelay $0x4  }
0xf2: {  	v42 =	vshll.u32 v3, $0x1  }
0xf3: {  	v3 =	vand.u32 $0x7, v3;
	v4 =	vand.u32 $0xFFFFFFF0, v42  }
0xf4: {  	v3 =	vor.u32 v3, v4  }
0xf5: {  	v4 =	vperm.xlane v3, v0;
	_ =	sdelay $0x1  }
0xf6: {  	v3 =	vperm.xlane v3, v2;
	v4 =	vadd.s32 v1, v4;
	_ =	sdelay $0x1  }
0xf7: {  	v3 =	vadd.s32 v1, v3;
	_ =	sdelay $0x1  }
0xf8: {  	s8 =	simm.s32 $0x16000  }
0xf9: {  	[tilespmem:s8], [sflag:$0x4] =	stream.indirect_vreg.gather [hbm4b:s1+s3], $0x80, v4, vm0, $0xb8;
	[tilespmem:$0x1D000] =	vst v63  }
0xfa: {  	s8 =	simm.s32 $0x16800  }
0xfb: {  	[tilespmem:s8], [sflag:$0x4] =	stream.indirect_vreg.gather [hbm4b:s1+s3], $0x80, v3, vm0, $0xb8;
	[tilespmem:$0x1D000] =	vst v63  }
0xfc: {  	v3 =	vld [tilespmem:$0x1C0];
	_ =	sdelay $0x4  }
0xfd: {  	v43 =	vshll.u32 v3, $0x1  }
0xfe: {  	v3 =	vand.u32 $0x7, v3;
	v4 =	vand.u32 $0xFFFFFFF0, v43  }
0xff: {  	v3 =	vor.u32 v3, v4  }
0x100: {  	v4 =	vperm.xlane v3, v0;
	_ =	sdelay $0x1  }
0x101: {  	v3 =	vperm.xlane v3, v2;
	v4 =	vadd.s32 v1, v4;
	_ =	sdelay $0x1  }
0x102: {  	v3 =	vadd.s32 v1, v3;
	_ =	sdelay $0x1  }
0x103: {  	s8 =	simm.s32 $0x17000  }
0x104: {  	[tilespmem:s8], [sflag:$0x4] =	stream.indirect_vreg.gather [hbm4b:s1+s3], $0x80, v4, vm0, $0xb8;
	[tilespmem:$0x1D000] =	vst v63  }
0x105: {  	s8 =	simm.s32 $0x17800  }
0x106: {  	[tilespmem:s8], [sflag:$0x4] =	stream.indirect_vreg.gather [hbm4b:s1+s3], $0x80, v3, vm0, $0xb8;
	[tilespmem:$0x1D000] =	vst v63  }
0x107: {  	s8 =	simm.s32 $0x2  }
0x108: {  	_ =	swait.ge [sflag:s8], $0x5000  }
0x109: {  	[sflag:s8] =	ssyncset.done $0x0  }
0x10a: {  	s6 =	simm.s32 $0x9000;
	[sflag:s8] =	ssyncadd.s32 $0xFFFFB000;
	s8 =	rddreg [dreg:$0x8]  }
0x10b: {  	[hbm4b:s8+s31] =	stream.strided.scatter [tilespmem:s6], [sflag:$0x7], $0x2800, s2, s31, $0x38;
	[tilespmem:$0x1D000] =	vst v63  }
0x10c: {  	s7 =	simm.s32 $0xB800;
	s8 =	rddreg [dreg:$0x9]  }
0x10d: {  	[hbm4b:s8+s31] =	stream.strided.scatter [tilespmem:s7], [sflag:$0xC], $0x2800, s2, s31, $0x38;
	[tilespmem:$0x1D000] =	vst v63  }
0x10e: {  	v3 =	vld [tilespmem:$0x200];
	_ =	sdelay $0x4  }
0x10f: {  	v44 =	vshll.u32 v3, $0x1  }
0x110: {  	v3 =	vand.u32 $0x7, v3;
	v4 =	vand.u32 $0xFFFFFFF0, v44  }
0x111: {  	v3 =	vor.u32 v3, v4  }
0x112: {  	v4 =	vperm.xlane v3, v0;
	_ =	sdelay $0x1  }
0x113: {  	v3 =	vperm.xlane v3, v2;
	v4 =	vadd.s32 v1, v4;
	_ =	sdelay $0x1  }
0x114: {  	v3 =	vadd.s32 v1, v3;
	_ =	sdelay $0x1  }
0x115: {  	s7 =	simm.s32 $0x18000  }
0x116: {  	[tilespmem:s7], [sflag:$0x5] =	stream.indirect_vreg.gather [hbm4b:s1+s3], $0x80, v4, vm0, $0xb8;
	[tilespmem:$0x1D000] =	vst v63  }
0x117: {  	s6 =	simm.s32 $0x18800  }
0x118: {  	[tilespmem:s6], [sflag:$0x5] =	stream.indirect_vreg.gather [hbm4b:s1+s3], $0x80, v3, vm0, $0xb8;
	[tilespmem:$0x1D000] =	vst v63  }
0x119: {  	v3 =	vld [tilespmem:$0x210];
	_ =	sdelay $0x4  }
0x11a: {  	v45 =	vshll.u32 v3, $0x1  }
0x11b: {  	v3 =	vand.u32 $0x7, v3;
	v4 =	vand.u32 $0xFFFFFFF0, v45  }
0x11c: {  	v3 =	vor.u32 v3, v4  }
0x11d: {  	v4 =	vperm.xlane v3, v0;
	_ =	sdelay $0x1  }
0x11e: {  	v3 =	vperm.xlane v3, v2;
	v4 =	vadd.s32 v1, v4;
	_ =	sdelay $0x1  }
0x11f: {  	v3 =	vadd.s32 v1, v3;
	_ =	sdelay $0x1  }
0x120: {  	s8 =	simm.s32 $0x19000  }
0x121: {  	[tilespmem:s8], [sflag:$0x5] =	stream.indirect_vreg.gather [hbm4b:s1+s3], $0x80, v4, vm0, $0xb8;
	[tilespmem:$0x1D000] =	vst v63  }
0x122: {  	s6 =	simm.s32 $0x19800  }
0x123: {  	[tilespmem:s6], [sflag:$0x5] =	stream.indirect_vreg.gather [hbm4b:s1+s3], $0x80, v3, vm0, $0xb8;
	[tilespmem:$0x1D000] =	vst v63  }
0x124: {  	v3 =	vld [tilespmem:$0x220];
	_ =	sdelay $0x4  }
0x125: {  	v46 =	vshll.u32 v3, $0x1  }
0x126: {  	v3 =	vand.u32 $0x7, v3;
	v4 =	vand.u32 $0xFFFFFFF0, v46  }
0x127: {  	v3 =	vor.u32 v3, v4  }
0x128: {  	v4 =	vperm.xlane v3, v0;
	_ =	sdelay $0x1  }
0x129: {  	v3 =	vperm.xlane v3, v2;
	v4 =	vadd.s32 v1, v4;
	_ =	sdelay $0x1  }
0x12a: {  	v3 =	vadd.s32 v1, v3;
	_ =	sdelay $0x1  }
0x12b: {  	s8 =	simm.s32 $0x1A000  }
0x12c: {  	[tilespmem:s8], [sflag:$0x5] =	stream.indirect_vreg.gather [hbm4b:s1+s3], $0x80, v4, vm0, $0xb8;
	[tilespmem:$0x1D000] =	vst v63  }
0x12d: {  	s8 =	simm.s32 $0x1A800  }
0x12e: {  	[tilespmem:s8], [sflag:$0x5] =	stream.indirect_vreg.gather [hbm4b:s1+s3], $0x80, v3, vm0, $0xb8;
	[tilespmem:$0x1D000] =	vst v63  }
0x12f: {  	v3 =	vld [tilespmem:$0x230];
	_ =	sdelay $0x4  }
0x130: {  	v47 =	vshll.u32 v3, $0x1  }
0x131: {  	v3 =	vand.u32 $0x7, v3;
	v4 =	vand.u32 $0xFFFFFFF0, v47  }
0x132: {  	v3 =	vor.u32 v3, v4  }
0x133: {  	v4 =	vperm.xlane v3, v0;
	_ =	sdelay $0x1  }
0x134: {  	v3 =	vperm.xlane v3, v2;
	v4 =	vadd.s32 v1, v4;
	_ =	sdelay $0x1  }
0x135: {  	v3 =	vadd.s32 v1, v3;
	_ =	sdelay $0x1  }
0x136: {  	s6 =	simm.s32 $0x1B000  }
0x137: {  	[tilespmem:s6], [sflag:$0x5] =	stream.indirect_vreg.gather [hbm4b:s1+s3], $0x80, v4, vm0, $0xb8;
	[tilespmem:$0x1D000] =	vst v63  }
0x138: {  	s6 =	simm.s32 $0x1B800  }
0x139: {  	[tilespmem:s6], [sflag:$0x5] =	stream.indirect_vreg.gather [hbm4b:s1+s3], $0x80, v3, vm0, $0xb8;
	[tilespmem:$0x1D000] =	vst v63  }
0x13a: {  	v3 =	vld [tilespmem:$0x240];
	_ =	sdelay $0x4  }
0x13b: {  	v48 =	vshll.u32 v3, $0x1  }
0x13c: {  	v3 =	vand.u32 $0x7, v3;
	v4 =	vand.u32 $0xFFFFFFF0, v48  }
0x13d: {  	v3 =	vor.u32 v3, v4  }
0x13e: {  	v4 =	vperm.xlane v3, v0;
	_ =	sdelay $0x1  }
0x13f: {  	v3 =	vperm.xlane v3, v2;
	v4 =	vadd.s32 v1, v4;
	_ =	sdelay $0x1  }
0x140: {  	v3 =	vadd.s32 v1, v3;
	_ =	sdelay $0x1  }
0x141: {  	s6 =	simm.s32 $0x1C000  }
0x142: {  	[tilespmem:s6], [sflag:$0x5] =	stream.indirect_vreg.gather [hbm4b:s1+s3], $0x80, v4, vm0, $0xb8;
	[tilespmem:$0x1D000] =	vst v63  }
0x143: {  	s6 =	simm.s32 $0x1C800  }
0x144: {  	[tilespmem:s6], [sflag:$0x5] =	stream.indirect_vreg.gather [hbm4b:s1+s3], $0x80, v3, vm0, $0xb8;
	[tilespmem:$0x1D000] =	vst v63  }
0x145: {  	s6 =	simm.s32 $0x3  }
0x146: {  	_ =	swait.ge [sflag:s6], $0x5000  }
0x147: {  	[sflag:s6] =	ssyncset.done $0x0  }
0x148: {  	s0 =	rddreg [dreg:$0xa];
	[sflag:s6] =	ssyncadd.s32 $0xFFFFB000;
	s6 =	simm.s32 $0xE000  }
0x149: {  	[hbm4b:s0+s31] =	stream.strided.scatter [tilespmem:s6], [sflag:$0x8], $0x2800, s2, s31, $0x38;
	[tilespmem:$0x1D000] =	vst v63  }
0x14a: {  	s0 =	rddreg [dreg:$0xb];
	s6 =	simm.s32 $0x10800  }
0x14b: {  	[hbm4b:s0+s31] =	stream.strided.scatter [tilespmem:s6], [sflag:$0xD], $0x2800, s2, s31, $0x38;
	[tilespmem:$0x1D000] =	vst v63  }
0x14c: {  	s0 =	simm.s32 $0x6  }
0x14d: {  	_ =	swait.ge [sflag:s0], $0x2800  }
0x14e: {  	[sflag:s0] =	ssyncset.done $0x0  }
0x14f: {  	[sflag:s0] =	ssyncadd.s32 $0xFFFFD800  }
0x150: {  	_ =	swait.ge [sflag:s10], $0x2800  }
0x151: {  	[sflag:s10] =	ssyncset.done $0x0  }
0x152: {  	[sflag:s10] =	ssyncadd.s32 $0xFFFFD800  }
0x153: {  	v3 =	vld [tilespmem:$0x280];
	_ =	sdelay $0x4  }
0x154: {  	v49 =	vshll.u32 v3, $0x1  }
0x155: {  	v3 =	vand.u32 $0x7, v3;
	v4 =	vand.u32 $0xFFFFFFF0, v49  }
0x156: {  	v3 =	vor.u32 v3, v4  }
0x157: {  	v4 =	vperm.xlane v3, v0;
	_ =	sdelay $0x1  }
0x158: {  	v3 =	vperm.xlane v3, v2;
	v4 =	vadd.s32 v1, v4;
	_ =	sdelay $0x1  }
0x159: {  	v3 =	vadd.s32 v1, v3;
	_ =	sdelay $0x1  }
0x15a: {  	s0 =	simm.s32 $0x4000  }
0x15b: {  	[tilespmem:s0], [sflag:$0x1] =	stream.indirect_vreg.gather [hbm4b:s1+s3], $0x80, v4, vm0, $0xb8;
	[tilespmem:$0x1D000] =	vst v63  }
0x15c: {  	_ = 	snop  }
0x15d: {  	[tilespmem:s14], [sflag:$0x1] =	stream.indirect_vreg.gather [hbm4b:s1+s3], $0x80, v3, vm0, $0xb8;
	[tilespmem:$0x1D000] =	vst v63  }
0x15e: {  	v3 =	vld [tilespmem:$0x290];
	_ =	sdelay $0x4  }
0x15f: {  	v50 =	vshll.u32 v3, $0x1  }
0x160: {  	v3 =	vand.u32 $0x7, v3;
	v4 =	vand.u32 $0xFFFFFFF0, v50  }
0x161: {  	v3 =	vor.u32 v3, v4  }
0x162: {  	v4 =	vperm.xlane v3, v0;
	_ =	sdelay $0x1  }
0x163: {  	v3 =	vperm.xlane v3, v2;
	v4 =	vadd.s32 v1, v4;
	_ =	sdelay $0x1  }
0x164: {  	v3 =	vadd.s32 v1, v3;
	_ =	sdelay $0x2  }
0x165: {  	[tilespmem:s9], [sflag:$0x1] =	stream.indirect_vreg.gather [hbm4b:s1+s3], $0x80, v4, vm0, $0xb8;
	[tilespmem:$0x1D000] =	vst v63  }
0x166: {  	_ = 	snop  }
0x167: {  	[tilespmem:s19], [sflag:$0x1] =	stream.indirect_vreg.gather [hbm4b:s1+s3], $0x80, v3, vm0, $0xb8;
	[tilespmem:$0x1D000] =	vst v63  }
0x168: {  	v3 =	vld [tilespmem:$0x2A0];
	_ =	sdelay $0x4  }
0x169: {  	v51 =	vshll.u32 v3, $0x1  }
0x16a: {  	v3 =	vand.u32 $0x7, v3;
	v4 =	vand.u32 $0xFFFFFFF0, v51  }
0x16b: {  	v3 =	vor.u32 v3, v4  }
0x16c: {  	v4 =	vperm.xlane v3, v0;
	_ =	sdelay $0x1  }
0x16d: {  	v3 =	vperm.xlane v3, v2;
	v4 =	vadd.s32 v1, v4;
	_ =	sdelay $0x1  }
0x16e: {  	v3 =	vadd.s32 v1, v3;
	_ =	sdelay $0x2  }
0x16f: {  	[tilespmem:s24], [sflag:$0x1] =	stream.indirect_vreg.gather [hbm4b:s1+s3], $0x80, v4, vm0, $0xb8;
	[tilespmem:$0x1D000] =	vst v63  }
0x170: {  	_ = 	snop  }
0x171: {  	[tilespmem:s29], [sflag:$0x1] =	stream.indirect_vreg.gather [hbm4b:s1+s3], $0x80, v3, vm0, $0xb8;
	[tilespmem:$0x1D000] =	vst v63  }
0x172: {  	v3 =	vld [tilespmem:$0x2B0];
	_ =	sdelay $0x4  }
0x173: {  	v52 =	vshll.u32 v3, $0x1  }
0x174: {  	v3 =	vand.u32 $0x7, v3;
	v4 =	vand.u32 $0xFFFFFFF0, v52  }
0x175: {  	v3 =	vor.u32 v3, v4  }
0x176: {  	v4 =	vperm.xlane v3, v0;
	_ =	sdelay $0x1  }
0x177: {  	v3 =	vperm.xlane v3, v2;
	v4 =	vadd.s32 v1, v4;
	_ =	sdelay $0x1  }
0x178: {  	v3 =	vadd.s32 v1, v3;
	_ =	sdelay $0x2  }
0x179: {  	[tilespmem:s11], [sflag:$0x1] =	stream.indirect_vreg.gather [hbm4b:s1+s3], $0x80, v4, vm0, $0xb8;
	[tilespmem:$0x1D000] =	vst v63  }
0x17a: {  	_ = 	snop  }
0x17b: {  	[tilespmem:s18], [sflag:$0x1] =	stream.indirect_vreg.gather [hbm4b:s1+s3], $0x80, v3, vm0, $0xb8;
	[tilespmem:$0x1D000] =	vst v63  }
0x17c: {  	v3 =	vld [tilespmem:$0x2C0];
	_ =	sdelay $0x4  }
0x17d: {  	v53 =	vshll.u32 v3, $0x1  }
0x17e: {  	v3 =	vand.u32 $0x7, v3;
	v4 =	vand.u32 $0xFFFFFFF0, v53  }
0x17f: {  	v3 =	vor.u32 v3, v4  }
0x180: {  	v4 =	vperm.xlane v3, v0;
	_ =	sdelay $0x1  }
0x181: {  	v3 =	vperm.xlane v3, v2;
	v4 =	vadd.s32 v1, v4;
	_ =	sdelay $0x1  }
0x182: {  	v3 =	vadd.s32 v1, v3;
	_ =	sdelay $0x2  }
0x183: {  	[tilespmem:s25], [sflag:$0x1] =	stream.indirect_vreg.gather [hbm4b:s1+s3], $0x80, v4, vm0, $0xb8;
	[tilespmem:$0x1D000] =	vst v63  }
0x184: {  	_ = 	snop  }
0x185: {  	[tilespmem:s28], [sflag:$0x1] =	stream.indirect_vreg.gather [hbm4b:s1+s3], $0x80, v3, vm0, $0xb8;
	[tilespmem:$0x1D000] =	vst v63  }
0x186: {  	_ =	swait.ge [sflag:s12], $0x5000  }
0x187: {  	[sflag:s12] =	ssyncset.done $0x0  }
0x188: {  	s28 =	rddreg [dreg:$0xc];
	[sflag:s12] =	ssyncadd.s32 $0xFFFFB000  }
0x189: {  	[hbm4b:s28+s31] =	stream.strided.scatter [tilespmem:s5], [sflag:$0x9], $0x2800, s2, s31, $0x38;
	[tilespmem:$0x1D000] =	vst v63  }
0x18a: {  	s5 =	rddreg [dreg:$0xd]  }
0x18b: {  	[hbm4b:s5+s31] =	stream.strided.scatter [tilespmem:s17], [sflag:$0xE], $0x2800, s2, s31, $0x38;
	[tilespmem:$0x1D000] =	vst v63  }
0x18c: {  	_ =	swait.ge [sflag:s13], $0x2800  }
0x18d: {  	[sflag:s13] =	ssyncset.done $0x0  }
0x18e: {  	[sflag:s13] =	ssyncadd.s32 $0xFFFFD800  }
0x18f: {  	_ =	swait.ge [sflag:s15], $0x2800  }
0x190: {  	[sflag:s15] =	ssyncset.done $0x0  }
0x191: {  	[sflag:s15] =	ssyncadd.s32 $0xFFFFD800  }
0x192: {  	v3 =	vld [tilespmem:$0x300];
	_ =	sdelay $0x4  }
0x193: {  	v54 =	vshll.u32 v3, $0x1  }
0x194: {  	v3 =	vand.u32 $0x7, v3;
	v4 =	vand.u32 $0xFFFFFFF0, v54  }
0x195: {  	v3 =	vor.u32 v3, v4  }
0x196: {  	v4 =	vperm.xlane v3, v0;
	_ =	sdelay $0x1  }
0x197: {  	v3 =	vperm.xlane v3, v2;
	v4 =	vadd.s32 v1, v4;
	_ =	sdelay $0x1  }
0x198: {  	v3 =	vadd.s32 v1, v3;
	_ =	sdelay $0x1  }
0x199: {  	s9 =	simm.s32 $0x9000  }
0x19a: {  	[tilespmem:s9], [sflag:$0x2] =	stream.indirect_vreg.gather [hbm4b:s1+s3], $0x80, v4, vm0, $0xb8;
	[tilespmem:$0x1D000] =	vst v63  }
0x19b: {  	s11 =	simm.s32 $0x9800  }
0x19c: {  	[tilespmem:s11], [sflag:$0x2] =	stream.indirect_vreg.gather [hbm4b:s1+s3], $0x80, v3, vm0, $0xb8;
	[tilespmem:$0x1D000] =	vst v63  }
0x19d: {  	v3 =	vld [tilespmem:$0x310];
	_ =	sdelay $0x4  }
0x19e: {  	v55 =	vshll.u32 v3, $0x1  }
0x19f: {  	v3 =	vand.u32 $0x7, v3;
	v4 =	vand.u32 $0xFFFFFFF0, v55  }
0x1a0: {  	v3 =	vor.u32 v3, v4  }
0x1a1: {  	v4 =	vperm.xlane v3, v0;
	_ =	sdelay $0x1  }
0x1a2: {  	v3 =	vperm.xlane v3, v2;
	v4 =	vadd.s32 v1, v4;
	_ =	sdelay $0x1  }
0x1a3: {  	v3 =	vadd.s32 v1, v3;
	_ =	sdelay $0x1  }
0x1a4: {  	s14 =	simm.s32 $0xA000  }
0x1a5: {  	[tilespmem:s14], [sflag:$0x2] =	stream.indirect_vreg.gather [hbm4b:s1+s3], $0x80, v4, vm0, $0xb8;
	[tilespmem:$0x1D000] =	vst v63  }
0x1a6: {  	s17 =	simm.s32 $0xA800  }
0x1a7: {  	[tilespmem:s17], [sflag:$0x2] =	stream.indirect_vreg.gather [hbm4b:s1+s3], $0x80, v3, vm0, $0xb8;
	[tilespmem:$0x1D000] =	vst v63  }
0x1a8: {  	v3 =	vld [tilespmem:$0x320];
	_ =	sdelay $0x4  }
0x1a9: {  	v56 =	vshll.u32 v3, $0x1  }
0x1aa: {  	v3 =	vand.u32 $0x7, v3;
	v4 =	vand.u32 $0xFFFFFFF0, v56  }
0x1ab: {  	v3 =	vor.u32 v3, v4  }
0x1ac: {  	v4 =	vperm.xlane v3, v0;
	_ =	sdelay $0x1  }
0x1ad: {  	v3 =	vperm.xlane v3, v2;
	v4 =	vadd.s32 v1, v4;
	_ =	sdelay $0x1  }
0x1ae: {  	v3 =	vadd.s32 v1, v3;
	_ =	sdelay $0x1  }
0x1af: {  	s18 =	simm.s32 $0xB000  }
0x1b0: {  	[tilespmem:s18], [sflag:$0x2] =	stream.indirect_vreg.gather [hbm4b:s1+s3], $0x80, v4, vm0, $0xb8;
	[tilespmem:$0x1D000] =	vst v63  }
0x1b1: {  	s19 =	simm.s32 $0xB800  }
0x1b2: {  	[tilespmem:s19], [sflag:$0x2] =	stream.indirect_vreg.gather [hbm4b:s1+s3], $0x80, v3, vm0, $0xb8;
	[tilespmem:$0x1D000] =	vst v63  }
0x1b3: {  	v3 =	vld [tilespmem:$0x330];
	_ =	sdelay $0x4  }
0x1b4: {  	v57 =	vshll.u32 v3, $0x1  }
0x1b5: {  	v3 =	vand.u32 $0x7, v3;
	v4 =	vand.u32 $0xFFFFFFF0, v57  }
0x1b6: {  	v3 =	vor.u32 v3, v4  }
0x1b7: {  	v4 =	vperm.xlane v3, v0;
	_ =	sdelay $0x1  }
0x1b8: {  	v3 =	vperm.xlane v3, v2;
	v4 =	vadd.s32 v1, v4;
	_ =	sdelay $0x1  }
0x1b9: {  	v3 =	vadd.s32 v1, v3;
	_ =	sdelay $0x1  }
0x1ba: {  	s24 =	simm.s32 $0xC000  }
0x1bb: {  	[tilespmem:s24], [sflag:$0x2] =	stream.indirect_vreg.gather [hbm4b:s1+s3], $0x80, v4, vm0, $0xb8;
	[tilespmem:$0x1D000] =	vst v63  }
0x1bc: {  	s25 =	simm.s32 $0xC800  }
0x1bd: {  	[tilespmem:s25], [sflag:$0x2] =	stream.indirect_vreg.gather [hbm4b:s1+s3], $0x80, v3, vm0, $0xb8;
	[tilespmem:$0x1D000] =	vst v63  }
0x1be: {  	v3 =	vld [tilespmem:$0x340];
	_ =	sdelay $0x4  }
0x1bf: {  	v58 =	vshll.u32 v3, $0x1  }
0x1c0: {  	v3 =	vand.u32 $0x7, v3;
	v4 =	vand.u32 $0xFFFFFFF0, v58  }
0x1c1: {  	v3 =	vor.u32 v3, v4  }
0x1c2: {  	v4 =	vperm.xlane v3, v0;
	_ =	sdelay $0x1  }
0x1c3: {  	v3 =	vperm.xlane v3, v2;
	v4 =	vadd.s32 v1, v4;
	_ =	sdelay $0x1  }
0x1c4: {  	v3 =	vadd.s32 v1, v3;
	_ =	sdelay $0x1  }
0x1c5: {  	s28 =	simm.s32 $0xD000  }
0x1c6: {  	[tilespmem:s28], [sflag:$0x2] =	stream.indirect_vreg.gather [hbm4b:s1+s3], $0x80, v4, vm0, $0xb8;
	[tilespmem:$0x1D000] =	vst v63  }
0x1c7: {  	s5 =	simm.s32 $0xD800  }
0x1c8: {  	[tilespmem:s5], [sflag:$0x2] =	stream.indirect_vreg.gather [hbm4b:s1+s3], $0x80, v3, vm0, $0xb8;
	[tilespmem:$0x1D000] =	vst v63  }
0x1c9: {  	_ =	swait.ge [sflag:s16], $0x5000  }
0x1ca: {  	[sflag:s16] =	ssyncset.done $0x0  }
0x1cb: {  	s9 =	rddreg [dreg:$0xe];
	[sflag:s16] =	ssyncadd.s32 $0xFFFFB000  }
0x1cc: {  	[hbm4b:s9+s31] =	stream.strided.scatter [tilespmem:s7], [sflag:$0xA], $0x2800, s2, s31, $0x38;
	[tilespmem:$0x1D000] =	vst v63  }
0x1cd: {  	s11 =	rddreg [dreg:$0xf]  }
0x1ce: {  	[hbm4b:s11+s31] =	stream.strided.scatter [tilespmem:s8], [sflag:$0xF], $0x2800, s2, s31, $0x38;
	[tilespmem:$0x1D000] =	vst v63  }
0x1cf: {  	_ =	swait.ge [sflag:s20], $0x2800  }
0x1d0: {  	[sflag:s20] =	ssyncset.done $0x0  }
0x1d1: {  	[sflag:s20] =	ssyncadd.s32 $0xFFFFD800  }
0x1d2: {  	_ =	swait.ge [sflag:s21], $0x2800  }
0x1d3: {  	[sflag:s21] =	ssyncset.done $0x0  }
0x1d4: {  	[sflag:s21] =	ssyncadd.s32 $0xFFFFD800  }
0x1d5: {  	v3 =	vld [tilespmem:$0x380];
	_ =	sdelay $0x4  }
0x1d6: {  	v59 =	vshll.u32 v3, $0x1  }
0x1d7: {  	v3 =	vand.u32 $0x7, v3;
	v4 =	vand.u32 $0xFFFFFFF0, v59  }
0x1d8: {  	v3 =	vor.u32 v3, v4  }
0x1d9: {  	v4 =	vperm.xlane v3, v0;
	_ =	sdelay $0x1  }
0x1da: {  	v3 =	vperm.xlane v3, v2;
	v4 =	vadd.s32 v1, v4;
	_ =	sdelay $0x1  }
0x1db: {  	v3 =	vadd.s32 v1, v3;
	_ =	sdelay $0x1  }
0x1dc: {  	s14 =	simm.s32 $0xE000  }
0x1dd: {  	[tilespmem:s14], [sflag:$0x3] =	stream.indirect_vreg.gather [hbm4b:s1+s3], $0x80, v4, vm0, $0xb8;
	[tilespmem:$0x1D000] =	vst v63  }
0x1de: {  	s17 =	simm.s32 $0xE800  }
0x1df: {  	[tilespmem:s17], [sflag:$0x3] =	stream.indirect_vreg.gather [hbm4b:s1+s3], $0x80, v3, vm0, $0xb8;
	[tilespmem:$0x1D000] =	vst v63  }
0x1e0: {  	v3 =	vld [tilespmem:$0x390];
	_ =	sdelay $0x4  }
0x1e1: {  	v60 =	vshll.u32 v3, $0x1  }
0x1e2: {  	v3 =	vand.u32 $0x7, v3;
	v4 =	vand.u32 $0xFFFFFFF0, v60  }
0x1e3: {  	v3 =	vor.u32 v3, v4  }
0x1e4: {  	v4 =	vperm.xlane v3, v0;
	_ =	sdelay $0x1  }
0x1e5: {  	v3 =	vperm.xlane v3, v2;
	v4 =	vadd.s32 v1, v4;
	_ =	sdelay $0x1  }
0x1e6: {  	v3 =	vadd.s32 v1, v3;
	_ =	sdelay $0x1  }
0x1e7: {  	s18 =	simm.s32 $0xF000  }
0x1e8: {  	[tilespmem:s18], [sflag:$0x3] =	stream.indirect_vreg.gather [hbm4b:s1+s3], $0x80, v4, vm0, $0xb8;
	[tilespmem:$0x1D000] =	vst v63  }
0x1e9: {  	s19 =	simm.s32 $0xF800  }
0x1ea: {  	[tilespmem:s19], [sflag:$0x3] =	stream.indirect_vreg.gather [hbm4b:s1+s3], $0x80, v3, vm0, $0xb8;
	[tilespmem:$0x1D000] =	vst v63  }
0x1eb: {  	v3 =	vld [tilespmem:$0x3A0];
	_ =	sdelay $0x4  }
0x1ec: {  	v61 =	vshll.u32 v3, $0x1  }
0x1ed: {  	v3 =	vand.u32 $0x7, v3;
	v4 =	vand.u32 $0xFFFFFFF0, v61  }
0x1ee: {  	v3 =	vor.u32 v3, v4  }
0x1ef: {  	v4 =	vperm.xlane v3, v0;
	_ =	sdelay $0x1  }
0x1f0: {  	v3 =	vperm.xlane v3, v2;
	v4 =	vadd.s32 v1, v4;
	_ =	sdelay $0x1  }
0x1f1: {  	v3 =	vadd.s32 v1, v3;
	_ =	sdelay $0x1  }
0x1f2: {  	s24 =	simm.s32 $0x10000  }
0x1f3: {  	[tilespmem:s24], [sflag:$0x3] =	stream.indirect_vreg.gather [hbm4b:s1+s3], $0x80, v4, vm0, $0xb8;
	[tilespmem:$0x1D000] =	vst v63  }
0x1f4: {  	_ = 	snop  }
0x1f5: {  	[tilespmem:s6], [sflag:$0x3] =	stream.indirect_vreg.gather [hbm4b:s1+s3], $0x80, v3, vm0, $0xb8;
	[tilespmem:$0x1D000] =	vst v63  }
0x1f6: {  	v3 =	vld [tilespmem:$0x3B0];
	_ =	sdelay $0x4  }
0x1f7: {  	v62 =	vshll.u32 v3, $0x1  }
0x1f8: {  	v3 =	vand.u32 $0x7, v3;
	v4 =	vand.u32 $0xFFFFFFF0, v62  }
0x1f9: {  	v3 =	vor.u32 v3, v4  }
0x1fa: {  	v4 =	vperm.xlane v3, v0;
	_ =	sdelay $0x1  }
0x1fb: {  	v3 =	vperm.xlane v3, v2;
	v4 =	vadd.s32 v1, v4;
	_ =	sdelay $0x1  }
0x1fc: {  	v3 =	vadd.s32 v1, v3;
	_ =	sdelay $0x2  }
0x1fd: {  	[tilespmem:s30], [sflag:$0x3] =	stream.indirect_vreg.gather [hbm4b:s1+s3], $0x80, v4, vm0, $0xb8;
	[tilespmem:$0x1D000] =	vst v63  }
0x1fe: {  	s25 =	simm.s32 $0x11800  }
0x1ff: {  	[tilespmem:s25], [sflag:$0x3] =	stream.indirect_vreg.gather [hbm4b:s1+s3], $0x80, v3, vm0, $0xb8;
	[tilespmem:$0x1D000] =	vst v63  }
0x200: {  	v3 =	vld [tilespmem:$0x3C0];
	_ =	sdelay $0x4  }
0x201: {  	v63 =	vshll.u32 v3, $0x1  }
0x202: {  	v3 =	vand.u32 $0x7, v3;
	v4 =	vand.u32 $0xFFFFFFF0, v63  }
0x203: {  	v3 =	vor.u32 v3, v4  }
0x204: {  	v4 =	vperm.xlane v3, v0;
	_ =	sdelay $0x1  }
0x205: {  	v3 =	vperm.xlane v3, v2;
	v4 =	vadd.s32 v1, v4;
	_ =	sdelay $0x1  }
0x206: {  	v3 =	vadd.s32 v1, v3;
	_ =	sdelay $0x1  }
0x207: {  	s28 =	simm.s32 $0x12000  }
0x208: {  	[tilespmem:s28], [sflag:$0x3] =	stream.indirect_vreg.gather [hbm4b:s1+s3], $0x80, v4, vm0, $0xb8;
	[tilespmem:$0x1D000] =	vst v63  }
0x209: {  	s29 =	simm.s32 $0x640;
	s6 =	simm.s32 $0x0;
	s30 =	simm.s32 $0x12800  }
0x20a: {  	[tilespmem:s30], [sflag:$0x3] =	stream.indirect_vreg.gather [hbm4b:s1+s3], $0x80, v3, vm0, $0xb8;
	[tilespmem:$0x1D000] =	vst v63  }
.LBB2_2:
0x20b: {  	s0 =	simm.s32 $0x1  }
0x20c: {  	_ =	swait.ge [sflag:s0], $0x5000  }
0x20d: {  	s28 =	rddreg [dreg:$0x4]  }
0x20e: {  	[sflag:s0] =	ssyncset.done $0x0;
	s28 =	sadd.s32 s6, s28  }
0x20f: {  	s14 =	simm.s32 $0x4000;
	[sflag:s0] =	ssyncadd.s32 $0xFFFFB000;
	s25 =	sadd.s32 $0x3200, s28  }
0x210: {  	[hbm4b:s25+s31] =	stream.strided.scatter [tilespmem:s14], [sflag:$0x6], $0x2800, s2, s31, $0x38;
	[tilespmem:$0x1D000] =	vst v63  }
0x211: {  	s11 =	simm.s32 $0x6800;
	s5 =	sadd.s32 $0x3300, s28  }
0x212: {  	[hbm4b:s5+s31] =	stream.strided.scatter [tilespmem:s11], [sflag:$0xB], $0x2800, s2, s31, $0x38;
	[tilespmem:$0x1D000] =	vst v63  }
0x213: {  	_ =	swait.ge [sflag:s22], $0x2800  }
0x214: {  	[sflag:s22] =	ssyncset.done $0x0  }
0x215: {  	[sflag:s22] =	ssyncadd.s32 $0xFFFFD800  }
0x216: {  	_ =	swait.ge [sflag:s23], $0x2800  }
0x217: {  	[sflag:s23] =	ssyncset.done $0x0  }
0x218: {  	[sflag:s23] =	ssyncadd.s32 $0xFFFFD800  }
0x219: {  	v3 =	vld [tilespmem:s29+$0xFFFFFDC0];
	_ =	sdelay $0x4  }
0x21a: {  	v4 =	vshll.u32 v3, $0x1  }
0x21b: {  	v3 =	vand.u32 $0x7, v3;
	v4 =	vand.u32 $0xFFFFFFF0, v4  }
0x21c: {  	v3 =	vor.u32 v3, v4  }
0x21d: {  	v4 =	vperm.xlane v3, v0;
	_ =	sdelay $0x1  }
0x21e: {  	v3 =	vperm.xlane v3, v2;
	v4 =	vadd.s32 v1, v4;
	_ =	sdelay $0x1  }
0x21f: {  	v3 =	vadd.s32 v1, v3;
	_ =	sdelay $0x1  }
0x220: {  	s19 =	simm.s32 $0x13000  }
0x221: {  	[tilespmem:s19], [sflag:$0x4] =	stream.indirect_vreg.gather [hbm4b:s1+s3], $0x80, v4, vm0, $0xb8;
	[tilespmem:$0x1D000] =	vst v63  }
0x222: {  	s7 =	simm.s32 $0x13800  }
0x223: {  	[tilespmem:s7], [sflag:$0x4] =	stream.indirect_vreg.gather [hbm4b:s1+s3], $0x80, v3, vm0, $0xb8;
	[tilespmem:$0x1D000] =	vst v63  }
0x224: {  	v3 =	vld [tilespmem:s29+$0xFFFFFDD0];
	_ =	sdelay $0x4  }
0x225: {  	v40 =	vshll.u32 v3, $0x1  }
0x226: {  	v3 =	vand.u32 $0x7, v3;
	v4 =	vand.u32 $0xFFFFFFF0, v40  }
0x227: {  	v3 =	vor.u32 v3, v4  }
0x228: {  	v4 =	vperm.xlane v3, v0;
	_ =	sdelay $0x1  }
0x229: {  	v3 =	vperm.xlane v3, v2;
	v4 =	vadd.s32 v1, v4;
	_ =	sdelay $0x1  }
0x22a: {  	v3 =	vadd.s32 v1, v3;
	_ =	sdelay $0x1  }
0x22b: {  	s8 =	simm.s32 $0x14000  }
0x22c: {  	[tilespmem:s8], [sflag:$0x4] =	stream.indirect_vreg.gather [hbm4b:s1+s3], $0x80, v4, vm0, $0xb8;
	[tilespmem:$0x1D000] =	vst v63  }
0x22d: {  	s9 =	simm.s32 $0x14800  }
0x22e: {  	[tilespmem:s9], [sflag:$0x4] =	stream.indirect_vreg.gather [hbm4b:s1+s3], $0x80, v3, vm0, $0xb8;
	[tilespmem:$0x1D000] =	vst v63  }
0x22f: {  	v3 =	vld [tilespmem:s29+$0xFFFFFDE0];
	_ =	sdelay $0x4  }
0x230: {  	v41 =	vshll.u32 v3, $0x1  }
0x231: {  	v3 =	vand.u32 $0x7, v3;
	v4 =	vand.u32 $0xFFFFFFF0, v41  }
0x232: {  	v3 =	vor.u32 v3, v4  }
0x233: {  	v4 =	vperm.xlane v3, v0;
	_ =	sdelay $0x1  }
0x234: {  	v3 =	vperm.xlane v3, v2;
	v4 =	vadd.s32 v1, v4;
	_ =	sdelay $0x1  }
0x235: {  	v3 =	vadd.s32 v1, v3;
	_ =	sdelay $0x1  }
0x236: {  	s17 =	simm.s32 $0x15000  }
0x237: {  	[tilespmem:s17], [sflag:$0x4] =	stream.indirect_vreg.gather [hbm4b:s1+s3], $0x80, v4, vm0, $0xb8;
	[tilespmem:$0x1D000] =	vst v63  }
0x238: {  	s17 =	simm.s32 $0x15800  }
0x239: {  	[tilespmem:s17], [sflag:$0x4] =	stream.indirect_vreg.gather [hbm4b:s1+s3], $0x80, v3, vm0, $0xb8;
	[tilespmem:$0x1D000] =	vst v63  }
0x23a: {  	v3 =	vld [tilespmem:s29+$0xFFFFFDF0];
	_ =	sdelay $0x4  }
0x23b: {  	v42 =	vshll.u32 v3, $0x1  }
0x23c: {  	v3 =	vand.u32 $0x7, v3;
	v4 =	vand.u32 $0xFFFFFFF0, v42  }
0x23d: {  	v3 =	vor.u32 v3, v4  }
0x23e: {  	v4 =	vperm.xlane v3, v0;
	_ =	sdelay $0x1  }
0x23f: {  	v3 =	vperm.xlane v3, v2;
	v4 =	vadd.s32 v1, v4;
	_ =	sdelay $0x1  }
0x240: {  	v3 =	vadd.s32 v1, v3;
	_ =	sdelay $0x1  }
0x241: {  	s18 =	simm.s32 $0x16000  }
0x242: {  	[tilespmem:s18], [sflag:$0x4] =	stream.indirect_vreg.gather [hbm4b:s1+s3], $0x80, v4, vm0, $0xb8;
	[tilespmem:$0x1D000] =	vst v63  }
0x243: {  	s24 =	simm.s32 $0x16800  }
0x244: {  	[tilespmem:s24], [sflag:$0x4] =	stream.indirect_vreg.gather [hbm4b:s1+s3], $0x80, v3, vm0, $0xb8;
	[tilespmem:$0x1D000] =	vst v63  }
0x245: {  	v3 =	vld [tilespmem:s29+$0xFFFFFE00];
	_ =	sdelay $0x4  }
0x246: {  	v43 =	vshll.u32 v3, $0x1  }
0x247: {  	v3 =	vand.u32 $0x7, v3;
	v4 =	vand.u32 $0xFFFFFFF0, v43  }
0x248: {  	v3 =	vor.u32 v3, v4  }
0x249: {  	v4 =	vperm.xlane v3, v0;
	_ =	sdelay $0x1  }
0x24a: {  	v3 =	vperm.xlane v3, v2;
	v4 =	vadd.s32 v1, v4;
	_ =	sdelay $0x1  }
0x24b: {  	v3 =	vadd.s32 v1, v3;
	_ =	sdelay $0x1  }
0x24c: {  	s25 =	simm.s32 $0x17000  }
0x24d: {  	[tilespmem:s25], [sflag:$0x4] =	stream.indirect_vreg.gather [hbm4b:s1+s3], $0x80, v4, vm0, $0xb8;
	[tilespmem:$0x1D000] =	vst v63  }
0x24e: {  	s5 =	simm.s32 $0x17800;
	s7 =	simm.s32 $0x2  }
0x24f: {  	[tilespmem:s5], [sflag:$0x4] =	stream.indirect_vreg.gather [hbm4b:s1+s3], $0x80, v3, vm0, $0xb8;
	[tilespmem:$0x1D000] =	vst v63  }
0x250: {  	_ =	swait.ge [sflag:s7], $0x5000  }
0x251: {  	[sflag:s7] =	ssyncset.done $0x0  }
0x252: {  	s8 =	sadd.s32 $0x3C00, s28;
	s25 =	simm.s32 $0x9000;
	[sflag:s7] =	ssyncadd.s32 $0xFFFFB000  }
0x253: {  	[hbm4b:s8+s31] =	stream.strided.scatter [tilespmem:s25], [sflag:$0x7], $0x2800, s2, s31, $0x38;
	[tilespmem:$0x1D000] =	vst v63  }
0x254: {  	s9 =	sadd.s32 $0x3D00, s28;
	s24 =	simm.s32 $0xB800  }
0x255: {  	[hbm4b:s9+s31] =	stream.strided.scatter [tilespmem:s24], [sflag:$0xC], $0x2800, s2, s31, $0x38;
	[tilespmem:$0x1D000] =	vst v63  }
0x256: {  	_ =	swait.ge [sflag:s26], $0x2800  }
0x257: {  	[sflag:s26] =	ssyncset.done $0x0  }
0x258: {  	[sflag:s26] =	ssyncadd.s32 $0xFFFFD800  }
0x259: {  	_ =	swait.ge [sflag:s4], $0x2800  }
0x25a: {  	[sflag:s4] =	ssyncset.done $0x0  }
0x25b: {  	[sflag:s4] =	ssyncadd.s32 $0xFFFFD800  }
0x25c: {  	v3 =	vld [tilespmem:s29+$0xFFFFFE40];
	_ =	sdelay $0x4  }
0x25d: {  	v44 =	vshll.u32 v3, $0x1  }
0x25e: {  	v3 =	vand.u32 $0x7, v3;
	v4 =	vand.u32 $0xFFFFFFF0, v44  }
0x25f: {  	v3 =	vor.u32 v3, v4  }
0x260: {  	v4 =	vperm.xlane v3, v0;
	_ =	sdelay $0x1  }
0x261: {  	v3 =	vperm.xlane v3, v2;
	v4 =	vadd.s32 v1, v4;
	_ =	sdelay $0x1  }
0x262: {  	v3 =	vadd.s32 v1, v3;
	_ =	sdelay $0x1  }
0x263: {  	s7 =	simm.s32 $0x18000  }
0x264: {  	[tilespmem:s7], [sflag:$0x5] =	stream.indirect_vreg.gather [hbm4b:s1+s3], $0x80, v4, vm0, $0xb8;
	[tilespmem:$0x1D000] =	vst v63  }
0x265: {  	s18 =	simm.s32 $0x18800  }
0x266: {  	[tilespmem:s18], [sflag:$0x5] =	stream.indirect_vreg.gather [hbm4b:s1+s3], $0x80, v3, vm0, $0xb8;
	[tilespmem:$0x1D000] =	vst v63  }
0x267: {  	v3 =	vld [tilespmem:s29+$0xFFFFFE50];
	_ =	sdelay $0x4  }
0x268: {  	v45 =	vshll.u32 v3, $0x1  }
0x269: {  	v3 =	vand.u32 $0x7, v3;
	v4 =	vand.u32 $0xFFFFFFF0, v45  }
0x26a: {  	v3 =	vor.u32 v3, v4  }
0x26b: {  	v4 =	vperm.xlane v3, v0;
	_ =	sdelay $0x1  }
0x26c: {  	v3 =	vperm.xlane v3, v2;
	v4 =	vadd.s32 v1, v4;
	_ =	sdelay $0x1  }
0x26d: {  	v3 =	vadd.s32 v1, v3;
	_ =	sdelay $0x1  }
0x26e: {  	s5 =	simm.s32 $0x19000  }
0x26f: {  	[tilespmem:s5], [sflag:$0x5] =	stream.indirect_vreg.gather [hbm4b:s1+s3], $0x80, v4, vm0, $0xb8;
	[tilespmem:$0x1D000] =	vst v63  }
0x270: {  	s8 =	simm.s32 $0x19800  }
0x271: {  	[tilespmem:s8], [sflag:$0x5] =	stream.indirect_vreg.gather [hbm4b:s1+s3], $0x80, v3, vm0, $0xb8;
	[tilespmem:$0x1D000] =	vst v63  }
0x272: {  	v3 =	vld [tilespmem:s29+$0xFFFFFE60];
	_ =	sdelay $0x4  }
0x273: {  	v46 =	vshll.u32 v3, $0x1  }
0x274: {  	v3 =	vand.u32 $0x7, v3;
	v4 =	vand.u32 $0xFFFFFFF0, v46  }
0x275: {  	v3 =	vor.u32 v3, v4  }
0x276: {  	v4 =	vperm.xlane v3, v0;
	_ =	sdelay $0x1  }
0x277: {  	v3 =	vperm.xlane v3, v2;
	v4 =	vadd.s32 v1, v4;
	_ =	sdelay $0x1  }
0x278: {  	v3 =	vadd.s32 v1, v3;
	_ =	sdelay $0x1  }
0x279: {  	s9 =	simm.s32 $0x1A000  }
0x27a: {  	[tilespmem:s9], [sflag:$0x5] =	stream.indirect_vreg.gather [hbm4b:s1+s3], $0x80, v4, vm0, $0xb8;
	[tilespmem:$0x1D000] =	vst v63  }
0x27b: {  	s8 =	simm.s32 $0x1A800  }
0x27c: {  	[tilespmem:s8], [sflag:$0x5] =	stream.indirect_vreg.gather [hbm4b:s1+s3], $0x80, v3, vm0, $0xb8;
	[tilespmem:$0x1D000] =	vst v63  }
0x27d: {  	v3 =	vld [tilespmem:s29+$0xFFFFFE70];
	_ =	sdelay $0x4  }
0x27e: {  	v47 =	vshll.u32 v3, $0x1  }
0x27f: {  	v3 =	vand.u32 $0x7, v3;
	v4 =	vand.u32 $0xFFFFFFF0, v47  }
0x280: {  	v3 =	vor.u32 v3, v4  }
0x281: {  	v4 =	vperm.xlane v3, v0;
	_ =	sdelay $0x1  }
0x282: {  	v3 =	vperm.xlane v3, v2;
	v4 =	vadd.s32 v1, v4;
	_ =	sdelay $0x1  }
0x283: {  	v3 =	vadd.s32 v1, v3;
	_ =	sdelay $0x1  }
0x284: {  	s18 =	simm.s32 $0x1B000  }
0x285: {  	[tilespmem:s18], [sflag:$0x5] =	stream.indirect_vreg.gather [hbm4b:s1+s3], $0x80, v4, vm0, $0xb8;
	[tilespmem:$0x1D000] =	vst v63  }
0x286: {  	s5 =	simm.s32 $0x1B800  }
0x287: {  	[tilespmem:s5], [sflag:$0x5] =	stream.indirect_vreg.gather [hbm4b:s1+s3], $0x80, v3, vm0, $0xb8;
	[tilespmem:$0x1D000] =	vst v63  }
0x288: {  	v3 =	vld [tilespmem:s29+$0xFFFFFE80];
	_ =	sdelay $0x4  }
0x289: {  	v48 =	vshll.u32 v3, $0x1  }
0x28a: {  	v3 =	vand.u32 $0x7, v3;
	v4 =	vand.u32 $0xFFFFFFF0, v48  }
0x28b: {  	v3 =	vor.u32 v3, v4  }
0x28c: {  	v4 =	vperm.xlane v3, v0;
	_ =	sdelay $0x1  }
0x28d: {  	v3 =	vperm.xlane v3, v2;
	v4 =	vadd.s32 v1, v4;
	_ =	sdelay $0x1  }
0x28e: {  	v3 =	vadd.s32 v1, v3;
	_ =	sdelay $0x1  }
0x28f: {  	s9 =	simm.s32 $0x1C000  }
0x290: {  	[tilespmem:s9], [sflag:$0x5] =	stream.indirect_vreg.gather [hbm4b:s1+s3], $0x80, v4, vm0, $0xb8;
	[tilespmem:$0x1D000] =	vst v63  }
0x291: {  	s18 =	simm.s32 $0x1C800;
	s5 =	simm.s32 $0x3  }
0x292: {  	[tilespmem:s18], [sflag:$0x5] =	stream.indirect_vreg.gather [hbm4b:s1+s3], $0x80, v3, vm0, $0xb8;
	[tilespmem:$0x1D000] =	vst v63  }
0x293: {  	_ =	swait.ge [sflag:s5], $0x5000  }
0x294: {  	[sflag:s5] =	ssyncset.done $0x0  }
0x295: {  	s9 =	sadd.s32 $0x4600, s28;
	[sflag:s5] =	ssyncadd.s32 $0xFFFFB000;
	s5 =	simm.s32 $0xE000  }
0x296: {  	[hbm4b:s9+s31] =	stream.strided.scatter [tilespmem:s5], [sflag:$0x8], $0x2800, s2, s31, $0x38;
	[tilespmem:$0x1D000] =	vst v63  }
0x297: {  	s30 =	simm.s32 $0x10800;
	s18 =	sadd.s32 $0x4700, s28;
	s9 =	simm.s32 $0x6  }
0x298: {  	[hbm4b:s18+s31] =	stream.strided.scatter [tilespmem:s30], [sflag:$0xD], $0x2800, s2, s31, $0x38;
	[tilespmem:$0x1D000] =	vst v63  }
0x299: {  	_ =	swait.ge [sflag:s9], $0x2800  }
0x29a: {  	[sflag:s9] =	ssyncset.done $0x0  }
0x29b: {  	[sflag:s9] =	ssyncadd.s32 $0xFFFFD800  }
0x29c: {  	_ =	swait.ge [sflag:s10], $0x2800  }
0x29d: {  	[sflag:s10] =	ssyncset.done $0x0  }
0x29e: {  	[sflag:s10] =	ssyncadd.s32 $0xFFFFD800  }
0x29f: {  	v3 =	vld [tilespmem:s29+$0xFFFFFEC0];
	_ =	sdelay $0x4  }
0x2a0: {  	v49 =	vshll.u32 v3, $0x1  }
0x2a1: {  	v3 =	vand.u32 $0x7, v3;
	v4 =	vand.u32 $0xFFFFFFF0, v49  }
0x2a2: {  	v3 =	vor.u32 v3, v4  }
0x2a3: {  	v4 =	vperm.xlane v3, v0;
	_ =	sdelay $0x1  }
0x2a4: {  	v3 =	vperm.xlane v3, v2;
	v4 =	vadd.s32 v1, v4;
	_ =	sdelay $0x1  }
0x2a5: {  	v3 =	vadd.s32 v1, v3;
	_ =	sdelay $0x2  }
0x2a6: {  	[tilespmem:s14], [sflag:$0x1] =	stream.indirect_vreg.gather [hbm4b:s1+s3], $0x80, v4, vm0, $0xb8;
	[tilespmem:$0x1D000] =	vst v63  }
0x2a7: {  	s14 =	simm.s32 $0x4800  }
0x2a8: {  	[tilespmem:s14], [sflag:$0x1] =	stream.indirect_vreg.gather [hbm4b:s1+s3], $0x80, v3, vm0, $0xb8;
	[tilespmem:$0x1D000] =	vst v63  }
0x2a9: {  	v3 =	vld [tilespmem:s29+$0xFFFFFED0];
	_ =	sdelay $0x4  }
0x2aa: {  	v50 =	vshll.u32 v3, $0x1  }
0x2ab: {  	v3 =	vand.u32 $0x7, v3;
	v4 =	vand.u32 $0xFFFFFFF0, v50  }
0x2ac: {  	v3 =	vor.u32 v3, v4  }
0x2ad: {  	v4 =	vperm.xlane v3, v0;
	_ =	sdelay $0x1  }
0x2ae: {  	v3 =	vperm.xlane v3, v2;
	v4 =	vadd.s32 v1, v4;
	_ =	sdelay $0x1  }
0x2af: {  	v3 =	vadd.s32 v1, v3;
	_ =	sdelay $0x1  }
0x2b0: {  	s18 =	simm.s32 $0x5000  }
0x2b1: {  	[tilespmem:s18], [sflag:$0x1] =	stream.indirect_vreg.gather [hbm4b:s1+s3], $0x80, v4, vm0, $0xb8;
	[tilespmem:$0x1D000] =	vst v63  }
0x2b2: {  	s18 =	simm.s32 $0x5800  }
0x2b3: {  	[tilespmem:s18], [sflag:$0x1] =	stream.indirect_vreg.gather [hbm4b:s1+s3], $0x80, v3, vm0, $0xb8;
	[tilespmem:$0x1D000] =	vst v63  }
0x2b4: {  	v3 =	vld [tilespmem:s29+$0xFFFFFEE0];
	_ =	sdelay $0x4  }
0x2b5: {  	v51 =	vshll.u32 v3, $0x1  }
0x2b6: {  	v3 =	vand.u32 $0x7, v3;
	v4 =	vand.u32 $0xFFFFFFF0, v51  }
0x2b7: {  	v3 =	vor.u32 v3, v4  }
0x2b8: {  	v4 =	vperm.xlane v3, v0;
	_ =	sdelay $0x1  }
0x2b9: {  	v3 =	vperm.xlane v3, v2;
	v4 =	vadd.s32 v1, v4;
	_ =	sdelay $0x1  }
0x2ba: {  	v3 =	vadd.s32 v1, v3;
	_ =	sdelay $0x1  }
0x2bb: {  	s18 =	simm.s32 $0x6000  }
0x2bc: {  	[tilespmem:s18], [sflag:$0x1] =	stream.indirect_vreg.gather [hbm4b:s1+s3], $0x80, v4, vm0, $0xb8;
	[tilespmem:$0x1D000] =	vst v63  }
0x2bd: {  	_ = 	snop  }
0x2be: {  	[tilespmem:s11], [sflag:$0x1] =	stream.indirect_vreg.gather [hbm4b:s1+s3], $0x80, v3, vm0, $0xb8;
	[tilespmem:$0x1D000] =	vst v63  }
0x2bf: {  	v3 =	vld [tilespmem:s29+$0xFFFFFEF0];
	_ =	sdelay $0x4  }
0x2c0: {  	v52 =	vshll.u32 v3, $0x1  }
0x2c1: {  	v3 =	vand.u32 $0x7, v3;
	v4 =	vand.u32 $0xFFFFFFF0, v52  }
0x2c2: {  	v3 =	vor.u32 v3, v4  }
0x2c3: {  	v4 =	vperm.xlane v3, v0;
	_ =	sdelay $0x1  }
0x2c4: {  	v3 =	vperm.xlane v3, v2;
	v4 =	vadd.s32 v1, v4;
	_ =	sdelay $0x1  }
0x2c5: {  	v3 =	vadd.s32 v1, v3;
	_ =	sdelay $0x1  }
0x2c6: {  	s11 =	simm.s32 $0x7000  }
0x2c7: {  	[tilespmem:s11], [sflag:$0x1] =	stream.indirect_vreg.gather [hbm4b:s1+s3], $0x80, v4, vm0, $0xb8;
	[tilespmem:$0x1D000] =	vst v63  }
0x2c8: {  	s0 =	simm.s32 $0x7800  }
0x2c9: {  	[tilespmem:s0], [sflag:$0x1] =	stream.indirect_vreg.gather [hbm4b:s1+s3], $0x80, v3, vm0, $0xb8;
	[tilespmem:$0x1D000] =	vst v63  }
0x2ca: {  	v3 =	vld [tilespmem:s29+$0xFFFFFF00];
	_ =	sdelay $0x4  }
0x2cb: {  	v53 =	vshll.u32 v3, $0x1  }
0x2cc: {  	v3 =	vand.u32 $0x7, v3;
	v4 =	vand.u32 $0xFFFFFFF0, v53  }
0x2cd: {  	v3 =	vor.u32 v3, v4  }
0x2ce: {  	v4 =	vperm.xlane v3, v0;
	_ =	sdelay $0x1  }
0x2cf: {  	v3 =	vperm.xlane v3, v2;
	v4 =	vadd.s32 v1, v4;
	_ =	sdelay $0x1  }
0x2d0: {  	v3 =	vadd.s32 v1, v3;
	_ =	sdelay $0x1  }
0x2d1: {  	s0 =	simm.s32 $0x8000  }
0x2d2: {  	[tilespmem:s0], [sflag:$0x1] =	stream.indirect_vreg.gather [hbm4b:s1+s3], $0x80, v4, vm0, $0xb8;
	[tilespmem:$0x1D000] =	vst v63  }
0x2d3: {  	s0 =	simm.s32 $0x8800  }
0x2d4: {  	[tilespmem:s0], [sflag:$0x1] =	stream.indirect_vreg.gather [hbm4b:s1+s3], $0x80, v3, vm0, $0xb8;
	[tilespmem:$0x1D000] =	vst v63  }
0x2d5: {  	_ =	swait.ge [sflag:s12], $0x5000  }
0x2d6: {  	[sflag:s12] =	ssyncset.done $0x0  }
0x2d7: {  	s0 =	sadd.s32 $0x5000, s28;
	[sflag:s12] =	ssyncadd.s32 $0xFFFFB000  }
0x2d8: {  	[hbm4b:s0+s31] =	stream.strided.scatter [tilespmem:s19], [sflag:$0x9], $0x2800, s2, s31, $0x38;
	[tilespmem:$0x1D000] =	vst v63  }
0x2d9: {  	s19 =	sadd.s32 $0x5100, s28  }
0x2da: {  	[hbm4b:s19+s31] =	stream.strided.scatter [tilespmem:s17], [sflag:$0xE], $0x2800, s2, s31, $0x38;
	[tilespmem:$0x1D000] =	vst v63  }
0x2db: {  	_ =	swait.ge [sflag:s13], $0x2800  }
0x2dc: {  	[sflag:s13] =	ssyncset.done $0x0  }
0x2dd: {  	[sflag:s13] =	ssyncadd.s32 $0xFFFFD800  }
0x2de: {  	_ =	swait.ge [sflag:s15], $0x2800  }
0x2df: {  	[sflag:s15] =	ssyncset.done $0x0  }
0x2e0: {  	[sflag:s15] =	ssyncadd.s32 $0xFFFFD800  }
0x2e1: {  	v3 =	vld [tilespmem:s29+$0xFFFFFF40];
	_ =	sdelay $0x4  }
0x2e2: {  	v54 =	vshll.u32 v3, $0x1  }
0x2e3: {  	v3 =	vand.u32 $0x7, v3;
	v4 =	vand.u32 $0xFFFFFFF0, v54  }
0x2e4: {  	v3 =	vor.u32 v3, v4  }
0x2e5: {  	v4 =	vperm.xlane v3, v0;
	_ =	sdelay $0x1  }
0x2e6: {  	v3 =	vperm.xlane v3, v2;
	v4 =	vadd.s32 v1, v4;
	_ =	sdelay $0x1  }
0x2e7: {  	v3 =	vadd.s32 v1, v3;
	_ =	sdelay $0x2  }
0x2e8: {  	[tilespmem:s25], [sflag:$0x2] =	stream.indirect_vreg.gather [hbm4b:s1+s3], $0x80, v4, vm0, $0xb8;
	[tilespmem:$0x1D000] =	vst v63  }
0x2e9: {  	s25 =	simm.s32 $0x9800  }
0x2ea: {  	[tilespmem:s25], [sflag:$0x2] =	stream.indirect_vreg.gather [hbm4b:s1+s3], $0x80, v3, vm0, $0xb8;
	[tilespmem:$0x1D000] =	vst v63  }
0x2eb: {  	v3 =	vld [tilespmem:s29+$0xFFFFFF50];
	_ =	sdelay $0x4  }
0x2ec: {  	v55 =	vshll.u32 v3, $0x1  }
0x2ed: {  	v3 =	vand.u32 $0x7, v3;
	v4 =	vand.u32 $0xFFFFFFF0, v55  }
0x2ee: {  	v3 =	vor.u32 v3, v4  }
0x2ef: {  	v4 =	vperm.xlane v3, v0;
	_ =	sdelay $0x1  }
0x2f0: {  	v3 =	vperm.xlane v3, v2;
	v4 =	vadd.s32 v1, v4;
	_ =	sdelay $0x1  }
0x2f1: {  	v3 =	vadd.s32 v1, v3;
	_ =	sdelay $0x1  }
0x2f2: {  	s17 =	simm.s32 $0xA000  }
0x2f3: {  	[tilespmem:s17], [sflag:$0x2] =	stream.indirect_vreg.gather [hbm4b:s1+s3], $0x80, v4, vm0, $0xb8;
	[tilespmem:$0x1D000] =	vst v63  }
0x2f4: {  	s25 =	simm.s32 $0xA800  }
0x2f5: {  	[tilespmem:s25], [sflag:$0x2] =	stream.indirect_vreg.gather [hbm4b:s1+s3], $0x80, v3, vm0, $0xb8;
	[tilespmem:$0x1D000] =	vst v63  }
0x2f6: {  	v3 =	vld [tilespmem:s29+$0xFFFFFF60];
	_ =	sdelay $0x4  }
0x2f7: {  	v56 =	vshll.u32 v3, $0x1  }
0x2f8: {  	v3 =	vand.u32 $0x7, v3;
	v4 =	vand.u32 $0xFFFFFFF0, v56  }
0x2f9: {  	v3 =	vor.u32 v3, v4  }
0x2fa: {  	v4 =	vperm.xlane v3, v0;
	_ =	sdelay $0x1  }
0x2fb: {  	v3 =	vperm.xlane v3, v2;
	v4 =	vadd.s32 v1, v4;
	_ =	sdelay $0x1  }
0x2fc: {  	v3 =	vadd.s32 v1, v3;
	_ =	sdelay $0x1  }
0x2fd: {  	s17 =	simm.s32 $0xB000  }
0x2fe: {  	[tilespmem:s17], [sflag:$0x2] =	stream.indirect_vreg.gather [hbm4b:s1+s3], $0x80, v4, vm0, $0xb8;
	[tilespmem:$0x1D000] =	vst v63  }
0x2ff: {  	_ = 	snop  }
0x300: {  	[tilespmem:s24], [sflag:$0x2] =	stream.indirect_vreg.gather [hbm4b:s1+s3], $0x80, v3, vm0, $0xb8;
	[tilespmem:$0x1D000] =	vst v63  }
0x301: {  	v3 =	vld [tilespmem:s29+$0xFFFFFF70];
	_ =	sdelay $0x4  }
0x302: {  	v57 =	vshll.u32 v3, $0x1  }
0x303: {  	v3 =	vand.u32 $0x7, v3;
	v4 =	vand.u32 $0xFFFFFFF0, v57  }
0x304: {  	v3 =	vor.u32 v3, v4  }
0x305: {  	v4 =	vperm.xlane v3, v0;
	_ =	sdelay $0x1  }
0x306: {  	v3 =	vperm.xlane v3, v2;
	v4 =	vadd.s32 v1, v4;
	_ =	sdelay $0x1  }
0x307: {  	v3 =	vadd.s32 v1, v3;
	_ =	sdelay $0x1  }
0x308: {  	s24 =	simm.s32 $0xC000  }
0x309: {  	[tilespmem:s24], [sflag:$0x2] =	stream.indirect_vreg.gather [hbm4b:s1+s3], $0x80, v4, vm0, $0xb8;
	[tilespmem:$0x1D000] =	vst v63  }
0x30a: {  	s17 =	simm.s32 $0xC800  }
0x30b: {  	[tilespmem:s17], [sflag:$0x2] =	stream.indirect_vreg.gather [hbm4b:s1+s3], $0x80, v3, vm0, $0xb8;
	[tilespmem:$0x1D000] =	vst v63  }
0x30c: {  	v3 =	vld [tilespmem:s29+$0xFFFFFF80];
	_ =	sdelay $0x4  }
0x30d: {  	v58 =	vshll.u32 v3, $0x1  }
0x30e: {  	v3 =	vand.u32 $0x7, v3;
	v4 =	vand.u32 $0xFFFFFFF0, v58  }
0x30f: {  	v3 =	vor.u32 v3, v4  }
0x310: {  	v4 =	vperm.xlane v3, v0;
	_ =	sdelay $0x1  }
0x311: {  	v3 =	vperm.xlane v3, v2;
	v4 =	vadd.s32 v1, v4;
	_ =	sdelay $0x1  }
0x312: {  	v3 =	vadd.s32 v1, v3;
	_ =	sdelay $0x1  }
0x313: {  	s24 =	simm.s32 $0xD000  }
0x314: {  	[tilespmem:s24], [sflag:$0x2] =	stream.indirect_vreg.gather [hbm4b:s1+s3], $0x80, v4, vm0, $0xb8;
	[tilespmem:$0x1D000] =	vst v63  }
0x315: {  	s17 =	simm.s32 $0xD800  }
0x316: {  	[tilespmem:s17], [sflag:$0x2] =	stream.indirect_vreg.gather [hbm4b:s1+s3], $0x80, v3, vm0, $0xb8;
	[tilespmem:$0x1D000] =	vst v63  }
0x317: {  	_ =	swait.ge [sflag:s16], $0x5000  }
0x318: {  	[sflag:s16] =	ssyncset.done $0x0  }
0x319: {  	s24 =	sadd.s32 $0x5A00, s28;
	[sflag:s16] =	ssyncadd.s32 $0xFFFFB000  }
0x31a: {  	[hbm4b:s24+s31] =	stream.strided.scatter [tilespmem:s7], [sflag:$0xA], $0x2800, s2, s31, $0x38;
	[tilespmem:$0x1D000] =	vst v63  }
0x31b: {  	s7 =	sadd.s32 $0x5B00, s28  }
0x31c: {  	[hbm4b:s7+s31] =	stream.strided.scatter [tilespmem:s8], [sflag:$0xF], $0x2800, s2, s31, $0x38;
	[tilespmem:$0x1D000] =	vst v63  }
0x31d: {  	_ =	swait.ge [sflag:s20], $0x2800  }
0x31e: {  	[sflag:s20] =	ssyncset.done $0x0  }
0x31f: {  	[sflag:s20] =	ssyncadd.s32 $0xFFFFD800  }
0x320: {  	_ =	swait.ge [sflag:s21], $0x2800  }
0x321: {  	[sflag:s21] =	ssyncset.done $0x0  }
0x322: {  	[sflag:s21] =	ssyncadd.s32 $0xFFFFD800  }
0x323: {  	v3 =	vld [tilespmem:s29+$0xFFFFFFC0];
	_ =	sdelay $0x4  }
0x324: {  	v59 =	vshll.u32 v3, $0x1  }
0x325: {  	v3 =	vand.u32 $0x7, v3;
	v4 =	vand.u32 $0xFFFFFFF0, v59  }
0x326: {  	v3 =	vor.u32 v3, v4  }
0x327: {  	v4 =	vperm.xlane v3, v0;
	_ =	sdelay $0x1  }
0x328: {  	v3 =	vperm.xlane v3, v2;
	v4 =	vadd.s32 v1, v4;
	_ =	sdelay $0x1  }
0x329: {  	v3 =	vadd.s32 v1, v3;
	_ =	sdelay $0x2  }
0x32a: {  	[tilespmem:s5], [sflag:$0x3] =	stream.indirect_vreg.gather [hbm4b:s1+s3], $0x80, v4, vm0, $0xb8;
	[tilespmem:$0x1D000] =	vst v63  }
0x32b: {  	s17 =	simm.s32 $0xE800  }
0x32c: {  	[tilespmem:s17], [sflag:$0x3] =	stream.indirect_vreg.gather [hbm4b:s1+s3], $0x80, v3, vm0, $0xb8;
	[tilespmem:$0x1D000] =	vst v63  }
0x32d: {  	v3 =	vld [tilespmem:s29+$0xFFFFFFD0];
	_ =	sdelay $0x4  }
0x32e: {  	v60 =	vshll.u32 v3, $0x1  }
0x32f: {  	v3 =	vand.u32 $0x7, v3;
	v4 =	vand.u32 $0xFFFFFFF0, v60  }
0x330: {  	v3 =	vor.u32 v3, v4  }
0x331: {  	v4 =	vperm.xlane v3, v0;
	_ =	sdelay $0x1  }
0x332: {  	v3 =	vperm.xlane v3, v2;
	v4 =	vadd.s32 v1, v4;
	_ =	sdelay $0x1  }
0x333: {  	v3 =	vadd.s32 v1, v3;
	_ =	sdelay $0x1  }
0x334: {  	s28 =	simm.s32 $0xF000  }
0x335: {  	[tilespmem:s28], [sflag:$0x3] =	stream.indirect_vreg.gather [hbm4b:s1+s3], $0x80, v4, vm0, $0xb8;
	[tilespmem:$0x1D000] =	vst v63  }
0x336: {  	s5 =	simm.s32 $0xF800  }
0x337: {  	[tilespmem:s5], [sflag:$0x3] =	stream.indirect_vreg.gather [hbm4b:s1+s3], $0x80, v3, vm0, $0xb8;
	[tilespmem:$0x1D000] =	vst v63  }
0x338: {  	v3 =	vld [tilespmem:s29+$0xFFFFFFE0];
	_ =	sdelay $0x4  }
0x339: {  	v61 =	vshll.u32 v3, $0x1  }
0x33a: {  	v3 =	vand.u32 $0x7, v3;
	v4 =	vand.u32 $0xFFFFFFF0, v61  }
0x33b: {  	v3 =	vor.u32 v3, v4  }
0x33c: {  	v4 =	vperm.xlane v3, v0;
	_ =	sdelay $0x1  }
0x33d: {  	v3 =	vperm.xlane v3, v2;
	v4 =	vadd.s32 v1, v4;
	_ =	sdelay $0x1  }
0x33e: {  	v3 =	vadd.s32 v1, v3;
	_ =	sdelay $0x1  }
0x33f: {  	s7 =	simm.s32 $0x10000  }
0x340: {  	[tilespmem:s7], [sflag:$0x3] =	stream.indirect_vreg.gather [hbm4b:s1+s3], $0x80, v4, vm0, $0xb8;
	[tilespmem:$0x1D000] =	vst v63  }
0x341: {  	_ = 	snop  }
0x342: {  	[tilespmem:s30], [sflag:$0x3] =	stream.indirect_vreg.gather [hbm4b:s1+s3], $0x80, v3, vm0, $0xb8;
	[tilespmem:$0x1D000] =	vst v63  }
0x343: {  	v3 =	vld [tilespmem:s29+$0xFFFFFFF0];
	_ =	sdelay $0x4  }
0x344: {  	v62 =	vshll.u32 v3, $0x1  }
0x345: {  	v3 =	vand.u32 $0x7, v3;
	v4 =	vand.u32 $0xFFFFFFF0, v62  }
0x346: {  	v3 =	vor.u32 v3, v4  }
0x347: {  	v4 =	vperm.xlane v3, v0;
	_ =	sdelay $0x1  }
0x348: {  	v3 =	vperm.xlane v3, v2;
	v4 =	vadd.s32 v1, v4;
	_ =	sdelay $0x1  }
0x349: {  	v3 =	vadd.s32 v1, v3;
	_ =	sdelay $0x1  }
0x34a: {  	s30 =	simm.s32 $0x11000  }
0x34b: {  	[tilespmem:s30], [sflag:$0x3] =	stream.indirect_vreg.gather [hbm4b:s1+s3], $0x80, v4, vm0, $0xb8;
	[tilespmem:$0x1D000] =	vst v63  }
0x34c: {  	s8 =	simm.s32 $0x11800  }
0x34d: {  	[tilespmem:s8], [sflag:$0x3] =	stream.indirect_vreg.gather [hbm4b:s1+s3], $0x80, v3, vm0, $0xb8;
	[tilespmem:$0x1D000] =	vst v63  }
0x34e: {  	v3 =	vld [tilespmem:s29+$0x0];
	_ =	sdelay $0x4  }
0x34f: {  	v63 =	vshll.u32 v3, $0x1  }
0x350: {  	v3 =	vand.u32 $0x7, v3;
	v4 =	vand.u32 $0xFFFFFFF0, v63  }
0x351: {  	v3 =	vor.u32 v3, v4  }
0x352: {  	v4 =	vperm.xlane v3, v0;
	_ =	sdelay $0x1  }
0x353: {  	v3 =	vperm.xlane v3, v2;
	v4 =	vadd.s32 v1, v4;
	_ =	sdelay $0x1  }
0x354: {  	p0 =	sne.s32 s6, $0x44C00;
	s6 =	sadd.s32 $0x3200, s6;
	s9 =	simm.s32 $0x4000;
	v3 =	vadd.s32 v1, v3  }
.Ltmp0:
0x355: {  	s18 =	simm.s32 $0x6800;
	s19 =	simm.s32 $0x9000;
	(pc) =	sbr.rel @p0 .LBB2_2-.Ltmp0, $4  }
0x356: {  	s25 =	simm.s32 $0xB800;
	s24 =	simm.s32 $0xE000;
	s17 =	simm.s32 $0x12000  }
0x357: {  	[tilespmem:s17], [sflag:$0x3] =	stream.indirect_vreg.gather [hbm4b:s1+s3], $0x80, v4, vm0, $0xb8;
	[tilespmem:$0x1D000] =	vst v63  }
0x358: {  	s28 =	simm.s32 $0x12800;
	s5 =	simm.s32 $0x10800;
	s29 =	sadd.s32 $0x280, s29  }
0x359: {  	[tilespmem:s28], [sflag:$0x3] =	stream.indirect_vreg.gather [hbm4b:s1+s3], $0x80, v3, vm0, $0xb8;
	[tilespmem:$0x1D000] =	vst v63  }
0x35a: {  	s0 =	simm.s32 $0x1  }
0x35b: {  	_ =	swait.ge [sflag:s0], $0x5000  }
0x35c: {  	[sflag:s0] =	ssyncset.done $0x0  }
0x35d: {  	s6 =	rddreg [dreg:$0x10];
	[sflag:s0] =	ssyncadd.s32 $0xFFFFB000  }
0x35e: {  	[hbm4b:s6+s31] =	stream.strided.scatter [tilespmem:s9], [sflag:$0x6], $0x2800, s2, s31, $0x38;
	[tilespmem:$0x1D000] =	vst v63  }
0x35f: {  	s7 =	rddreg [dreg:$0x11]  }
0x360: {  	[hbm4b:s7+s31] =	stream.strided.scatter [tilespmem:s18], [sflag:$0xB], $0x2800, s2, s31, $0x38;
	[tilespmem:$0x1D000] =	vst v63  }
0x361: {  	_ =	swait.ge [sflag:s22], $0x2800  }
0x362: {  	[sflag:s22] =	ssyncset.done $0x0  }
0x363: {  	[sflag:s22] =	ssyncadd.s32 $0xFFFFD800  }
0x364: {  	_ =	swait.ge [sflag:s23], $0x2800  }
0x365: {  	[sflag:s23] =	ssyncset.done $0x0  }
0x366: {  	[sflag:s23] =	ssyncadd.s32 $0xFFFFD800  }
0x367: {  	v3 =	vld [tilespmem:$0x3D80];
	_ =	sdelay $0x4  }
0x368: {  	v4 =	vshll.u32 v3, $0x1  }
0x369: {  	v3 =	vand.u32 $0x7, v3;
	v4 =	vand.u32 $0xFFFFFFF0, v4  }
0x36a: {  	v3 =	vor.u32 v3, v4  }
0x36b: {  	v4 =	vperm.xlane v3, v0;
	_ =	sdelay $0x1  }
0x36c: {  	v3 =	vperm.xlane v3, v2;
	v4 =	vadd.s32 v1, v4;
	_ =	sdelay $0x1  }
0x36d: {  	v3 =	vadd.s32 v1, v3;
	_ =	sdelay $0x1  }
0x36e: {  	s6 =	simm.s32 $0x13000  }
0x36f: {  	[tilespmem:s6], [sflag:$0x4] =	stream.indirect_vreg.gather [hbm4b:s1+s3], $0x80, v4, vm0, $0xb8;
	[tilespmem:$0x1D000] =	vst v63  }
0x370: {  	s8 =	simm.s32 $0x13800  }
0x371: {  	[tilespmem:s8], [sflag:$0x4] =	stream.indirect_vreg.gather [hbm4b:s1+s3], $0x80, v3, vm0, $0xb8;
	[tilespmem:$0x1D000] =	vst v63  }
0x372: {  	v3 =	vld [tilespmem:$0x3D90];
	_ =	sdelay $0x4  }
0x373: {  	v55 =	vshll.u32 v3, $0x1  }
0x374: {  	v3 =	vand.u32 $0x7, v3;
	v4 =	vand.u32 $0xFFFFFFF0, v55  }
0x375: {  	v3 =	vor.u32 v3, v4  }
0x376: {  	v4 =	vperm.xlane v3, v0;
	_ =	sdelay $0x1  }
0x377: {  	v3 =	vperm.xlane v3, v2;
	v4 =	vadd.s32 v1, v4;
	_ =	sdelay $0x1  }
0x378: {  	v3 =	vadd.s32 v1, v3;
	_ =	sdelay $0x1  }
0x379: {  	s9 =	simm.s32 $0x14000  }
0x37a: {  	[tilespmem:s9], [sflag:$0x4] =	stream.indirect_vreg.gather [hbm4b:s1+s3], $0x80, v4, vm0, $0xb8;
	[tilespmem:$0x1D000] =	vst v63  }
0x37b: {  	s17 =	simm.s32 $0x14800  }
0x37c: {  	[tilespmem:s17], [sflag:$0x4] =	stream.indirect_vreg.gather [hbm4b:s1+s3], $0x80, v3, vm0, $0xb8;
	[tilespmem:$0x1D000] =	vst v63  }
0x37d: {  	v3 =	vld [tilespmem:$0x3DA0];
	_ =	sdelay $0x4  }
0x37e: {  	v56 =	vshll.u32 v3, $0x1  }
0x37f: {  	v3 =	vand.u32 $0x7, v3;
	v4 =	vand.u32 $0xFFFFFFF0, v56  }
0x380: {  	v3 =	vor.u32 v3, v4  }
0x381: {  	v4 =	vperm.xlane v3, v0;
	_ =	sdelay $0x1  }
0x382: {  	v3 =	vperm.xlane v3, v2;
	v4 =	vadd.s32 v1, v4;
	_ =	sdelay $0x1  }
0x383: {  	v3 =	vadd.s32 v1, v3;
	_ =	sdelay $0x1  }
0x384: {  	s18 =	simm.s32 $0x15000  }
0x385: {  	[tilespmem:s18], [sflag:$0x4] =	stream.indirect_vreg.gather [hbm4b:s1+s3], $0x80, v4, vm0, $0xb8;
	[tilespmem:$0x1D000] =	vst v63  }
0x386: {  	s9 =	simm.s32 $0x15800  }
0x387: {  	[tilespmem:s9], [sflag:$0x4] =	stream.indirect_vreg.gather [hbm4b:s1+s3], $0x80, v3, vm0, $0xb8;
	[tilespmem:$0x1D000] =	vst v63  }
0x388: {  	v3 =	vld [tilespmem:$0x3DB0];
	_ =	sdelay $0x4  }
0x389: {  	v57 =	vshll.u32 v3, $0x1  }
0x38a: {  	v3 =	vand.u32 $0x7, v3;
	v4 =	vand.u32 $0xFFFFFFF0, v57  }
0x38b: {  	v3 =	vor.u32 v3, v4  }
0x38c: {  	v4 =	vperm.xlane v3, v0;
	_ =	sdelay $0x1  }
0x38d: {  	v3 =	vperm.xlane v3, v2;
	v4 =	vadd.s32 v1, v4;
	_ =	sdelay $0x1  }
0x38e: {  	v3 =	vadd.s32 v1, v3;
	_ =	sdelay $0x1  }
0x38f: {  	s29 =	simm.s32 $0x16000  }
0x390: {  	[tilespmem:s29], [sflag:$0x4] =	stream.indirect_vreg.gather [hbm4b:s1+s3], $0x80, v4, vm0, $0xb8;
	[tilespmem:$0x1D000] =	vst v63  }
0x391: {  	s7 =	simm.s32 $0x16800  }
0x392: {  	[tilespmem:s7], [sflag:$0x4] =	stream.indirect_vreg.gather [hbm4b:s1+s3], $0x80, v3, vm0, $0xb8;
	[tilespmem:$0x1D000] =	vst v63  }
0x393: {  	v3 =	vld [tilespmem:$0x3DC0];
	_ =	sdelay $0x4  }
0x394: {  	v58 =	vshll.u32 v3, $0x1  }
0x395: {  	v3 =	vand.u32 $0x7, v3;
	v4 =	vand.u32 $0xFFFFFFF0, v58  }
0x396: {  	v3 =	vor.u32 v3, v4  }
0x397: {  	v4 =	vperm.xlane v3, v0;
	_ =	sdelay $0x1  }
0x398: {  	v3 =	vperm.xlane v3, v2;
	v4 =	vadd.s32 v1, v4;
	_ =	sdelay $0x1  }
0x399: {  	v3 =	vadd.s32 v1, v3;
	_ =	sdelay $0x1  }
0x39a: {  	s8 =	simm.s32 $0x17000  }
0x39b: {  	[tilespmem:s8], [sflag:$0x4] =	stream.indirect_vreg.gather [hbm4b:s1+s3], $0x80, v4, vm0, $0xb8;
	[tilespmem:$0x1D000] =	vst v63  }
0x39c: {  	s17 =	simm.s32 $0x17800;
	s18 =	simm.s32 $0x2  }
0x39d: {  	[tilespmem:s17], [sflag:$0x4] =	stream.indirect_vreg.gather [hbm4b:s1+s3], $0x80, v3, vm0, $0xb8;
	[tilespmem:$0x1D000] =	vst v63  }
0x39e: {  	_ =	swait.ge [sflag:s18], $0x5000  }
0x39f: {  	[sflag:s18] =	ssyncset.done $0x0  }
0x3a0: {  	s29 =	rddreg [dreg:$0x12];
	[sflag:s18] =	ssyncadd.s32 $0xFFFFB000  }
0x3a1: {  	[hbm4b:s29+s31] =	stream.strided.scatter [tilespmem:s19], [sflag:$0x7], $0x2800, s2, s31, $0x38;
	[tilespmem:$0x1D000] =	vst v63  }
0x3a2: {  	s7 =	rddreg [dreg:$0x13]  }
0x3a3: {  	[hbm4b:s7+s31] =	stream.strided.scatter [tilespmem:s25], [sflag:$0xC], $0x2800, s2, s31, $0x38;
	[tilespmem:$0x1D000] =	vst v63  }
0x3a4: {  	_ =	swait.ge [sflag:s26], $0x2800  }
0x3a5: {  	[sflag:s26] =	ssyncset.done $0x0  }
0x3a6: {  	[sflag:s26] =	ssyncadd.s32 $0xFFFFD800  }
0x3a7: {  	_ =	swait.ge [sflag:s4], $0x2800  }
0x3a8: {  	[sflag:s4] =	ssyncset.done $0x0  }
0x3a9: {  	[sflag:s4] =	ssyncadd.s32 $0xFFFFD800  }
0x3aa: {  	v3 =	vld [tilespmem:$0x3E00];
	_ =	sdelay $0x4  }
0x3ab: {  	v59 =	vshll.u32 v3, $0x1  }
0x3ac: {  	v3 =	vand.u32 $0x7, v3;
	v4 =	vand.u32 $0xFFFFFFF0, v59  }
0x3ad: {  	v3 =	vor.u32 v3, v4  }
0x3ae: {  	v4 =	vperm.xlane v3, v0;
	_ =	sdelay $0x1  }
0x3af: {  	v3 =	vperm.xlane v3, v2;
	v4 =	vadd.s32 v1, v4;
	_ =	sdelay $0x1  }
0x3b0: {  	v3 =	vadd.s32 v1, v3;
	_ =	sdelay $0x1  }
0x3b1: {  	s7 =	simm.s32 $0x18000  }
0x3b2: {  	[tilespmem:s7], [sflag:$0x5] =	stream.indirect_vreg.gather [hbm4b:s1+s3], $0x80, v4, vm0, $0xb8;
	[tilespmem:$0x1D000] =	vst v63  }
0x3b3: {  	s8 =	simm.s32 $0x18800  }
0x3b4: {  	[tilespmem:s8], [sflag:$0x5] =	stream.indirect_vreg.gather [hbm4b:s1+s3], $0x80, v3, vm0, $0xb8;
	[tilespmem:$0x1D000] =	vst v63  }
0x3b5: {  	v3 =	vld [tilespmem:$0x3E10];
	_ =	sdelay $0x4  }
0x3b6: {  	v60 =	vshll.u32 v3, $0x1  }
0x3b7: {  	v3 =	vand.u32 $0x7, v3;
	v4 =	vand.u32 $0xFFFFFFF0, v60  }
0x3b8: {  	v3 =	vor.u32 v3, v4  }
0x3b9: {  	v4 =	vperm.xlane v3, v0;
	_ =	sdelay $0x1  }
0x3ba: {  	v3 =	vperm.xlane v3, v2;
	v4 =	vadd.s32 v1, v4;
	_ =	sdelay $0x1  }
0x3bb: {  	v3 =	vadd.s32 v1, v3;
	_ =	sdelay $0x1  }
0x3bc: {  	s17 =	simm.s32 $0x19000  }
0x3bd: {  	[tilespmem:s17], [sflag:$0x5] =	stream.indirect_vreg.gather [hbm4b:s1+s3], $0x80, v4, vm0, $0xb8;
	[tilespmem:$0x1D000] =	vst v63  }
0x3be: {  	s18 =	simm.s32 $0x19800  }
0x3bf: {  	[tilespmem:s18], [sflag:$0x5] =	stream.indirect_vreg.gather [hbm4b:s1+s3], $0x80, v3, vm0, $0xb8;
	[tilespmem:$0x1D000] =	vst v63  }
0x3c0: {  	v3 =	vld [tilespmem:$0x3E20];
	_ =	sdelay $0x4  }
0x3c1: {  	v61 =	vshll.u32 v3, $0x1  }
0x3c2: {  	v3 =	vand.u32 $0x7, v3;
	v4 =	vand.u32 $0xFFFFFFF0, v61  }
0x3c3: {  	v3 =	vor.u32 v3, v4  }
0x3c4: {  	v4 =	vperm.xlane v3, v0;
	_ =	sdelay $0x1  }
0x3c5: {  	v3 =	vperm.xlane v3, v2;
	v4 =	vadd.s32 v1, v4;
	_ =	sdelay $0x1  }
0x3c6: {  	v3 =	vadd.s32 v1, v3;
	_ =	sdelay $0x1  }
0x3c7: {  	s19 =	simm.s32 $0x1A000  }
0x3c8: {  	[tilespmem:s19], [sflag:$0x5] =	stream.indirect_vreg.gather [hbm4b:s1+s3], $0x80, v4, vm0, $0xb8;
	[tilespmem:$0x1D000] =	vst v63  }
0x3c9: {  	s8 =	simm.s32 $0x1A800  }
0x3ca: {  	[tilespmem:s8], [sflag:$0x5] =	stream.indirect_vreg.gather [hbm4b:s1+s3], $0x80, v3, vm0, $0xb8;
	[tilespmem:$0x1D000] =	vst v63  }
0x3cb: {  	v3 =	vld [tilespmem:$0x3E30];
	_ =	sdelay $0x4  }
0x3cc: {  	v62 =	vshll.u32 v3, $0x1  }
0x3cd: {  	v3 =	vand.u32 $0x7, v3;
	v4 =	vand.u32 $0xFFFFFFF0, v62  }
0x3ce: {  	v3 =	vor.u32 v3, v4  }
0x3cf: {  	v4 =	vperm.xlane v3, v0;
	_ =	sdelay $0x1  }
0x3d0: {  	v3 =	vperm.xlane v3, v2;
	v4 =	vadd.s32 v1, v4;
	_ =	sdelay $0x1  }
0x3d1: {  	v3 =	vadd.s32 v1, v3;
	_ =	sdelay $0x1  }
0x3d2: {  	s25 =	simm.s32 $0x1B000  }
0x3d3: {  	[tilespmem:s25], [sflag:$0x5] =	stream.indirect_vreg.gather [hbm4b:s1+s3], $0x80, v4, vm0, $0xb8;
	[tilespmem:$0x1D000] =	vst v63  }
0x3d4: {  	s29 =	simm.s32 $0x1B800  }
0x3d5: {  	[tilespmem:s29], [sflag:$0x5] =	stream.indirect_vreg.gather [hbm4b:s1+s3], $0x80, v3, vm0, $0xb8;
	[tilespmem:$0x1D000] =	vst v63  }
0x3d6: {  	v3 =	vld [tilespmem:$0x3E40];
	_ =	sdelay $0x4  }
0x3d7: {  	v63 =	vshll.u32 v3, $0x1  }
0x3d8: {  	v3 =	vand.u32 $0x7, v3;
	v4 =	vand.u32 $0xFFFFFFF0, v63  }
0x3d9: {  	v3 =	vor.u32 v3, v4  }
0x3da: {  	v4 =	vperm.xlane v3, v0;
	_ =	sdelay $0x1  }
0x3db: {  	v3 =	vperm.xlane v3, v2;
	v4 =	vadd.s32 v1, v4;
	_ =	sdelay $0x1  }
0x3dc: {  	v3 =	vadd.s32 v1, v3;
	_ =	sdelay $0x1  }
0x3dd: {  	s17 =	simm.s32 $0x1C000  }
0x3de: {  	[tilespmem:s17], [sflag:$0x5] =	stream.indirect_vreg.gather [hbm4b:s1+s3], $0x80, v4, vm0, $0xb8;
	[tilespmem:$0x1D000] =	vst v63  }
0x3df: {  	s18 =	simm.s32 $0x1C800;
	s19 =	simm.s32 $0x3  }
0x3e0: {  	[tilespmem:s18], [sflag:$0x5] =	stream.indirect_vreg.gather [hbm4b:s1+s3], $0x80, v3, vm0, $0xb8;
	[tilespmem:$0x1D000] =	vst v63  }
0x3e1: {  	_ =	swait.ge [sflag:s19], $0x5000  }
0x3e2: {  	[sflag:s19] =	ssyncset.done $0x0  }
0x3e3: {  	s25 =	rddreg [dreg:$0x14];
	[sflag:s19] =	ssyncadd.s32 $0xFFFFB000  }
0x3e4: {  	[hbm4b:s25+s31] =	stream.strided.scatter [tilespmem:s24], [sflag:$0x8], $0x2800, s2, s31, $0x38;
	[tilespmem:$0x1D000] =	vst v63  }
0x3e5: {  	s29 =	rddreg [dreg:$0x15]  }
0x3e6: {  	[hbm4b:s29+s31] =	stream.strided.scatter [tilespmem:s5], [sflag:$0xD], $0x2800, s2, s31, $0x38;
	[tilespmem:$0x1D000] =	vst v63  }
0x3e7: {  	_ =	swait.ge [sflag:s12], $0x5000  }
0x3e8: {  	[sflag:s12] =	ssyncset.done $0x0  }
0x3e9: {  	s5 =	rddreg [dreg:$0x16];
	[sflag:s12] =	ssyncadd.s32 $0xFFFFB000  }
0x3ea: {  	[hbm4b:s5+s31] =	stream.strided.scatter [tilespmem:s6], [sflag:$0x9], $0x2800, s2, s31, $0x38;
	[tilespmem:$0x1D000] =	vst v63  }
0x3eb: {  	s17 =	rddreg [dreg:$0x17]  }
0x3ec: {  	[hbm4b:s17+s31] =	stream.strided.scatter [tilespmem:s9], [sflag:$0xE], $0x2800, s2, s31, $0x38;
	[tilespmem:$0x1D000] =	vst v63  }
0x3ed: {  	_ =	swait.ge [sflag:s16], $0x5000  }
0x3ee: {  	[sflag:s16] =	ssyncset.done $0x0  }
0x3ef: {  	s18 =	rddreg [dreg:$0x18];
	[sflag:s16] =	ssyncadd.s32 $0xFFFFB000  }
0x3f0: {  	[hbm4b:s18+s31] =	stream.strided.scatter [tilespmem:s7], [sflag:$0xA], $0x2800, s2, s31, $0x38;
	[tilespmem:$0x1D000] =	vst v63  }
0x3f1: {  	s24 =	simm.s32 $0x6;
	s19 =	rddreg [dreg:$0x19]  }
0x3f2: {  	[hbm4b:s19+s31] =	stream.strided.scatter [tilespmem:s8], [sflag:$0xF], $0x2800, s2, s31, $0x38;
	[tilespmem:$0x1D000] =	vst v63  }
0x3f3: {  	_ =	swait.ge [sflag:s24], $0x2800  }
0x3f4: {  	[sflag:s24] =	ssyncset.done $0x0  }
0x3f5: {  	[sflag:s24] =	ssyncadd.s32 $0xFFFFD800  }
0x3f6: {  	_ =	swait.ge [sflag:s10], $0x2800  }
0x3f7: {  	[sflag:s10] =	ssyncset.done $0x0  }
0x3f8: {  	[sflag:s10] =	ssyncadd.s32 $0xFFFFD800  }
0x3f9: {  	_ =	swait.ge [sflag:s13], $0x2800  }
0x3fa: {  	[sflag:s13] =	ssyncset.done $0x0  }
0x3fb: {  	[sflag:s13] =	ssyncadd.s32 $0xFFFFD800  }
0x3fc: {  	_ =	swait.ge [sflag:s15], $0x2800  }
0x3fd: {  	[sflag:s15] =	ssyncset.done $0x0  }
0x3fe: {  	[sflag:s15] =	ssyncadd.s32 $0xFFFFD800  }
0x3ff: {  	_ =	swait.ge [sflag:s20], $0x2800  }
0x400: {  	[sflag:s20] =	ssyncset.done $0x0  }
0x401: {  	[sflag:s20] =	ssyncadd.s32 $0xFFFFD800  }
0x402: {  	_ =	swait.ge [sflag:s21], $0x2800  }
0x403: {  	[sflag:s21] =	ssyncset.done $0x0  }
0x404: {  	[sflag:s21] =	ssyncadd.s32 $0xFFFFD800  }
0x405: {  	_ =	swait.ge [sflag:s22], $0x2800  }
0x406: {  	[sflag:s22] =	ssyncset.done $0x0  }
0x407: {  	[sflag:s22] =	ssyncadd.s32 $0xFFFFD800  }
0x408: {  	_ =	swait.ge [sflag:s23], $0x2800  }
0x409: {  	[sflag:s23] =	ssyncset.done $0x0  }
0x40a: {  	[sflag:s23] =	ssyncadd.s32 $0xFFFFD800  }
0x40b: {  	_ =	swait.ge [sflag:s26], $0x2800  }
0x40c: {  	[sflag:s26] =	ssyncset.done $0x0  }
0x40d: {  	[sflag:s26] =	ssyncadd.s32 $0xFFFFD800  }
0x40e: {  	_ =	swait.ge [sflag:s4], $0x2800  }
0x40f: {  	s25 =	rddreg [dreg:$0x1b]  }
0x410: {  	s29 =	rddreg [dreg:$0x1a];
	s5 =	sadd.s32 $0x1, s25  }
0x411: {  	p0 =	sne.s32 s5, s29  }
.Ltmp1:
0x412: {  	_ = 	snop;
	(pc) =	sbr.rel @p0 .LBB2_1-.Ltmp1, $4  }
0x413: {  	_ = 	snop  }
0x414: {  	s28 =	simm.s32 $0x8800;
	s9 =	simm.s32 $0x5000  }
0x415: {  	s18 =	simm.s32 $0x7800;
	s19 =	simm.s32 $0x5800;
	[sflag:s4] =	ssyncset.done $0x0  }
0x416: {  	s24 =	simm.s32 $0x6000;
	[sflag:s4] =	ssyncadd.s32 $0xFFFFD800;
	s25 =	simm.s32 $0x8000  }
0x417: {  	_ =	sfence.sel $0x180000  }
0x418: {  	[bflag:$0x0] =	sbarrier.arrive $0xFFFF  }
0x419: {  	_ =	strace $0x90000047  }
0x41a: {  	s0 =	stileid.u32;
	[bflag:$0x2] =	sbarrier.arrive $0xFFFF  }
0x41b: {  	p0 =	sne.s32 s0, $0x0;
	s0 =	rddreg [dreg:$0x3]  }
0x41c: {  	s0 =	sadd.s32 @!p0 $0x100000, s0  }
0x41d: {  	[sflag:s0] =	ssyncadd.tile.s32 @!p0 $0x1;
	_ =	shalt  }
.Lfunc_end2:
_tile_overlayer_lowered:
.L_overlay_start_2:
0x41e: {  	(tag) =	ssettag $0x2  }
0x41f: {  	s0 =	rddreg [dreg:$0x0];
	s2 =	stileid.u32  }
0x420: {  	s1 =	rddreg [dreg:$0x1];
	p0 =	sne.s32 s2, $0x0  }
0x421: {  	s3 =	rddreg [dreg:$0x2];
	[bflag:$0x3] =	sbarrier.arrive $0xFFFF;
	s2 =	simm.s32 @!p0 $0x1C10  }
0x422: {  	[timem:s3], [sflag:s2] =	dma.local @!p0 [hbm:s0], s1  }
0x423: {  	s0 =	simm.s32 @!p0 $0x10  }
0x424: {  	_ =	swait.ge @!p0 [sflag:s0], s1  }
0x425: {  	s1 =	ssub.s32 @!p0 $0x0, s1;
	[sflag:s0] =	ssyncset.done @!p0 $0x0  }
0x426: {  	[sflag:s0] =	ssyncadd.s32 @!p0 s1  }
0x427: {  	[bflag:$0x3] =	sbarrier.arrive $0xFFFF  }
0x428: {  	_ =	shalt  }

</sc_bundles>
